<compile_context>
chip_gen: v7x
topology: tpu7x:2x2x1
jax: 0.10.2.dev20260603
libtpu: 0.0.44.dev20260713+nightly
codegen_flags: <defaults>
</compile_context>

<pallas_src>
import dataclasses
import functools

import jax
import jax.numpy as jnp
from jax import lax
from jax.experimental import pallas as pl
from jax.experimental.pallas import tpu as pltpu
from jax.experimental.pallas import tpu_sc as plsc

N = 10000
E = 320000
D = 128
H = 128
C = 16

NUM_CORES = 2
NUM_SUBCORES = 16
NUM_TILES = NUM_CORES * NUM_SUBCORES
ROW_BASE = 624

CHUNK = 128
NCHUNK = E // CHUNK
EROW = 2 * CHUNK


def _ceil_div(a, b):
    return (a + b - 1) // b


def _make_spmm():
    niter = _ceil_div(NCHUNK, NUM_TILES)
    nbodies = 2 * _ceil_div(niter + 1, 2)
    mesh = plsc.VectorSubcoreMesh(core_axis_name="c", subcore_axis_name="s")
    cp = pltpu.CompilerParams()
    if "needs_layout_passes" in pltpu.CompilerParams.__dataclass_fields__:
        cp = dataclasses.replace(cp, needs_layout_passes=False)

    @functools.partial(
        pl.kernel,
        out_type=jax.ShapeDtypeStruct((NUM_CORES, N, H), jnp.float32),
        mesh=mesh,
        compiler_params=cp,
        scratch_types=[
            pltpu.VMEM((2, CHUNK), jnp.int32),
            pltpu.VMEM((2, CHUNK), jnp.int32),
            pltpu.VMEM((2 * EROW,), jnp.int32),
            pltpu.VMEM((2, CHUNK, H), jnp.float32),
            pltpu.VMEM_SHARED((N, H), jnp.float32),
            pltpu.SemaphoreType.DMA,
            pltpu.SemaphoreType.DMA,
            pltpu.SemaphoreType.DMA,
            pltpu.SemaphoreType.DMA,
            pltpu.SemaphoreType.DMA,
            pltpu.SemaphoreType.DMA,
        ],
    )
    def spmm_kernel(x_hbm, edata_hbm, zeros_hbm, out_hbm,
                    colv, rowv, ebuf, gbuf, acc,
                    isem0, isem1, gsem0, gsem1, ssem0, ssem1):
        isem = (isem0, isem1)
        gsem = (gsem0, gsem1)
        ssem = (ssem0, ssem1)
        cid = lax.axis_index("c")
        sid = lax.axis_index("s")
        wid = sid * NUM_CORES + cid
        my_r0 = sid * ROW_BASE

        @pl.when(sid < NUM_SUBCORES - 1)
        def _zero_most():
            pltpu.sync_copy(zeros_hbm.at[pl.ds(0, ROW_BASE)],
                            acc.at[pl.ds(my_r0, ROW_BASE)])

        @pl.when(sid == NUM_SUBCORES - 1)
        def _zero_last():
            pltpu.sync_copy(zeros_hbm,
                            acc.at[pl.ds(15 * ROW_BASE, N - 15 * ROW_BASE)])

        plsc.subcore_barrier()

        def cond(i):
            return wid + i * NUM_TILES < NCHUNK

        def idx_copy(i, b):
            c = wid + i * NUM_TILES
            return (edata_hbm.at[pl.ds(c * EROW, EROW)],
                    ebuf.at[pl.ds(b * EROW, EROW)], isem[b])

        def gather_copy(b):
            return (x_hbm.at[colv.at[b]], gbuf.at[b], gsem[b])

        def scatter_copy(b):
            return (gbuf.at[b], acc.at[rowv.at[b]], ssem[b])

        def unpack(b):
            for j in range(CHUNK // 16):
                packed = ebuf[pl.ds(b * EROW + j * 16, 16)]
                colv[b, pl.ds(j * 16, 16)] = packed & 0xFFFF
                rowv[b, pl.ds(j * 16, 16)] = packed >> 16

        def scale(b):
            @plsc.parallel_loop(0, CHUNK, 1, unroll=8)
            def _scale(e):
                bits = plsc.load_gather(
                    ebuf,
                    [jnp.full((16,), b * EROW + CHUNK, jnp.int32) + e])
                val = plsc.bitcast(bits, jnp.float32)
                for j in range(H // 16):
                    sl = pl.ds(j * 16, 16)
                    gbuf[b, e, sl] = gbuf[b, e, sl] * val

        pltpu.sync_copy(*idx_copy(0, 0)[:2])
        unpack(0)
        pltpu.async_copy(*gather_copy(0))

        @pl.when(cond(1))
        def _pro_idx():
            pltpu.async_copy(*idx_copy(1, 1))

        @pl.loop(0, nbodies, step=2)
        def _outer(i0):
            for db in range(2):
                i = i0 + db
                b, nb = db, 1 - db

                @pl.when(jnp.logical_and(i >= 1, cond(i - 1)))
                def _wait_prev_scatter():
                    pltpu.make_async_copy(*scatter_copy(nb)).wait()

                @pl.when(cond(i + 1))
                def _stage_next():
                    pltpu.make_async_copy(*idx_copy(i + 1, nb)).wait()
                    unpack(nb)
                    pltpu.async_copy(*gather_copy(nb))

                @pl.when(cond(i))
                def _work():
                    pltpu.make_async_copy(*gather_copy(b)).wait()
                    pltpu.async_copy(*scatter_copy(b), add=True)

                @pl.when(cond(i + 2))
                def _prefetch_idx():
                    pltpu.async_copy(*idx_copy(i + 2, b))

        plsc.subcore_barrier()

        @pl.when(sid < NUM_SUBCORES - 1)
        def _out_most():
            pltpu.sync_copy(acc.at[pl.ds(my_r0, ROW_BASE)],
                            out_hbm.at[cid].at[pl.ds(my_r0, ROW_BASE)])

        @pl.when(sid == NUM_SUBCORES - 1)
        def _out_last():
            r0 = 15 * ROW_BASE
            pltpu.sync_copy(acc.at[pl.ds(r0, N - r0)],
                            out_hbm.at[cid].at[pl.ds(r0, N - r0)])

    return spmm_kernel


_spmm = _make_spmm()


def _mm1_pack_kernel(x_ref, w_ref, ei_ref, adj_ref, o_ref, e_ref):
    o_ref[...] = jnp.dot(x_ref[...], w_ref[...],
                         preferred_element_type=jnp.float32)
    packed = jnp.left_shift(ei_ref[0], 16) | ei_ref[1]
    bits = lax.bitcast_convert_type(adj_ref[...], jnp.int32)
    e_ref[...] = jnp.concatenate(
        [packed.reshape(NCHUNK, CHUNK), bits.reshape(NCHUNK, CHUNK)],
        axis=1).reshape(NCHUNK * EROW)


def _relu_kernel(p_ref, b1_ref, o_ref):
    o_ref[...] = jnp.maximum(p_ref[0] + p_ref[1] + b1_ref[...], 0.0)


def _final_kernel(p_ref, w_ref, b2_ref, out_ref):
    z = p_ref[0] + p_ref[1]
    o = jnp.dot(z, w_ref[...], preferred_element_type=jnp.float32)
    o = o + b2_ref[...]
    m = jnp.max(o, axis=1, keepdims=True)
    e = jnp.exp(o - m)
    lse = jnp.log(jnp.sum(e, axis=1, keepdims=True)) + m
    out_ref[...] = o - lse


def kernel(data, edge_index, adj_values, W1, b1, W2, b2):
    zeros = jnp.zeros((N - 15 * ROW_BASE, H), jnp.float32)

    s1, edata = pl.pallas_call(
        _mm1_pack_kernel,
        out_shape=(jax.ShapeDtypeStruct((N, H), jnp.float32),
                   jax.ShapeDtypeStruct((NCHUNK * EROW,), jnp.int32)),
    )(data, W1, edge_index, adj_values)

    part1 = _spmm(s1, edata, zeros)

    h = pl.pallas_call(
        _relu_kernel,
        out_shape=jax.ShapeDtypeStruct((N, H), jnp.float32),
    )(part1, b1[None, :])

    part2 = _spmm(h, edata, zeros)

    return pl.pallas_call(
        _final_kernel,
        out_shape=jax.ShapeDtypeStruct((N, C), jnp.float32),
    )(part2, W2, b2[None, :])

# --- scband reference (transcript-rebuilt; emitter-appended) ---
"""Pipeline reference for scband-method-gcn-class-74414603370819 (READ-ONLY COPY).

The authoritative reference and input builder live on the scoring server;
editing this copy changes nothing except your own understanding.
"""

import jax, jax.numpy as jnp
import numpy as np

N = 10000
E = 320000
D = 128
H = 128
C = 16


def setup_inputs(seed: int = 0) -> dict:
    key = jax.random.key(seed)
    k1, k2, k3, k4, k5 = jax.random.split(key, 5)
    data = jax.random.normal(k1, (N, D), dtype=jnp.float32)
    edge_index = jax.random.randint(k2, (2, E), 0, N, dtype=jnp.int32)
    adj_values = jax.random.uniform(k3, (E,), dtype=jnp.float32)
    # params per init_kwargs (nn.init.uniform_ for weights, zeros for bias)
    W1 = jax.random.uniform(k4, (D, H), dtype=jnp.float32)
    b1 = jnp.zeros((H,), dtype=jnp.float32)
    W2 = jax.random.uniform(k5, (H, C), dtype=jnp.float32)
    b2 = jnp.zeros((C,), dtype=jnp.float32)
    return {"data": data, "edge_index": edge_index, "adj_values": adj_values,
            "W1": W1, "b1": b1, "W2": W2, "b2": b2}


def reference(data, edge_index, adj_values, W1, b1, W2, b2):
    # Faithful 2-layer GCN: support = X @ W; out = sparse_adj @ support + b
    n = data.shape[0]
    row = edge_index[0]
    col = edge_index[1]

    def spmm(x):
        # sparse.mm(adj, x): out[row] += adj_values * x[col]
        return jnp.zeros((n, x.shape[1]), dtype=x.dtype).at[row].add(
            adj_values[:, None] * x[col])

    s1 = data @ W1
    h = spmm(s1) + b1
    h = jax.nn.relu(h)
    # dropout p=0.0 (and eval mode) -> identity
    s2 = h @ W2
    o = spmm(s2) + b2
    return jax.nn.log_softmax(o, axis=1)

if __name__ == "__main__":
    import jax
    _d = setup_inputs()
    print(jax.jit(kernel)(*tuple(_d.values())))

</pallas_src>

<mosaic_0001>
#map = affine_map<(d0, d1) -> (0, 0)>
#map1 = affine_map<(d0, d1) -> (0)>
#map2 = affine_map<(d0, d1) -> (0, 0, 0)>
module attributes {stable_mosaic.version = 14 : i64} {
  func.func @spmm_kernel(%arg0: i32, %arg1: i32, %arg2: memref<10000x128xf32, #tpu.memory_space<hbm>>, %arg3: memref<640000xi32, #tpu.memory_space<hbm>>, %arg4: memref<640x128xf32, #tpu.memory_space<hbm>>, %arg5: memref<2x10000x128xf32, #tpu.memory_space<hbm>>, %arg6: memref<2x128xi32, #tpu.memory_space<vmem>>, %arg7: memref<2x128xi32, #tpu.memory_space<vmem>>, %arg8: memref<512xi32, #tpu.memory_space<vmem>>, %arg9: memref<2x128x128xf32, #tpu.memory_space<vmem>>, %arg10: memref<10000x128xf32, #tpu.memory_space<vmem_shared>>, %arg11: memref<!tpu.dma_semaphore, #tpu.memory_space<semaphore_mem>>, %arg12: memref<!tpu.dma_semaphore, #tpu.memory_space<semaphore_mem>>, %arg13: memref<!tpu.dma_semaphore, #tpu.memory_space<semaphore_mem>>, %arg14: memref<!tpu.dma_semaphore, #tpu.memory_space<semaphore_mem>>, %arg15: memref<!tpu.dma_semaphore, #tpu.memory_space<semaphore_mem>>, %arg16: memref<!tpu.dma_semaphore, #tpu.memory_space<semaphore_mem>>) attributes {dimension_semantics = [#tpu.dimension_semantics<core_parallel>, #tpu.dimension_semantics<subcore_parallel>], iteration_bounds = array<i64: 2, 16>, scalar_prefetch = 0 : i64, scratch_operands = 11 : i64, tpu.core_type = #tpu.core_type<sc_vector_subcore>, window_params = [{transform_indices = #map}, {transform_indices = #map1}, {transform_indices = #map}, {transform_indices = #map2}]} {
    %mul3A = arith.constant 2 : i32
    %mul3A_0 = arith.muli %arg1, %mul3A : i32
    %add3A = arith.addi %mul3A_0, %arg0 : i32
    %mul3A_1 = arith.constant 624 : i32
    %mul3A_2 = arith.muli %arg1, %mul3A_1 : i32
    %lt3A = arith.constant 15 : i32
    %lt3A_3 = arith.cmpi slt, %arg1, %lt3A : i32
    %convert_element_type3A = arith.extui %lt3A_3 : i1 to i32
    %cond3A = arith.constant 0 : i32
    %cond3A_4 = arith.cmpi ne, %convert_element_type3A, %cond3A : i32
    scf.if %cond3A_4 {
      "tpu.region"() ({
        %run_scoped3A = tpu.sem_alloc : memref<!tpu.dma_semaphore, #tpu.memory_space<semaphore_mem>>
        %dma_start3A_170 = arith.constant 0 : i32
        %dma_start3A_171 = tpu.memref_slice %arg10[%mul3A_2, %dma_start3A_170] : memref<10000x128xf32, #tpu.memory_space<vmem_shared>> -> memref<624x128xf32, #tpu.memory_space<vmem_shared>>
        %dma_start3A_172 = arith.constant 0 : i32
        %dma_start3A_173 = arith.constant 0 : i32
        %dma_start3A_174 = tpu.memref_slice %arg4[%dma_start3A_172, %dma_start3A_173] : memref<640x128xf32, #tpu.memory_space<hbm>> -> memref<624x128xf32, #tpu.memory_space<hbm>>
        tpu.enqueue_dma source(%dma_start3A_174 : memref<624x128xf32, #tpu.memory_space<hbm>>) target(%dma_start3A_171 : memref<624x128xf32, #tpu.memory_space<vmem_shared>>) target_semaphore(%run_scoped3A : memref<!tpu.dma_semaphore, #tpu.memory_space<semaphore_mem>>)
        %dma_wait3A = arith.constant 0 : i32
        %dma_wait3A_175 = tpu.memref_slice %arg10[%mul3A_2, %dma_wait3A] : memref<10000x128xf32, #tpu.memory_space<vmem_shared>> -> memref<624x128xf32, #tpu.memory_space<vmem_shared>>
        %dma_wait3A_176 = arith.constant 0 : i32
        %dma_wait3A_177 = arith.constant 0 : i32
        %dma_wait3A_178 = tpu.memref_slice %arg4[%dma_wait3A_176, %dma_wait3A_177] : memref<640x128xf32, #tpu.memory_space<hbm>> -> memref<624x128xf32, #tpu.memory_space<hbm>>
        tpu.wait_dma2 semaphore(%run_scoped3A : memref<!tpu.dma_semaphore, #tpu.memory_space<semaphore_mem>>) src(%dma_wait3A_178 : memref<624x128xf32, #tpu.memory_space<hbm>>) dst(%dma_wait3A_175 : memref<624x128xf32, #tpu.memory_space<vmem_shared>>)
        tpu.yield
      }) : () -> ()
    } else {
    }
    %eq3A = arith.constant 15 : i32
    %eq3A_5 = arith.cmpi eq, %arg1, %eq3A : i32
    %convert_element_type3A_6 = arith.extui %eq3A_5 : i1 to i32
    %cond3A_7 = arith.constant 0 : i32
    %cond3A_8 = arith.cmpi ne, %convert_element_type3A_6, %cond3A_7 : i32
    scf.if %cond3A_8 {
      "tpu.region"() ({
        %run_scoped3A = tpu.sem_alloc : memref<!tpu.dma_semaphore, #tpu.memory_space<semaphore_mem>>
        %dma_start3A_170 = arith.constant 9360 : i32
        %dma_start3A_171 = arith.constant 0 : i32
        %dma_start3A_172 = tpu.memref_slice %arg10[%dma_start3A_170, %dma_start3A_171] : memref<10000x128xf32, #tpu.memory_space<vmem_shared>> -> memref<640x128xf32, #tpu.memory_space<vmem_shared>>
        tpu.enqueue_dma source(%arg4 : memref<640x128xf32, #tpu.memory_space<hbm>>) target(%dma_start3A_172 : memref<640x128xf32, #tpu.memory_space<vmem_shared>>) target_semaphore(%run_scoped3A : memref<!tpu.dma_semaphore, #tpu.memory_space<semaphore_mem>>)
        %dma_wait3A = arith.constant 9360 : i32
        %dma_wait3A_173 = arith.constant 0 : i32
        %dma_wait3A_174 = tpu.memref_slice %arg10[%dma_wait3A, %dma_wait3A_173] : memref<10000x128xf32, #tpu.memory_space<vmem_shared>> -> memref<640x128xf32, #tpu.memory_space<vmem_shared>>
        tpu.wait_dma2 semaphore(%run_scoped3A : memref<!tpu.dma_semaphore, #tpu.memory_space<semaphore_mem>>) src(%arg4 : memref<640x128xf32, #tpu.memory_space<hbm>>) dst(%dma_wait3A_174 : memref<640x128xf32, #tpu.memory_space<vmem_shared>>)
        tpu.yield
      }) : () -> ()
    } else {
    }
    %barrier3A = arith.constant 0 : index
    tpu.barrier barrier_id(%barrier3A)
    %add3A_9 = arith.constant 0 : i32
    %add3A_10 = arith.addi %add3A, %add3A_9 : i32
    %mul3A_11 = arith.constant 256 : i32
    %mul3A_12 = arith.muli %add3A_10, %mul3A_11 : i32
    "tpu.region"() ({
      %run_scoped3A = tpu.sem_alloc : memref<!tpu.dma_semaphore, #tpu.memory_space<semaphore_mem>>
      %dma_start3A_170 = arith.constant 0 : i32
      %dma_start3A_171 = tpu.memref_slice %arg8[%dma_start3A_170] : memref<512xi32, #tpu.memory_space<vmem>> -> memref<256xi32, #tpu.memory_space<vmem>>
      %dma_start3A_172 = tpu.memref_slice %arg3[%mul3A_12] : memref<640000xi32, #tpu.memory_space<hbm>> -> memref<256xi32, #tpu.memory_space<hbm>>
      %dma_start3A_173 = arith.constant 0 : i32
      %dma_start3A_174 = tpu.memref_slice %arg8[%dma_start3A_173] : memref<512xi32, #tpu.memory_space<vmem>> -> memref<256xi32, #tpu.memory_space<vmem>>
      %dma_start3A_175 = tpu.memref_slice %arg3[%mul3A_12] : memref<640000xi32, #tpu.memory_space<hbm>> -> memref<256xi32, #tpu.memory_space<hbm>>
      tpu.enqueue_dma source(%dma_start3A_175 : memref<256xi32, #tpu.memory_space<hbm>>) target(%dma_start3A_174 : memref<256xi32, #tpu.memory_space<vmem>>) target_semaphore(%run_scoped3A : memref<!tpu.dma_semaphore, #tpu.memory_space<semaphore_mem>>)
      %dma_wait3A = arith.constant 0 : i32
      %dma_wait3A_176 = tpu.memref_slice %arg8[%dma_wait3A] : memref<512xi32, #tpu.memory_space<vmem>> -> memref<256xi32, #tpu.memory_space<vmem>>
      %dma_wait3A_177 = tpu.memref_slice %arg3[%mul3A_12] : memref<640000xi32, #tpu.memory_space<hbm>> -> memref<256xi32, #tpu.memory_space<hbm>>
      %dma_wait3A_178 = arith.constant 0 : i32
      %dma_wait3A_179 = tpu.memref_slice %arg8[%dma_wait3A_178] : memref<512xi32, #tpu.memory_space<vmem>> -> memref<256xi32, #tpu.memory_space<vmem>>
      %dma_wait3A_180 = tpu.memref_slice %arg3[%mul3A_12] : memref<640000xi32, #tpu.memory_space<hbm>> -> memref<256xi32, #tpu.memory_space<hbm>>
      tpu.wait_dma2 semaphore(%run_scoped3A : memref<!tpu.dma_semaphore, #tpu.memory_space<semaphore_mem>>) src(%dma_wait3A_180 : memref<256xi32, #tpu.memory_space<hbm>>) dst(%dma_wait3A_179 : memref<256xi32, #tpu.memory_space<vmem>>)
      tpu.yield
    }) : () -> ()
    %get3A = arith.constant 0 : index
    %get3A_13 = tpu.vector_load %arg8[%get3A] {strides = array<i32>} : memref<512xi32, #tpu.memory_space<vmem>>, vector<16xi32>,
    %and3A = arith.constant 65535 : i32
    %and3A_14 = vector.broadcast %and3A : i32 to vector<16xi32>
    %and3A_15 = arith.andi %get3A_13, %and3A_14 : vector<16xi32>
    %swap3A = arith.constant 0 : i32
    %swap3A_16 = arith.index_cast %swap3A : i32 to index
    %swap3A_17 = arith.constant 0 : index
    %swap3A_18 = tpu.vector_load %arg6[%swap3A_16, %swap3A_17] {strides = array<i32>} : memref<2x128xi32, #tpu.memory_space<vmem>>, vector<16xi32>,
    tpu.vector_store %arg6[%swap3A_16, %swap3A_17], %and3A_15 {strides = array<i32>} : memref<2x128xi32, #tpu.memory_space<vmem>>, vector<16xi32>,
    %shift_right_arithmetic3A = arith.constant 16 : i32
    %shift_right_arithmetic3A_19 = vector.broadcast %shift_right_arithmetic3A : i32 to vector<16xi32>
    %shift_right_arithmetic3A_20 = arith.shrsi %get3A_13, %shift_right_arithmetic3A_19 : vector<16xi32>
    %swap3A_21 = arith.constant 0 : i32
    %swap3A_22 = arith.index_cast %swap3A_21 : i32 to index
    %swap3A_23 = arith.constant 0 : index
    %swap3A_24 = tpu.vector_load %arg7[%swap3A_22, %swap3A_23] {strides = array<i32>} : memref<2x128xi32, #tpu.memory_space<vmem>>, vector<16xi32>,
    tpu.vector_store %arg7[%swap3A_22, %swap3A_23], %shift_right_arithmetic3A_20 {strides = array<i32>} : memref<2x128xi32, #tpu.memory_space<vmem>>, vector<16xi32>,
    %get3A_25 = arith.constant 16 : index
    %get3A_26 = tpu.vector_load %arg8[%get3A_25] {strides = array<i32>} : memref<512xi32, #tpu.memory_space<vmem>>, vector<16xi32>,
    %and3A_27 = arith.constant 65535 : i32
    %and3A_28 = vector.broadcast %and3A_27 : i32 to vector<16xi32>
    %and3A_29 = arith.andi %get3A_26, %and3A_28 : vector<16xi32>
    %swap3A_30 = arith.constant 0 : i32
    %swap3A_31 = arith.index_cast %swap3A_30 : i32 to index
    %swap3A_32 = arith.constant 16 : index
    %swap3A_33 = tpu.vector_load %arg6[%swap3A_31, %swap3A_32] {strides = array<i32>} : memref<2x128xi32, #tpu.memory_space<vmem>>, vector<16xi32>,
    tpu.vector_store %arg6[%swap3A_31, %swap3A_32], %and3A_29 {strides = array<i32>} : memref<2x128xi32, #tpu.memory_space<vmem>>, vector<16xi32>,
    %shift_right_arithmetic3A_34 = arith.constant 16 : i32
    %shift_right_arithmetic3A_35 = vector.broadcast %shift_right_arithmetic3A_34 : i32 to vector<16xi32>
    %shift_right_arithmetic3A_36 = arith.shrsi %get3A_26, %shift_right_arithmetic3A_35 : vector<16xi32>
    %swap3A_37 = arith.constant 0 : i32
    %swap3A_38 = arith.index_cast %swap3A_37 : i32 to index
    %swap3A_39 = arith.constant 16 : index
    %swap3A_40 = tpu.vector_load %arg7[%swap3A_38, %swap3A_39] {strides = array<i32>} : memref<2x128xi32, #tpu.memory_space<vmem>>, vector<16xi32>,
    tpu.vector_store %arg7[%swap3A_38, %swap3A_39], %shift_right_arithmetic3A_36 {strides = array<i32>} : memref<2x128xi32, #tpu.memory_space<vmem>>, vector<16xi32>,
    %get3A_41 = arith.constant 32 : index
    %get3A_42 = tpu.vector_load %arg8[%get3A_41] {strides = array<i32>} : memref<512xi32, #tpu.memory_space<vmem>>, vector<16xi32>,
    %and3A_43 = arith.constant 65535 : i32
    %and3A_44 = vector.broadcast %and3A_43 : i32 to vector<16xi32>
    %and3A_45 = arith.andi %get3A_42, %and3A_44 : vector<16xi32>
    %swap3A_46 = arith.constant 0 : i32
    %swap3A_47 = arith.index_cast %swap3A_46 : i32 to index
    %swap3A_48 = arith.constant 32 : index
    %swap3A_49 = tpu.vector_load %arg6[%swap3A_47, %swap3A_48] {strides = array<i32>} : memref<2x128xi32, #tpu.memory_space<vmem>>, vector<16xi32>,
    tpu.vector_store %arg6[%swap3A_47, %swap3A_48], %and3A_45 {strides = array<i32>} : memref<2x128xi32, #tpu.memory_space<vmem>>, vector<16xi32>,
    %shift_right_arithmetic3A_50 = arith.constant 16 : i32
    %shift_right_arithmetic3A_51 = vector.broadcast %shift_right_arithmetic3A_50 : i32 to vector<16xi32>
    %shift_right_arithmetic3A_52 = arith.shrsi %get3A_42, %shift_right_arithmetic3A_51 : vector<16xi32>
    %swap3A_53 = arith.constant 0 : i32
    %swap3A_54 = arith.index_cast %swap3A_53 : i32 to index
    %swap3A_55 = arith.constant 32 : index
    %swap3A_56 = tpu.vector_load %arg7[%swap3A_54, %swap3A_55] {strides = array<i32>} : memref<2x128xi32, #tpu.memory_space<vmem>>, vector<16xi32>,
    tpu.vector_store %arg7[%swap3A_54, %swap3A_55], %shift_right_arithmetic3A_52 {strides = array<i32>} : memref<2x128xi32, #tpu.memory_space<vmem>>, vector<16xi32>,
    %get3A_57 = arith.constant 48 : index
    %get3A_58 = tpu.vector_load %arg8[%get3A_57] {strides = array<i32>} : memref<512xi32, #tpu.memory_space<vmem>>, vector<16xi32>,
    %and3A_59 = arith.constant 65535 : i32
    %and3A_60 = vector.broadcast %and3A_59 : i32 to vector<16xi32>
    %and3A_61 = arith.andi %get3A_58, %and3A_60 : vector<16xi32>
    %swap3A_62 = arith.constant 0 : i32
    %swap3A_63 = arith.index_cast %swap3A_62 : i32 to index
    %swap3A_64 = arith.constant 48 : index
    %swap3A_65 = tpu.vector_load %arg6[%swap3A_63, %swap3A_64] {strides = array<i32>} : memref<2x128xi32, #tpu.memory_space<vmem>>, vector<16xi32>,
    tpu.vector_store %arg6[%swap3A_63, %swap3A_64], %and3A_61 {strides = array<i32>} : memref<2x128xi32, #tpu.memory_space<vmem>>, vector<16xi32>,
    %shift_right_arithmetic3A_66 = arith.constant 16 : i32
    %shift_right_arithmetic3A_67 = vector.broadcast %shift_right_arithmetic3A_66 : i32 to vector<16xi32>
    %shift_right_arithmetic3A_68 = arith.shrsi %get3A_58, %shift_right_arithmetic3A_67 : vector<16xi32>
    %swap3A_69 = arith.constant 0 : i32
    %swap3A_70 = arith.index_cast %swap3A_69 : i32 to index
    %swap3A_71 = arith.constant 48 : index
    %swap3A_72 = tpu.vector_load %arg7[%swap3A_70, %swap3A_71] {strides = array<i32>} : memref<2x128xi32, #tpu.memory_space<vmem>>, vector<16xi32>,
    tpu.vector_store %arg7[%swap3A_70, %swap3A_71], %shift_right_arithmetic3A_68 {strides = array<i32>} : memref<2x128xi32, #tpu.memory_space<vmem>>, vector<16xi32>,
    %get3A_73 = arith.constant 64 : index
    %get3A_74 = tpu.vector_load %arg8[%get3A_73] {strides = array<i32>} : memref<512xi32, #tpu.memory_space<vmem>>, vector<16xi32>,
    %and3A_75 = arith.constant 65535 : i32
    %and3A_76 = vector.broadcast %and3A_75 : i32 to vector<16xi32>
    %and3A_77 = arith.andi %get3A_74, %and3A_76 : vector<16xi32>
    %swap3A_78 = arith.constant 0 : i32
    %swap3A_79 = arith.index_cast %swap3A_78 : i32 to index
    %swap3A_80 = arith.constant 64 : index
    %swap3A_81 = tpu.vector_load %arg6[%swap3A_79, %swap3A_80] {strides = array<i32>} : memref<2x128xi32, #tpu.memory_space<vmem>>, vector<16xi32>,
    tpu.vector_store %arg6[%swap3A_79, %swap3A_80], %and3A_77 {strides = array<i32>} : memref<2x128xi32, #tpu.memory_space<vmem>>, vector<16xi32>,
    %shift_right_arithmetic3A_82 = arith.constant 16 : i32
    %shift_right_arithmetic3A_83 = vector.broadcast %shift_right_arithmetic3A_82 : i32 to vector<16xi32>
    %shift_right_arithmetic3A_84 = arith.shrsi %get3A_74, %shift_right_arithmetic3A_83 : vector<16xi32>
    %swap3A_85 = arith.constant 0 : i32
    %swap3A_86 = arith.index_cast %swap3A_85 : i32 to index
    %swap3A_87 = arith.constant 64 : index
    %swap3A_88 = tpu.vector_load %arg7[%swap3A_86, %swap3A_87] {strides = array<i32>} : memref<2x128xi32, #tpu.memory_space<vmem>>, vector<16xi32>,
    tpu.vector_store %arg7[%swap3A_86, %swap3A_87], %shift_right_arithmetic3A_84 {strides = array<i32>} : memref<2x128xi32, #tpu.memory_space<vmem>>, vector<16xi32>,
    %get3A_89 = arith.constant 80 : index
    %get3A_90 = tpu.vector_load %arg8[%get3A_89] {strides = array<i32>} : memref<512xi32, #tpu.memory_space<vmem>>, vector<16xi32>,
    %and3A_91 = arith.constant 65535 : i32
    %and3A_92 = vector.broadcast %and3A_91 : i32 to vector<16xi32>
    %and3A_93 = arith.andi %get3A_90, %and3A_92 : vector<16xi32>
    %swap3A_94 = arith.constant 0 : i32
    %swap3A_95 = arith.index_cast %swap3A_94 : i32 to index
    %swap3A_96 = arith.constant 80 : index
    %swap3A_97 = tpu.vector_load %arg6[%swap3A_95, %swap3A_96] {strides = array<i32>} : memref<2x128xi32, #tpu.memory_space<vmem>>, vector<16xi32>,
    tpu.vector_store %arg6[%swap3A_95, %swap3A_96], %and3A_93 {strides = array<i32>} : memref<2x128xi32, #tpu.memory_space<vmem>>, vector<16xi32>,
    %shift_right_arithmetic3A_98 = arith.constant 16 : i32
    %shift_right_arithmetic3A_99 = vector.broadcast %shift_right_arithmetic3A_98 : i32 to vector<16xi32>
    %shift_right_arithmetic3A_100 = arith.shrsi %get3A_90, %shift_right_arithmetic3A_99 : vector<16xi32>
    %swap3A_101 = arith.constant 0 : i32
    %swap3A_102 = arith.index_cast %swap3A_101 : i32 to index
    %swap3A_103 = arith.constant 80 : index
    %swap3A_104 = tpu.vector_load %arg7[%swap3A_102, %swap3A_103] {strides = array<i32>} : memref<2x128xi32, #tpu.memory_space<vmem>>, vector<16xi32>,
    tpu.vector_store %arg7[%swap3A_102, %swap3A_103], %shift_right_arithmetic3A_100 {strides = array<i32>} : memref<2x128xi32, #tpu.memory_space<vmem>>, vector<16xi32>,
    %get3A_105 = arith.constant 96 : index
    %get3A_106 = tpu.vector_load %arg8[%get3A_105] {strides = array<i32>} : memref<512xi32, #tpu.memory_space<vmem>>, vector<16xi32>,
    %and3A_107 = arith.constant 65535 : i32
    %and3A_108 = vector.broadcast %and3A_107 : i32 to vector<16xi32>
    %and3A_109 = arith.andi %get3A_106, %and3A_108 : vector<16xi32>
    %swap3A_110 = arith.constant 0 : i32
    %swap3A_111 = arith.index_cast %swap3A_110 : i32 to index
    %swap3A_112 = arith.constant 96 : index
    %swap3A_113 = tpu.vector_load %arg6[%swap3A_111, %swap3A_112] {strides = array<i32>} : memref<2x128xi32, #tpu.memory_space<vmem>>, vector<16xi32>,
    tpu.vector_store %arg6[%swap3A_111, %swap3A_112], %and3A_109 {strides = array<i32>} : memref<2x128xi32, #tpu.memory_space<vmem>>, vector<16xi32>,
    %shift_right_arithmetic3A_114 = arith.constant 16 : i32
    %shift_right_arithmetic3A_115 = vector.broadcast %shift_right_arithmetic3A_114 : i32 to vector<16xi32>
    %shift_right_arithmetic3A_116 = arith.shrsi %get3A_106, %shift_right_arithmetic3A_115 : vector<16xi32>
    %swap3A_117 = arith.constant 0 : i32
    %swap3A_118 = arith.index_cast %swap3A_117 : i32 to index
    %swap3A_119 = arith.constant 96 : index
    %swap3A_120 = tpu.vector_load %arg7[%swap3A_118, %swap3A_119] {strides = array<i32>} : memref<2x128xi32, #tpu.memory_space<vmem>>, vector<16xi32>,
    tpu.vector_store %arg7[%swap3A_118, %swap3A_119], %shift_right_arithmetic3A_116 {strides = array<i32>} : memref<2x128xi32, #tpu.memory_space<vmem>>, vector<16xi32>,
    %get3A_121 = arith.constant 112 : index
    %get3A_122 = tpu.vector_load %arg8[%get3A_121] {strides = array<i32>} : memref<512xi32, #tpu.memory_space<vmem>>, vector<16xi32>,
    %and3A_123 = arith.constant 65535 : i32
    %and3A_124 = vector.broadcast %and3A_123 : i32 to vector<16xi32>
    %and3A_125 = arith.andi %get3A_122, %and3A_124 : vector<16xi32>
    %swap3A_126 = arith.constant 0 : i32
    %swap3A_127 = arith.index_cast %swap3A_126 : i32 to index
    %swap3A_128 = arith.constant 112 : index
    %swap3A_129 = tpu.vector_load %arg6[%swap3A_127, %swap3A_128] {strides = array<i32>} : memref<2x128xi32, #tpu.memory_space<vmem>>, vector<16xi32>,
    tpu.vector_store %arg6[%swap3A_127, %swap3A_128], %and3A_125 {strides = array<i32>} : memref<2x128xi32, #tpu.memory_space<vmem>>, vector<16xi32>,
    %shift_right_arithmetic3A_130 = arith.constant 16 : i32
    %shift_right_arithmetic3A_131 = vector.broadcast %shift_right_arithmetic3A_130 : i32 to vector<16xi32>
    %shift_right_arithmetic3A_132 = arith.shrsi %get3A_122, %shift_right_arithmetic3A_131 : vector<16xi32>
    %swap3A_133 = arith.constant 0 : i32
    %swap3A_134 = arith.index_cast %swap3A_133 : i32 to index
    %swap3A_135 = arith.constant 112 : index
    %swap3A_136 = tpu.vector_load %arg7[%swap3A_134, %swap3A_135] {strides = array<i32>} : memref<2x128xi32, #tpu.memory_space<vmem>>, vector<16xi32>,
    tpu.vector_store %arg7[%swap3A_134, %swap3A_135], %shift_right_arithmetic3A_132 {strides = array<i32>} : memref<2x128xi32, #tpu.memory_space<vmem>>, vector<16xi32>,
    %dma_start3A = arith.constant 0 : i32
    %dma_start3A_137 = arith.constant 0 : i32
    %dma_start3A_138 = arith.constant 0 : i32
    %dma_start3A_139 = arith.constant 0 : i32
    %dma_start3A_140 = tpu.memref_slice %arg9[%dma_start3A_137, %dma_start3A_138, %dma_start3A_139] : memref<2x128x128xf32, #tpu.memory_space<vmem>> -> memref<1x128x128xf32, #tpu.memory_space<vmem>>
    %dma_start3A_141 = tpu.memref_squeeze %dma_start3A_140 : memref<1x128x128xf32, #tpu.memory_space<vmem>> -> memref<128x128xf32, #tpu.memory_space<vmem>>
    %dma_start3A_142 = arith.constant 0 : i32
    %dma_start3A_143 = tpu.memref_slice %arg6[%dma_start3A, %dma_start3A_142] : memref<2x128xi32, #tpu.memory_space<vmem>> -> memref<1x128xi32, #tpu.memory_space<vmem>>
    %dma_start3A_144 = tpu.memref_squeeze %dma_start3A_143 : memref<1x128xi32, #tpu.memory_space<vmem>> -> memref<128xi32, #tpu.memory_space<vmem>>
    %dma_start3A_145 = arith.constant 0 : i32
    %dma_start3A_146 = arith.constant 0 : i32
    %dma_start3A_147 = tpu.memref_slice %arg2[%dma_start3A_145, %dma_start3A_146] : memref<10000x128xf32, #tpu.memory_space<hbm>> -> memref<10000x128xf32, #tpu.memory_space<hbm>>
    tpu.enqueue_indirect_dma source(%dma_start3A_147 : memref<10000x128xf32, #tpu.memory_space<hbm>>) target(%dma_start3A_141 : memref<128x128xf32, #tpu.memory_space<vmem>>) offsets(%dma_start3A_144 : memref<128xi32, #tpu.memory_space<vmem>>) semaphore(%arg13 : memref<!tpu.dma_semaphore, #tpu.memory_space<semaphore_mem>>)
    %add3A_148 = arith.constant 32 : i32
    %add3A_149 = arith.addi %add3A, %add3A_148 : i32
    %lt3A_150 = arith.constant 2500 : i32
    %lt3A_151 = arith.cmpi slt, %add3A_149, %lt3A_150 : i32
    %convert_element_type3A_152 = arith.extui %lt3A_151 : i1 to i32
    %cond3A_153 = arith.constant 0 : i32
    %cond3A_154 = arith.cmpi ne, %convert_element_type3A_152, %cond3A_153 : i32
    scf.if %cond3A_154 {
      %add3A_170 = arith.constant 32 : i32
      %add3A_171 = arith.addi %add3A, %add3A_170 : i32
      %mul3A_172 = arith.constant 256 : i32
      %mul3A_173 = arith.muli %add3A_171, %mul3A_172 : i32
      %dma_start3A_174 = arith.constant 256 : i32
      %dma_start3A_175 = tpu.memref_slice %arg8[%dma_start3A_174] : memref<512xi32, #tpu.memory_space<vmem>> -> memref<256xi32, #tpu.memory_space<vmem>>
      %dma_start3A_176 = tpu.memref_slice %arg3[%mul3A_173] : memref<640000xi32, #tpu.memory_space<hbm>> -> memref<256xi32, #tpu.memory_space<hbm>>
      %dma_start3A_177 = arith.constant 256 : i32
      %dma_start3A_178 = tpu.memref_slice %arg8[%dma_start3A_177] : memref<512xi32, #tpu.memory_space<vmem>> -> memref<256xi32, #tpu.memory_space<vmem>>
      %dma_start3A_179 = tpu.memref_slice %arg3[%mul3A_173] : memref<640000xi32, #tpu.memory_space<hbm>> -> memref<256xi32, #tpu.memory_space<hbm>>
      tpu.enqueue_dma source(%dma_start3A_179 : memref<256xi32, #tpu.memory_space<hbm>>) target(%dma_start3A_178 : memref<256xi32, #tpu.memory_space<vmem>>) target_semaphore(%arg12 : memref<!tpu.dma_semaphore, #tpu.memory_space<semaphore_mem>>)
    } else {
    }
    %scan3A = arith.constant 0 : i32
    %scan3A_155 = arith.constant 40 : i32
    %scan3A_156 = arith.addi %scan3A, %scan3A_155 : i32
    %scan3A_157 = arith.constant 1 : i32
    scf.for %scan3A_170 = %scan3A to %scan3A_156 step %scan3A_157  : i32 {
      %mul3A_171 = arith.constant 2 : i32
      %mul3A_172 = arith.muli %scan3A_170, %mul3A_171 : i32
      %add3A_173 = arith.constant 0 : i32
      %add3A_174 = arith.addi %add3A_173, %mul3A_172 : i32
      %add3A_175 = arith.constant 0 : i32
      %add3A_176 = arith.addi %add3A_174, %add3A_175 : i32
      %ge3A = arith.constant 1 : i32
      %ge3A_177 = arith.cmpi sge, %add3A_176, %ge3A : i32
      %sub3A = arith.constant 1 : i32
      %sub3A_178 = arith.subi %add3A_176, %sub3A : i32
      %mul3A_179 = arith.constant 32 : i32
      %mul3A_180 = arith.muli %sub3A_178, %mul3A_179 : i32
      %add3A_181 = arith.addi %add3A, %mul3A_180 : i32
      %lt3A_182 = arith.constant 2500 : i32
      %lt3A_183 = arith.cmpi slt, %add3A_181, %lt3A_182 : i32
      %and3A_184 = arith.andi %ge3A_177, %lt3A_183 : i1
      %convert_element_type3A_185 = arith.extui %and3A_184 : i1 to i32
      %cond3A_186 = arith.constant 0 : i32
      %cond3A_187 = arith.cmpi ne, %convert_element_type3A_185, %cond3A_186 : i32
      scf.if %cond3A_187 {
        %dma_wait3A = arith.constant 1 : i32
        %dma_wait3A_259 = arith.constant 1 : i32
        %dma_wait3A_260 = arith.constant 0 : i32
        %dma_wait3A_261 = arith.constant 0 : i32
        %dma_wait3A_262 = tpu.memref_slice %arg9[%dma_wait3A, %dma_wait3A_260, %dma_wait3A_261] : memref<2x128x128xf32, #tpu.memory_space<vmem>> -> memref<1x128x128xf32, #tpu.memory_space<vmem>>
        %dma_wait3A_263 = tpu.memref_squeeze %dma_wait3A_262 : memref<1x128x128xf32, #tpu.memory_space<vmem>> -> memref<128x128xf32, #tpu.memory_space<vmem>>
        %dma_wait3A_264 = arith.constant 0 : i32
        %dma_wait3A_265 = tpu.memref_slice %arg7[%dma_wait3A_259, %dma_wait3A_264] : memref<2x128xi32, #tpu.memory_space<vmem>> -> memref<1x128xi32, #tpu.memory_space<vmem>>
        %dma_wait3A_266 = tpu.memref_squeeze %dma_wait3A_265 : memref<1x128xi32, #tpu.memory_space<vmem>> -> memref<128xi32, #tpu.memory_space<vmem>>
        %dma_wait3A_267 = arith.constant 0 : i32
        %dma_wait3A_268 = arith.constant 0 : i32
        %dma_wait3A_269 = tpu.memref_slice %arg10[%dma_wait3A_267, %dma_wait3A_268] : memref<10000x128xf32, #tpu.memory_space<vmem_shared>> -> memref<10000x128xf32, #tpu.memory_space<vmem_shared>>
        tpu.wait_indirect_dma semaphore(%arg16 : memref<!tpu.dma_semaphore, #tpu.memory_space<semaphore_mem>>) src(%dma_wait3A_263 : memref<128x128xf32, #tpu.memory_space<vmem>>) dst(%dma_wait3A_269 : memref<10000x128xf32, #tpu.memory_space<vmem_shared>>)
      } else {
      }
      %add3A_188 = arith.constant 1 : i32
      %add3A_189 = arith.addi %add3A_176, %add3A_188 : i32
      %mul3A_190 = arith.constant 32 : i32
      %mul3A_191 = arith.muli %add3A_189, %mul3A_190 : i32
      %add3A_192 = arith.addi %add3A, %mul3A_191 : i32
      %lt3A_193 = arith.constant 2500 : i32
      %lt3A_194 = arith.cmpi slt, %add3A_192, %lt3A_193 : i32
      %convert_element_type3A_195 = arith.extui %lt3A_194 : i1 to i32
      %cond3A_196 = arith.constant 0 : i32
      %cond3A_197 = arith.cmpi ne, %convert_element_type3A_195, %cond3A_196 : i32
      scf.if %cond3A_197 {
        %add3A_259 = arith.constant 1 : i32
        %add3A_260 = arith.addi %add3A_176, %add3A_259 : i32
        %mul3A_261 = arith.constant 32 : i32
        %mul3A_262 = arith.muli %add3A_260, %mul3A_261 : i32
        %add3A_263 = arith.addi %add3A, %mul3A_262 : i32
        %mul3A_264 = arith.constant 256 : i32
        %mul3A_265 = arith.muli %add3A_263, %mul3A_264 : i32
        %dma_wait3A = arith.constant 256 : i32
        %dma_wait3A_266 = tpu.memref_slice %arg8[%dma_wait3A] : memref<512xi32, #tpu.memory_space<vmem>> -> memref<256xi32, #tpu.memory_space<vmem>>
        %dma_wait3A_267 = tpu.memref_slice %arg3[%mul3A_265] : memref<640000xi32, #tpu.memory_space<hbm>> -> memref<256xi32, #tpu.memory_space<hbm>>
        %dma_wait3A_268 = arith.constant 256 : i32
        %dma_wait3A_269 = tpu.memref_slice %arg8[%dma_wait3A_268] : memref<512xi32, #tpu.memory_space<vmem>> -> memref<256xi32, #tpu.memory_space<vmem>>
        %dma_wait3A_270 = tpu.memref_slice %arg3[%mul3A_265] : memref<640000xi32, #tpu.memory_space<hbm>> -> memref<256xi32, #tpu.memory_space<hbm>>
        tpu.wait_dma2 semaphore(%arg12 : memref<!tpu.dma_semaphore, #tpu.memory_space<semaphore_mem>>) src(%dma_wait3A_270 : memref<256xi32, #tpu.memory_space<hbm>>) dst(%dma_wait3A_269 : memref<256xi32, #tpu.memory_space<vmem>>)
        %get3A_271 = arith.constant 256 : index
        %get3A_272 = tpu.vector_load %arg8[%get3A_271] {strides = array<i32>} : memref<512xi32, #tpu.memory_space<vmem>>, vector<16xi32>,
        %and3A_273 = arith.constant 65535 : i32
        %and3A_274 = vector.broadcast %and3A_273 : i32 to vector<16xi32>
        %and3A_275 = arith.andi %get3A_272, %and3A_274 : vector<16xi32>
        %swap3A_276 = arith.constant 1 : i32
        %swap3A_277 = arith.index_cast %swap3A_276 : i32 to index
        %swap3A_278 = arith.constant 0 : index
        %swap3A_279 = tpu.vector_load %arg6[%swap3A_277, %swap3A_278] {strides = array<i32>} : memref<2x128xi32, #tpu.memory_space<vmem>>, vector<16xi32>,
        tpu.vector_store %arg6[%swap3A_277, %swap3A_278], %and3A_275 {strides = array<i32>} : memref<2x128xi32, #tpu.memory_space<vmem>>, vector<16xi32>,
        %shift_right_arithmetic3A_280 = arith.constant 16 : i32
        %shift_right_arithmetic3A_281 = vector.broadcast %shift_right_arithmetic3A_280 : i32 to vector<16xi32>
        %shift_right_arithmetic3A_282 = arith.shrsi %get3A_272, %shift_right_arithmetic3A_281 : vector<16xi32>
        %swap3A_283 = arith.constant 1 : i32
        %swap3A_284 = arith.index_cast %swap3A_283 : i32 to index
        %swap3A_285 = arith.constant 0 : index
        %swap3A_286 = tpu.vector_load %arg7[%swap3A_284, %swap3A_285] {strides = array<i32>} : memref<2x128xi32, #tpu.memory_space<vmem>>, vector<16xi32>,
        tpu.vector_store %arg7[%swap3A_284, %swap3A_285], %shift_right_arithmetic3A_282 {strides = array<i32>} : memref<2x128xi32, #tpu.memory_space<vmem>>, vector<16xi32>,
        %get3A_287 = arith.constant 272 : index
        %get3A_288 = tpu.vector_load %arg8[%get3A_287] {strides = array<i32>} : memref<512xi32, #tpu.memory_space<vmem>>, vector<16xi32>,
        %and3A_289 = arith.constant 65535 : i32
        %and3A_290 = vector.broadcast %and3A_289 : i32 to vector<16xi32>
        %and3A_291 = arith.andi %get3A_288, %and3A_290 : vector<16xi32>
        %swap3A_292 = arith.constant 1 : i32
        %swap3A_293 = arith.index_cast %swap3A_292 : i32 to index
        %swap3A_294 = arith.constant 16 : index
        %swap3A_295 = tpu.vector_load %arg6[%swap3A_293, %swap3A_294] {strides = array<i32>} : memref<2x128xi32, #tpu.memory_space<vmem>>, vector<16xi32>,
        tpu.vector_store %arg6[%swap3A_293, %swap3A_294], %and3A_291 {strides = array<i32>} : memref<2x128xi32, #tpu.memory_space<vmem>>, vector<16xi32>,
        %shift_right_arithmetic3A_296 = arith.constant 16 : i32
        %shift_right_arithmetic3A_297 = vector.broadcast %shift_right_arithmetic3A_296 : i32 to vector<16xi32>
        %shift_right_arithmetic3A_298 = arith.shrsi %get3A_288, %shift_right_arithmetic3A_297 : vector<16xi32>
        %swap3A_299 = arith.constant 1 : i32
        %swap3A_300 = arith.index_cast %swap3A_299 : i32 to index
        %swap3A_301 = arith.constant 16 : index
        %swap3A_302 = tpu.vector_load %arg7[%swap3A_300, %swap3A_301] {strides = array<i32>} : memref<2x128xi32, #tpu.memory_space<vmem>>, vector<16xi32>,
        tpu.vector_store %arg7[%swap3A_300, %swap3A_301], %shift_right_arithmetic3A_298 {strides = array<i32>} : memref<2x128xi32, #tpu.memory_space<vmem>>, vector<16xi32>,
        %get3A_303 = arith.constant 288 : index
        %get3A_304 = tpu.vector_load %arg8[%get3A_303] {strides = array<i32>} : memref<512xi32, #tpu.memory_space<vmem>>, vector<16xi32>,
        %and3A_305 = arith.constant 65535 : i32
        %and3A_306 = vector.broadcast %and3A_305 : i32 to vector<16xi32>
        %and3A_307 = arith.andi %get3A_304, %and3A_306 : vector<16xi32>
        %swap3A_308 = arith.constant 1 : i32
        %swap3A_309 = arith.index_cast %swap3A_308 : i32 to index
        %swap3A_310 = arith.constant 32 : index
        %swap3A_311 = tpu.vector_load %arg6[%swap3A_309, %swap3A_310] {strides = array<i32>} : memref<2x128xi32, #tpu.memory_space<vmem>>, vector<16xi32>,
        tpu.vector_store %arg6[%swap3A_309, %swap3A_310], %and3A_307 {strides = array<i32>} : memref<2x128xi32, #tpu.memory_space<vmem>>, vector<16xi32>,
        %shift_right_arithmetic3A_312 = arith.constant 16 : i32
        %shift_right_arithmetic3A_313 = vector.broadcast %shift_right_arithmetic3A_312 : i32 to vector<16xi32>
        %shift_right_arithmetic3A_314 = arith.shrsi %get3A_304, %shift_right_arithmetic3A_313 : vector<16xi32>
        %swap3A_315 = arith.constant 1 : i32
        %swap3A_316 = arith.index_cast %swap3A_315 : i32 to index
        %swap3A_317 = arith.constant 32 : index
        %swap3A_318 = tpu.vector_load %arg7[%swap3A_316, %swap3A_317] {strides = array<i32>} : memref<2x128xi32, #tpu.memory_space<vmem>>, vector<16xi32>,
        tpu.vector_store %arg7[%swap3A_316, %swap3A_317], %shift_right_arithmetic3A_314 {strides = array<i32>} : memref<2x128xi32, #tpu.memory_space<vmem>>, vector<16xi32>,
        %get3A_319 = arith.constant 304 : index
        %get3A_320 = tpu.vector_load %arg8[%get3A_319] {strides = array<i32>} : memref<512xi32, #tpu.memory_space<vmem>>, vector<16xi32>,
        %and3A_321 = arith.constant 65535 : i32
        %and3A_322 = vector.broadcast %and3A_321 : i32 to vector<16xi32>
        %and3A_323 = arith.andi %get3A_320, %and3A_322 : vector<16xi32>
        %swap3A_324 = arith.constant 1 : i32
        %swap3A_325 = arith.index_cast %swap3A_324 : i32 to index
        %swap3A_326 = arith.constant 48 : index
        %swap3A_327 = tpu.vector_load %arg6[%swap3A_325, %swap3A_326] {strides = array<i32>} : memref<2x128xi32, #tpu.memory_space<vmem>>, vector<16xi32>,
        tpu.vector_store %arg6[%swap3A_325, %swap3A_326], %and3A_323 {strides = array<i32>} : memref<2x128xi32, #tpu.memory_space<vmem>>, vector<16xi32>,
        %shift_right_arithmetic3A_328 = arith.constant 16 : i32
        %shift_right_arithmetic3A_329 = vector.broadcast %shift_right_arithmetic3A_328 : i32 to vector<16xi32>
        %shift_right_arithmetic3A_330 = arith.shrsi %get3A_320, %shift_right_arithmetic3A_329 : vector<16xi32>
        %swap3A_331 = arith.constant 1 : i32
        %swap3A_332 = arith.index_cast %swap3A_331 : i32 to index
        %swap3A_333 = arith.constant 48 : index
        %swap3A_334 = tpu.vector_load %arg7[%swap3A_332, %swap3A_333] {strides = array<i32>} : memref<2x128xi32, #tpu.memory_space<vmem>>, vector<16xi32>,
        tpu.vector_store %arg7[%swap3A_332, %swap3A_333], %shift_right_arithmetic3A_330 {strides = array<i32>} : memref<2x128xi32, #tpu.memory_space<vmem>>, vector<16xi32>,
        %get3A_335 = arith.constant 320 : index
        %get3A_336 = tpu.vector_load %arg8[%get3A_335] {strides = array<i32>} : memref<512xi32, #tpu.memory_space<vmem>>, vector<16xi32>,
        %and3A_337 = arith.constant 65535 : i32
        %and3A_338 = vector.broadcast %and3A_337 : i32 to vector<16xi32>
        %and3A_339 = arith.andi %get3A_336, %and3A_338 : vector<16xi32>
        %swap3A_340 = arith.constant 1 : i32
        %swap3A_341 = arith.index_cast %swap3A_340 : i32 to index
        %swap3A_342 = arith.constant 64 : index
        %swap3A_343 = tpu.vector_load %arg6[%swap3A_341, %swap3A_342] {strides = array<i32>} : memref<2x128xi32, #tpu.memory_space<vmem>>, vector<16xi32>,
        tpu.vector_store %arg6[%swap3A_341, %swap3A_342], %and3A_339 {strides = array<i32>} : memref<2x128xi32, #tpu.memory_space<vmem>>, vector<16xi32>,
        %shift_right_arithmetic3A_344 = arith.constant 16 : i32
        %shift_right_arithmetic3A_345 = vector.broadcast %shift_right_arithmetic3A_344 : i32 to vector<16xi32>
        %shift_right_arithmetic3A_346 = arith.shrsi %get3A_336, %shift_right_arithmetic3A_345 : vector<16xi32>
        %swap3A_347 = arith.constant 1 : i32
        %swap3A_348 = arith.index_cast %swap3A_347 : i32 to index
        %swap3A_349 = arith.constant 64 : index
        %swap3A_350 = tpu.vector_load %arg7[%swap3A_348, %swap3A_349] {strides = array<i32>} : memref<2x128xi32, #tpu.memory_space<vmem>>, vector<16xi32>,
        tpu.vector_store %arg7[%swap3A_348, %swap3A_349], %shift_right_arithmetic3A_346 {strides = array<i32>} : memref<2x128xi32, #tpu.memory_space<vmem>>, vector<16xi32>,
        %get3A_351 = arith.constant 336 : index
        %get3A_352 = tpu.vector_load %arg8[%get3A_351] {strides = array<i32>} : memref<512xi32, #tpu.memory_space<vmem>>, vector<16xi32>,
        %and3A_353 = arith.constant 65535 : i32
        %and3A_354 = vector.broadcast %and3A_353 : i32 to vector<16xi32>
        %and3A_355 = arith.andi %get3A_352, %and3A_354 : vector<16xi32>
        %swap3A_356 = arith.constant 1 : i32
        %swap3A_357 = arith.index_cast %swap3A_356 : i32 to index
        %swap3A_358 = arith.constant 80 : index
        %swap3A_359 = tpu.vector_load %arg6[%swap3A_357, %swap3A_358] {strides = array<i32>} : memref<2x128xi32, #tpu.memory_space<vmem>>, vector<16xi32>,
        tpu.vector_store %arg6[%swap3A_357, %swap3A_358], %and3A_355 {strides = array<i32>} : memref<2x128xi32, #tpu.memory_space<vmem>>, vector<16xi32>,
        %shift_right_arithmetic3A_360 = arith.constant 16 : i32
        %shift_right_arithmetic3A_361 = vector.broadcast %shift_right_arithmetic3A_360 : i32 to vector<16xi32>
        %shift_right_arithmetic3A_362 = arith.shrsi %get3A_352, %shift_right_arithmetic3A_361 : vector<16xi32>
        %swap3A_363 = arith.constant 1 : i32
        %swap3A_364 = arith.index_cast %swap3A_363 : i32 to index
        %swap3A_365 = arith.constant 80 : index
        %swap3A_366 = tpu.vector_load %arg7[%swap3A_364, %swap3A_365] {strides = array<i32>} : memref<2x128xi32, #tpu.memory_space<vmem>>, vector<16xi32>,
        tpu.vector_store %arg7[%swap3A_364, %swap3A_365], %shift_right_arithmetic3A_362 {strides = array<i32>} : memref<2x128xi32, #tpu.memory_space<vmem>>, vector<16xi32>,
        %get3A_367 = arith.constant 352 : index
        %get3A_368 = tpu.vector_load %arg8[%get3A_367] {strides = array<i32>} : memref<512xi32, #tpu.memory_space<vmem>>, vector<16xi32>,
        %and3A_369 = arith.constant 65535 : i32
        %and3A_370 = vector.broadcast %and3A_369 : i32 to vector<16xi32>
        %and3A_371 = arith.andi %get3A_368, %and3A_370 : vector<16xi32>
        %swap3A_372 = arith.constant 1 : i32
        %swap3A_373 = arith.index_cast %swap3A_372 : i32 to index
        %swap3A_374 = arith.constant 96 : index
        %swap3A_375 = tpu.vector_load %arg6[%swap3A_373, %swap3A_374] {strides = array<i32>} : memref<2x128xi32, #tpu.memory_space<vmem>>, vector<16xi32>,
        tpu.vector_store %arg6[%swap3A_373, %swap3A_374], %and3A_371 {strides = array<i32>} : memref<2x128xi32, #tpu.memory_space<vmem>>, vector<16xi32>,
        %shift_right_arithmetic3A_376 = arith.constant 16 : i32
        %shift_right_arithmetic3A_377 = vector.broadcast %shift_right_arithmetic3A_376 : i32 to vector<16xi32>
        %shift_right_arithmetic3A_378 = arith.shrsi %get3A_368, %shift_right_arithmetic3A_377 : vector<16xi32>
        %swap3A_379 = arith.constant 1 : i32
        %swap3A_380 = arith.index_cast %swap3A_379 : i32 to index
        %swap3A_381 = arith.constant 96 : index
        %swap3A_382 = tpu.vector_load %arg7[%swap3A_380, %swap3A_381] {strides = array<i32>} : memref<2x128xi32, #tpu.memory_space<vmem>>, vector<16xi32>,
        tpu.vector_store %arg7[%swap3A_380, %swap3A_381], %shift_right_arithmetic3A_378 {strides = array<i32>} : memref<2x128xi32, #tpu.memory_space<vmem>>, vector<16xi32>,
        %get3A_383 = arith.constant 368 : index
        %get3A_384 = tpu.vector_load %arg8[%get3A_383] {strides = array<i32>} : memref<512xi32, #tpu.memory_space<vmem>>, vector<16xi32>,
        %and3A_385 = arith.constant 65535 : i32
        %and3A_386 = vector.broadcast %and3A_385 : i32 to vector<16xi32>
        %and3A_387 = arith.andi %get3A_384, %and3A_386 : vector<16xi32>
        %swap3A_388 = arith.constant 1 : i32
        %swap3A_389 = arith.index_cast %swap3A_388 : i32 to index
        %swap3A_390 = arith.constant 112 : index
        %swap3A_391 = tpu.vector_load %arg6[%swap3A_389, %swap3A_390] {strides = array<i32>} : memref<2x128xi32, #tpu.memory_space<vmem>>, vector<16xi32>,
        tpu.vector_store %arg6[%swap3A_389, %swap3A_390], %and3A_387 {strides = array<i32>} : memref<2x128xi32, #tpu.memory_space<vmem>>, vector<16xi32>,
        %shift_right_arithmetic3A_392 = arith.constant 16 : i32
        %shift_right_arithmetic3A_393 = vector.broadcast %shift_right_arithmetic3A_392 : i32 to vector<16xi32>
        %shift_right_arithmetic3A_394 = arith.shrsi %get3A_384, %shift_right_arithmetic3A_393 : vector<16xi32>
        %swap3A_395 = arith.constant 1 : i32
        %swap3A_396 = arith.index_cast %swap3A_395 : i32 to index
        %swap3A_397 = arith.constant 112 : index
        %swap3A_398 = tpu.vector_load %arg7[%swap3A_396, %swap3A_397] {strides = array<i32>} : memref<2x128xi32, #tpu.memory_space<vmem>>, vector<16xi32>,
        tpu.vector_store %arg7[%swap3A_396, %swap3A_397], %shift_right_arithmetic3A_394 {strides = array<i32>} : memref<2x128xi32, #tpu.memory_space<vmem>>, vector<16xi32>,
        %dma_start3A_399 = arith.constant 1 : i32
        %dma_start3A_400 = arith.constant 1 : i32
        %dma_start3A_401 = arith.constant 0 : i32
        %dma_start3A_402 = arith.constant 0 : i32
        %dma_start3A_403 = tpu.memref_slice %arg9[%dma_start3A_400, %dma_start3A_401, %dma_start3A_402] : memref<2x128x128xf32, #tpu.memory_space<vmem>> -> memref<1x128x128xf32, #tpu.memory_space<vmem>>
        %dma_start3A_404 = tpu.memref_squeeze %dma_start3A_403 : memref<1x128x128xf32, #tpu.memory_space<vmem>> -> memref<128x128xf32, #tpu.memory_space<vmem>>
        %dma_start3A_405 = arith.constant 0 : i32
        %dma_start3A_406 = tpu.memref_slice %arg6[%dma_start3A_399, %dma_start3A_405] : memref<2x128xi32, #tpu.memory_space<vmem>> -> memref<1x128xi32, #tpu.memory_space<vmem>>
        %dma_start3A_407 = tpu.memref_squeeze %dma_start3A_406 : memref<1x128xi32, #tpu.memory_space<vmem>> -> memref<128xi32, #tpu.memory_space<vmem>>
        %dma_start3A_408 = arith.constant 0 : i32
        %dma_start3A_409 = arith.constant 0 : i32
        %dma_start3A_410 = tpu.memref_slice %arg2[%dma_start3A_408, %dma_start3A_409] : memref<10000x128xf32, #tpu.memory_space<hbm>> -> memref<10000x128xf32, #tpu.memory_space<hbm>>
        tpu.enqueue_indirect_dma source(%dma_start3A_410 : memref<10000x128xf32, #tpu.memory_space<hbm>>) target(%dma_start3A_404 : memref<128x128xf32, #tpu.memory_space<vmem>>) offsets(%dma_start3A_407 : memref<128xi32, #tpu.memory_space<vmem>>) semaphore(%arg14 : memref<!tpu.dma_semaphore, #tpu.memory_space<semaphore_mem>>)
      } else {
      }
      %mul3A_198 = arith.constant 32 : i32
      %mul3A_199 = arith.muli %add3A_176, %mul3A_198 : i32
      %add3A_200 = arith.addi %add3A, %mul3A_199 : i32
      %lt3A_201 = arith.constant 2500 : i32
      %lt3A_202 = arith.cmpi slt, %add3A_200, %lt3A_201 : i32
      %convert_element_type3A_203 = arith.extui %lt3A_202 : i1 to i32
      %cond3A_204 = arith.constant 0 : i32
      %cond3A_205 = arith.cmpi ne, %convert_element_type3A_203, %cond3A_204 : i32
      scf.if %cond3A_205 {
        %dma_wait3A = arith.constant 0 : i32
        %dma_wait3A_259 = arith.constant 0 : i32
        %dma_wait3A_260 = arith.constant 0 : i32
        %dma_wait3A_261 = arith.constant 0 : i32
        %dma_wait3A_262 = tpu.memref_slice %arg9[%dma_wait3A_259, %dma_wait3A_260, %dma_wait3A_261] : memref<2x128x128xf32, #tpu.memory_space<vmem>> -> memref<1x128x128xf32, #tpu.memory_space<vmem>>
        %dma_wait3A_263 = tpu.memref_squeeze %dma_wait3A_262 : memref<1x128x128xf32, #tpu.memory_space<vmem>> -> memref<128x128xf32, #tpu.memory_space<vmem>>
        %dma_wait3A_264 = arith.constant 0 : i32
        %dma_wait3A_265 = tpu.memref_slice %arg6[%dma_wait3A, %dma_wait3A_264] : memref<2x128xi32, #tpu.memory_space<vmem>> -> memref<1x128xi32, #tpu.memory_space<vmem>>
        %dma_wait3A_266 = tpu.memref_squeeze %dma_wait3A_265 : memref<1x128xi32, #tpu.memory_space<vmem>> -> memref<128xi32, #tpu.memory_space<vmem>>
        %dma_wait3A_267 = arith.constant 0 : i32
        %dma_wait3A_268 = arith.constant 0 : i32
        %dma_wait3A_269 = tpu.memref_slice %arg2[%dma_wait3A_267, %dma_wait3A_268] : memref<10000x128xf32, #tpu.memory_space<hbm>> -> memref<10000x128xf32, #tpu.memory_space<hbm>>
        tpu.wait_indirect_dma semaphore(%arg13 : memref<!tpu.dma_semaphore, #tpu.memory_space<semaphore_mem>>) src(%dma_wait3A_269 : memref<10000x128xf32, #tpu.memory_space<hbm>>) dst(%dma_wait3A_263 : memref<128x128xf32, #tpu.memory_space<vmem>>)
        %dma_start3A_270 = arith.constant 0 : i32
        %dma_start3A_271 = arith.constant 0 : i32
        %dma_start3A_272 = arith.constant 0 : i32
        %dma_start3A_273 = arith.constant 0 : i32
        %dma_start3A_274 = tpu.memref_slice %arg9[%dma_start3A_270, %dma_start3A_272, %dma_start3A_273] : memref<2x128x128xf32, #tpu.memory_space<vmem>> -> memref<1x128x128xf32, #tpu.memory_space<vmem>>
        %dma_start3A_275 = tpu.memref_squeeze %dma_start3A_274 : memref<1x128x128xf32, #tpu.memory_space<vmem>> -> memref<128x128xf32, #tpu.memory_space<vmem>>
        %dma_start3A_276 = arith.constant 0 : i32
        %dma_start3A_277 = tpu.memref_slice %arg7[%dma_start3A_271, %dma_start3A_276] : memref<2x128xi32, #tpu.memory_space<vmem>> -> memref<1x128xi32, #tpu.memory_space<vmem>>
        %dma_start3A_278 = tpu.memref_squeeze %dma_start3A_277 : memref<1x128xi32, #tpu.memory_space<vmem>> -> memref<128xi32, #tpu.memory_space<vmem>>
        %dma_start3A_279 = arith.constant 0 : i32
        %dma_start3A_280 = arith.constant 0 : i32
        %dma_start3A_281 = tpu.memref_slice %arg10[%dma_start3A_279, %dma_start3A_280] : memref<10000x128xf32, #tpu.memory_space<vmem_shared>> -> memref<10000x128xf32, #tpu.memory_space<vmem_shared>>
        tpu.enqueue_indirect_dma source(%dma_start3A_275 : memref<128x128xf32, #tpu.memory_space<vmem>>) target(%dma_start3A_281 : memref<10000x128xf32, #tpu.memory_space<vmem_shared>>) offsets(%dma_start3A_278 : memref<128xi32, #tpu.memory_space<vmem>>) semaphore(%arg15 : memref<!tpu.dma_semaphore, #tpu.memory_space<semaphore_mem>>) {add = true}
      } else {
      }
      %add3A_206 = arith.constant 2 : i32
      %add3A_207 = arith.addi %add3A_176, %add3A_206 : i32
      %mul3A_208 = arith.constant 32 : i32
      %mul3A_209 = arith.muli %add3A_207, %mul3A_208 : i32
      %add3A_210 = arith.addi %add3A, %mul3A_209 : i32
      %lt3A_211 = arith.constant 2500 : i32
      %lt3A_212 = arith.cmpi slt, %add3A_210, %lt3A_211 : i32
      %convert_element_type3A_213 = arith.extui %lt3A_212 : i1 to i32
      %cond3A_214 = arith.constant 0 : i32
      %cond3A_215 = arith.cmpi ne, %convert_element_type3A_213, %cond3A_214 : i32
      scf.if %cond3A_215 {
        %add3A_259 = arith.constant 2 : i32
        %add3A_260 = arith.addi %add3A_176, %add3A_259 : i32
        %mul3A_261 = arith.constant 32 : i32
        %mul3A_262 = arith.muli %add3A_260, %mul3A_261 : i32
        %add3A_263 = arith.addi %add3A, %mul3A_262 : i32
        %mul3A_264 = arith.constant 256 : i32
        %mul3A_265 = arith.muli %add3A_263, %mul3A_264 : i32
        %dma_start3A_266 = arith.constant 0 : i32
        %dma_start3A_267 = tpu.memref_slice %arg8[%dma_start3A_266] : memref<512xi32, #tpu.memory_space<vmem>> -> memref<256xi32, #tpu.memory_space<vmem>>
        %dma_start3A_268 = tpu.memref_slice %arg3[%mul3A_265] : memref<640000xi32, #tpu.memory_space<hbm>> -> memref<256xi32, #tpu.memory_space<hbm>>
        %dma_start3A_269 = arith.constant 0 : i32
        %dma_start3A_270 = tpu.memref_slice %arg8[%dma_start3A_269] : memref<512xi32, #tpu.memory_space<vmem>> -> memref<256xi32, #tpu.memory_space<vmem>>
        %dma_start3A_271 = tpu.memref_slice %arg3[%mul3A_265] : memref<640000xi32, #tpu.memory_space<hbm>> -> memref<256xi32, #tpu.memory_space<hbm>>
        tpu.enqueue_dma source(%dma_start3A_271 : memref<256xi32, #tpu.memory_space<hbm>>) target(%dma_start3A_270 : memref<256xi32, #tpu.memory_space<vmem>>) target_semaphore(%arg11 : memref<!tpu.dma_semaphore, #tpu.memory_space<semaphore_mem>>)
      } else {
      }
      %add3A_216 = arith.constant 1 : i32
      %add3A_217 = arith.addi %add3A_174, %add3A_216 : i32
      %ge3A_218 = arith.constant 1 : i32
      %ge3A_219 = arith.cmpi sge, %add3A_217, %ge3A_218 : i32
      %sub3A_220 = arith.constant 1 : i32
      %sub3A_221 = arith.subi %add3A_217, %sub3A_220 : i32
      %mul3A_222 = arith.constant 32 : i32
      %mul3A_223 = arith.muli %sub3A_221, %mul3A_222 : i32
      %add3A_224 = arith.addi %add3A, %mul3A_223 : i32
      %lt3A_225 = arith.constant 2500 : i32
      %lt3A_226 = arith.cmpi slt, %add3A_224, %lt3A_225 : i32
      %and3A_227 = arith.andi %ge3A_219, %lt3A_226 : i1
      %convert_element_type3A_228 = arith.extui %and3A_227 : i1 to i32
      %cond3A_229 = arith.constant 0 : i32
      %cond3A_230 = arith.cmpi ne, %convert_element_type3A_228, %cond3A_229 : i32
      scf.if %cond3A_230 {
        %dma_wait3A = arith.constant 0 : i32
        %dma_wait3A_259 = arith.constant 0 : i32
        %dma_wait3A_260 = arith.constant 0 : i32
        %dma_wait3A_261 = arith.constant 0 : i32
        %dma_wait3A_262 = tpu.memref_slice %arg9[%dma_wait3A, %dma_wait3A_260, %dma_wait3A_261] : memref<2x128x128xf32, #tpu.memory_space<vmem>> -> memref<1x128x128xf32, #tpu.memory_space<vmem>>
        %dma_wait3A_263 = tpu.memref_squeeze %dma_wait3A_262 : memref<1x128x128xf32, #tpu.memory_space<vmem>> -> memref<128x128xf32, #tpu.memory_space<vmem>>
        %dma_wait3A_264 = arith.constant 0 : i32
        %dma_wait3A_265 = tpu.memref_slice %arg7[%dma_wait3A_259, %dma_wait3A_264] : memref<2x128xi32, #tpu.memory_space<vmem>> -> memref<1x128xi32, #tpu.memory_space<vmem>>
        %dma_wait3A_266 = tpu.memref_squeeze %dma_wait3A_265 : memref<1x128xi32, #tpu.memory_space<vmem>> -> memref<128xi32, #tpu.memory_space<vmem>>
        %dma_wait3A_267 = arith.constant 0 : i32
        %dma_wait3A_268 = arith.constant 0 : i32
        %dma_wait3A_269 = tpu.memref_slice %arg10[%dma_wait3A_267, %dma_wait3A_268] : memref<10000x128xf32, #tpu.memory_space<vmem_shared>> -> memref<10000x128xf32, #tpu.memory_space<vmem_shared>>
        tpu.wait_indirect_dma semaphore(%arg15 : memref<!tpu.dma_semaphore, #tpu.memory_space<semaphore_mem>>) src(%dma_wait3A_263 : memref<128x128xf32, #tpu.memory_space<vmem>>) dst(%dma_wait3A_269 : memref<10000x128xf32, #tpu.memory_space<vmem_shared>>)
      } else {
      }
      %add3A_231 = arith.constant 1 : i32
      %add3A_232 = arith.addi %add3A_217, %add3A_231 : i32
      %mul3A_233 = arith.constant 32 : i32
      %mul3A_234 = arith.muli %add3A_232, %mul3A_233 : i32
      %add3A_235 = arith.addi %add3A, %mul3A_234 : i32
      %lt3A_236 = arith.constant 2500 : i32
      %lt3A_237 = arith.cmpi slt, %add3A_235, %lt3A_236 : i32
      %convert_element_type3A_238 = arith.extui %lt3A_237 : i1 to i32
      %cond3A_239 = arith.constant 0 : i32
      %cond3A_240 = arith.cmpi ne, %convert_element_type3A_238, %cond3A_239 : i32
      scf.if %cond3A_240 {
        %add3A_259 = arith.constant 1 : i32
        %add3A_260 = arith.addi %add3A_217, %add3A_259 : i32
        %mul3A_261 = arith.constant 32 : i32
        %mul3A_262 = arith.muli %add3A_260, %mul3A_261 : i32
        %add3A_263 = arith.addi %add3A, %mul3A_262 : i32
        %mul3A_264 = arith.constant 256 : i32
        %mul3A_265 = arith.muli %add3A_263, %mul3A_264 : i32
        %dma_wait3A = arith.constant 0 : i32
        %dma_wait3A_266 = tpu.memref_slice %arg8[%dma_wait3A] : memref<512xi32, #tpu.memory_space<vmem>> -> memref<256xi32, #tpu.memory_space<vmem>>
        %dma_wait3A_267 = tpu.memref_slice %arg3[%mul3A_265] : memref<640000xi32, #tpu.memory_space<hbm>> -> memref<256xi32, #tpu.memory_space<hbm>>
        %dma_wait3A_268 = arith.constant 0 : i32
        %dma_wait3A_269 = tpu.memref_slice %arg8[%dma_wait3A_268] : memref<512xi32, #tpu.memory_space<vmem>> -> memref<256xi32, #tpu.memory_space<vmem>>
        %dma_wait3A_270 = tpu.memref_slice %arg3[%mul3A_265] : memref<640000xi32, #tpu.memory_space<hbm>> -> memref<256xi32, #tpu.memory_space<hbm>>
        tpu.wait_dma2 semaphore(%arg11 : memref<!tpu.dma_semaphore, #tpu.memory_space<semaphore_mem>>) src(%dma_wait3A_270 : memref<256xi32, #tpu.memory_space<hbm>>) dst(%dma_wait3A_269 : memref<256xi32, #tpu.memory_space<vmem>>)
        %get3A_271 = arith.constant 0 : index
        %get3A_272 = tpu.vector_load %arg8[%get3A_271] {strides = array<i32>} : memref<512xi32, #tpu.memory_space<vmem>>, vector<16xi32>,
        %and3A_273 = arith.constant 65535 : i32
        %and3A_274 = vector.broadcast %and3A_273 : i32 to vector<16xi32>
        %and3A_275 = arith.andi %get3A_272, %and3A_274 : vector<16xi32>
        %swap3A_276 = arith.constant 0 : i32
        %swap3A_277 = arith.index_cast %swap3A_276 : i32 to index
        %swap3A_278 = arith.constant 0 : index
        %swap3A_279 = tpu.vector_load %arg6[%swap3A_277, %swap3A_278] {strides = array<i32>} : memref<2x128xi32, #tpu.memory_space<vmem>>, vector<16xi32>,
        tpu.vector_store %arg6[%swap3A_277, %swap3A_278], %and3A_275 {strides = array<i32>} : memref<2x128xi32, #tpu.memory_space<vmem>>, vector<16xi32>,
        %shift_right_arithmetic3A_280 = arith.constant 16 : i32
        %shift_right_arithmetic3A_281 = vector.broadcast %shift_right_arithmetic3A_280 : i32 to vector<16xi32>
        %shift_right_arithmetic3A_282 = arith.shrsi %get3A_272, %shift_right_arithmetic3A_281 : vector<16xi32>
        %swap3A_283 = arith.constant 0 : i32
        %swap3A_284 = arith.index_cast %swap3A_283 : i32 to index
        %swap3A_285 = arith.constant 0 : index
        %swap3A_286 = tpu.vector_load %arg7[%swap3A_284, %swap3A_285] {strides = array<i32>} : memref<2x128xi32, #tpu.memory_space<vmem>>, vector<16xi32>,
        tpu.vector_store %arg7[%swap3A_284, %swap3A_285], %shift_right_arithmetic3A_282 {strides = array<i32>} : memref<2x128xi32, #tpu.memory_space<vmem>>, vector<16xi32>,
        %get3A_287 = arith.constant 16 : index
        %get3A_288 = tpu.vector_load %arg8[%get3A_287] {strides = array<i32>} : memref<512xi32, #tpu.memory_space<vmem>>, vector<16xi32>,
        %and3A_289 = arith.constant 65535 : i32
        %and3A_290 = vector.broadcast %and3A_289 : i32 to vector<16xi32>
        %and3A_291 = arith.andi %get3A_288, %and3A_290 : vector<16xi32>
        %swap3A_292 = arith.constant 0 : i32
        %swap3A_293 = arith.index_cast %swap3A_292 : i32 to index
        %swap3A_294 = arith.constant 16 : index
        %swap3A_295 = tpu.vector_load %arg6[%swap3A_293, %swap3A_294] {strides = array<i32>} : memref<2x128xi32, #tpu.memory_space<vmem>>, vector<16xi32>,
        tpu.vector_store %arg6[%swap3A_293, %swap3A_294], %and3A_291 {strides = array<i32>} : memref<2x128xi32, #tpu.memory_space<vmem>>, vector<16xi32>,
        %shift_right_arithmetic3A_296 = arith.constant 16 : i32
        %shift_right_arithmetic3A_297 = vector.broadcast %shift_right_arithmetic3A_296 : i32 to vector<16xi32>
        %shift_right_arithmetic3A_298 = arith.shrsi %get3A_288, %shift_right_arithmetic3A_297 : vector<16xi32>
        %swap3A_299 = arith.constant 0 : i32
        %swap3A_300 = arith.index_cast %swap3A_299 : i32 to index
        %swap3A_301 = arith.constant 16 : index
        %swap3A_302 = tpu.vector_load %arg7[%swap3A_300, %swap3A_301] {strides = array<i32>} : memref<2x128xi32, #tpu.memory_space<vmem>>, vector<16xi32>,
        tpu.vector_store %arg7[%swap3A_300, %swap3A_301], %shift_right_arithmetic3A_298 {strides = array<i32>} : memref<2x128xi32, #tpu.memory_space<vmem>>, vector<16xi32>,
        %get3A_303 = arith.constant 32 : index
        %get3A_304 = tpu.vector_load %arg8[%get3A_303] {strides = array<i32>} : memref<512xi32, #tpu.memory_space<vmem>>, vector<16xi32>,
        %and3A_305 = arith.constant 65535 : i32
        %and3A_306 = vector.broadcast %and3A_305 : i32 to vector<16xi32>
        %and3A_307 = arith.andi %get3A_304, %and3A_306 : vector<16xi32>
        %swap3A_308 = arith.constant 0 : i32
        %swap3A_309 = arith.index_cast %swap3A_308 : i32 to index
        %swap3A_310 = arith.constant 32 : index
        %swap3A_311 = tpu.vector_load %arg6[%swap3A_309, %swap3A_310] {strides = array<i32>} : memref<2x128xi32, #tpu.memory_space<vmem>>, vector<16xi32>,
        tpu.vector_store %arg6[%swap3A_309, %swap3A_310], %and3A_307 {strides = array<i32>} : memref<2x128xi32, #tpu.memory_space<vmem>>, vector<16xi32>,
        %shift_right_arithmetic3A_312 = arith.constant 16 : i32
        %shift_right_arithmetic3A_313 = vector.broadcast %shift_right_arithmetic3A_312 : i32 to vector<16xi32>
        %shift_right_arithmetic3A_314 = arith.shrsi %get3A_304, %shift_right_arithmetic3A_313 : vector<16xi32>
        %swap3A_315 = arith.constant 0 : i32
        %swap3A_316 = arith.index_cast %swap3A_315 : i32 to index
        %swap3A_317 = arith.constant 32 : index
        %swap3A_318 = tpu.vector_load %arg7[%swap3A_316, %swap3A_317] {strides = array<i32>} : memref<2x128xi32, #tpu.memory_space<vmem>>, vector<16xi32>,
        tpu.vector_store %arg7[%swap3A_316, %swap3A_317], %shift_right_arithmetic3A_314 {strides = array<i32>} : memref<2x128xi32, #tpu.memory_space<vmem>>, vector<16xi32>,
        %get3A_319 = arith.constant 48 : index
        %get3A_320 = tpu.vector_load %arg8[%get3A_319] {strides = array<i32>} : memref<512xi32, #tpu.memory_space<vmem>>, vector<16xi32>,
        %and3A_321 = arith.constant 65535 : i32
        %and3A_322 = vector.broadcast %and3A_321 : i32 to vector<16xi32>
        %and3A_323 = arith.andi %get3A_320, %and3A_322 : vector<16xi32>
        %swap3A_324 = arith.constant 0 : i32
        %swap3A_325 = arith.index_cast %swap3A_324 : i32 to index
        %swap3A_326 = arith.constant 48 : index
        %swap3A_327 = tpu.vector_load %arg6[%swap3A_325, %swap3A_326] {strides = array<i32>} : memref<2x128xi32, #tpu.memory_space<vmem>>, vector<16xi32>,
        tpu.vector_store %arg6[%swap3A_325, %swap3A_326], %and3A_323 {strides = array<i32>} : memref<2x128xi32, #tpu.memory_space<vmem>>, vector<16xi32>,
        %shift_right_arithmetic3A_328 = arith.constant 16 : i32
        %shift_right_arithmetic3A_329 = vector.broadcast %shift_right_arithmetic3A_328 : i32 to vector<16xi32>
        %shift_right_arithmetic3A_330 = arith.shrsi %get3A_320, %shift_right_arithmetic3A_329 : vector<16xi32>
        %swap3A_331 = arith.constant 0 : i32
        %swap3A_332 = arith.index_cast %swap3A_331 : i32 to index
        %swap3A_333 = arith.constant 48 : index
        %swap3A_334 = tpu.vector_load %arg7[%swap3A_332, %swap3A_333] {strides = array<i32>} : memref<2x128xi32, #tpu.memory_space<vmem>>, vector<16xi32>,
        tpu.vector_store %arg7[%swap3A_332, %swap3A_333], %shift_right_arithmetic3A_330 {strides = array<i32>} : memref<2x128xi32, #tpu.memory_space<vmem>>, vector<16xi32>,
        %get3A_335 = arith.constant 64 : index
        %get3A_336 = tpu.vector_load %arg8[%get3A_335] {strides = array<i32>} : memref<512xi32, #tpu.memory_space<vmem>>, vector<16xi32>,
        %and3A_337 = arith.constant 65535 : i32
        %and3A_338 = vector.broadcast %and3A_337 : i32 to vector<16xi32>
        %and3A_339 = arith.andi %get3A_336, %and3A_338 : vector<16xi32>
        %swap3A_340 = arith.constant 0 : i32
        %swap3A_341 = arith.index_cast %swap3A_340 : i32 to index
        %swap3A_342 = arith.constant 64 : index
        %swap3A_343 = tpu.vector_load %arg6[%swap3A_341, %swap3A_342] {strides = array<i32>} : memref<2x128xi32, #tpu.memory_space<vmem>>, vector<16xi32>,
        tpu.vector_store %arg6[%swap3A_341, %swap3A_342], %and3A_339 {strides = array<i32>} : memref<2x128xi32, #tpu.memory_space<vmem>>, vector<16xi32>,
        %shift_right_arithmetic3A_344 = arith.constant 16 : i32
        %shift_right_arithmetic3A_345 = vector.broadcast %shift_right_arithmetic3A_344 : i32 to vector<16xi32>
        %shift_right_arithmetic3A_346 = arith.shrsi %get3A_336, %shift_right_arithmetic3A_345 : vector<16xi32>
        %swap3A_347 = arith.constant 0 : i32
        %swap3A_348 = arith.index_cast %swap3A_347 : i32 to index
        %swap3A_349 = arith.constant 64 : index
        %swap3A_350 = tpu.vector_load %arg7[%swap3A_348, %swap3A_349] {strides = array<i32>} : memref<2x128xi32, #tpu.memory_space<vmem>>, vector<16xi32>,
        tpu.vector_store %arg7[%swap3A_348, %swap3A_349], %shift_right_arithmetic3A_346 {strides = array<i32>} : memref<2x128xi32, #tpu.memory_space<vmem>>, vector<16xi32>,
        %get3A_351 = arith.constant 80 : index
        %get3A_352 = tpu.vector_load %arg8[%get3A_351] {strides = array<i32>} : memref<512xi32, #tpu.memory_space<vmem>>, vector<16xi32>,
        %and3A_353 = arith.constant 65535 : i32
        %and3A_354 = vector.broadcast %and3A_353 : i32 to vector<16xi32>
        %and3A_355 = arith.andi %get3A_352, %and3A_354 : vector<16xi32>
        %swap3A_356 = arith.constant 0 : i32
        %swap3A_357 = arith.index_cast %swap3A_356 : i32 to index
        %swap3A_358 = arith.constant 80 : index
        %swap3A_359 = tpu.vector_load %arg6[%swap3A_357, %swap3A_358] {strides = array<i32>} : memref<2x128xi32, #tpu.memory_space<vmem>>, vector<16xi32>,
        tpu.vector_store %arg6[%swap3A_357, %swap3A_358], %and3A_355 {strides = array<i32>} : memref<2x128xi32, #tpu.memory_space<vmem>>, vector<16xi32>,
        %shift_right_arithmetic3A_360 = arith.constant 16 : i32
        %shift_right_arithmetic3A_361 = vector.broadcast %shift_right_arithmetic3A_360 : i32 to vector<16xi32>
        %shift_right_arithmetic3A_362 = arith.shrsi %get3A_352, %shift_right_arithmetic3A_361 : vector<16xi32>
        %swap3A_363 = arith.constant 0 : i32
        %swap3A_364 = arith.index_cast %swap3A_363 : i32 to index
        %swap3A_365 = arith.constant 80 : index
        %swap3A_366 = tpu.vector_load %arg7[%swap3A_364, %swap3A_365] {strides = array<i32>} : memref<2x128xi32, #tpu.memory_space<vmem>>, vector<16xi32>,
        tpu.vector_store %arg7[%swap3A_364, %swap3A_365], %shift_right_arithmetic3A_362 {strides = array<i32>} : memref<2x128xi32, #tpu.memory_space<vmem>>, vector<16xi32>,
        %get3A_367 = arith.constant 96 : index
        %get3A_368 = tpu.vector_load %arg8[%get3A_367] {strides = array<i32>} : memref<512xi32, #tpu.memory_space<vmem>>, vector<16xi32>,
        %and3A_369 = arith.constant 65535 : i32
        %and3A_370 = vector.broadcast %and3A_369 : i32 to vector<16xi32>
        %and3A_371 = arith.andi %get3A_368, %and3A_370 : vector<16xi32>
        %swap3A_372 = arith.constant 0 : i32
        %swap3A_373 = arith.index_cast %swap3A_372 : i32 to index
        %swap3A_374 = arith.constant 96 : index
        %swap3A_375 = tpu.vector_load %arg6[%swap3A_373, %swap3A_374] {strides = array<i32>} : memref<2x128xi32, #tpu.memory_space<vmem>>, vector<16xi32>,
        tpu.vector_store %arg6[%swap3A_373, %swap3A_374], %and3A_371 {strides = array<i32>} : memref<2x128xi32, #tpu.memory_space<vmem>>, vector<16xi32>,
        %shift_right_arithmetic3A_376 = arith.constant 16 : i32
        %shift_right_arithmetic3A_377 = vector.broadcast %shift_right_arithmetic3A_376 : i32 to vector<16xi32>
        %shift_right_arithmetic3A_378 = arith.shrsi %get3A_368, %shift_right_arithmetic3A_377 : vector<16xi32>
        %swap3A_379 = arith.constant 0 : i32
        %swap3A_380 = arith.index_cast %swap3A_379 : i32 to index
        %swap3A_381 = arith.constant 96 : index
        %swap3A_382 = tpu.vector_load %arg7[%swap3A_380, %swap3A_381] {strides = array<i32>} : memref<2x128xi32, #tpu.memory_space<vmem>>, vector<16xi32>,
        tpu.vector_store %arg7[%swap3A_380, %swap3A_381], %shift_right_arithmetic3A_378 {strides = array<i32>} : memref<2x128xi32, #tpu.memory_space<vmem>>, vector<16xi32>,
        %get3A_383 = arith.constant 112 : index
        %get3A_384 = tpu.vector_load %arg8[%get3A_383] {strides = array<i32>} : memref<512xi32, #tpu.memory_space<vmem>>, vector<16xi32>,
        %and3A_385 = arith.constant 65535 : i32
        %and3A_386 = vector.broadcast %and3A_385 : i32 to vector<16xi32>
        %and3A_387 = arith.andi %get3A_384, %and3A_386 : vector<16xi32>
        %swap3A_388 = arith.constant 0 : i32
        %swap3A_389 = arith.index_cast %swap3A_388 : i32 to index
        %swap3A_390 = arith.constant 112 : index
        %swap3A_391 = tpu.vector_load %arg6[%swap3A_389, %swap3A_390] {strides = array<i32>} : memref<2x128xi32, #tpu.memory_space<vmem>>, vector<16xi32>,
        tpu.vector_store %arg6[%swap3A_389, %swap3A_390], %and3A_387 {strides = array<i32>} : memref<2x128xi32, #tpu.memory_space<vmem>>, vector<16xi32>,
        %shift_right_arithmetic3A_392 = arith.constant 16 : i32
        %shift_right_arithmetic3A_393 = vector.broadcast %shift_right_arithmetic3A_392 : i32 to vector<16xi32>
        %shift_right_arithmetic3A_394 = arith.shrsi %get3A_384, %shift_right_arithmetic3A_393 : vector<16xi32>
        %swap3A_395 = arith.constant 0 : i32
        %swap3A_396 = arith.index_cast %swap3A_395 : i32 to index
        %swap3A_397 = arith.constant 112 : index
        %swap3A_398 = tpu.vector_load %arg7[%swap3A_396, %swap3A_397] {strides = array<i32>} : memref<2x128xi32, #tpu.memory_space<vmem>>, vector<16xi32>,
        tpu.vector_store %arg7[%swap3A_396, %swap3A_397], %shift_right_arithmetic3A_394 {strides = array<i32>} : memref<2x128xi32, #tpu.memory_space<vmem>>, vector<16xi32>,
        %dma_start3A_399 = arith.constant 0 : i32
        %dma_start3A_400 = arith.constant 0 : i32
        %dma_start3A_401 = arith.constant 0 : i32
        %dma_start3A_402 = arith.constant 0 : i32
        %dma_start3A_403 = tpu.memref_slice %arg9[%dma_start3A_400, %dma_start3A_401, %dma_start3A_402] : memref<2x128x128xf32, #tpu.memory_space<vmem>> -> memref<1x128x128xf32, #tpu.memory_space<vmem>>
        %dma_start3A_404 = tpu.memref_squeeze %dma_start3A_403 : memref<1x128x128xf32, #tpu.memory_space<vmem>> -> memref<128x128xf32, #tpu.memory_space<vmem>>
        %dma_start3A_405 = arith.constant 0 : i32
        %dma_start3A_406 = tpu.memref_slice %arg6[%dma_start3A_399, %dma_start3A_405] : memref<2x128xi32, #tpu.memory_space<vmem>> -> memref<1x128xi32, #tpu.memory_space<vmem>>
        %dma_start3A_407 = tpu.memref_squeeze %dma_start3A_406 : memref<1x128xi32, #tpu.memory_space<vmem>> -> memref<128xi32, #tpu.memory_space<vmem>>
        %dma_start3A_408 = arith.constant 0 : i32
        %dma_start3A_409 = arith.constant 0 : i32
        %dma_start3A_410 = tpu.memref_slice %arg2[%dma_start3A_408, %dma_start3A_409] : memref<10000x128xf32, #tpu.memory_space<hbm>> -> memref<10000x128xf32, #tpu.memory_space<hbm>>
        tpu.enqueue_indirect_dma source(%dma_start3A_410 : memref<10000x128xf32, #tpu.memory_space<hbm>>) target(%dma_start3A_404 : memref<128x128xf32, #tpu.memory_space<vmem>>) offsets(%dma_start3A_407 : memref<128xi32, #tpu.memory_space<vmem>>) semaphore(%arg13 : memref<!tpu.dma_semaphore, #tpu.memory_space<semaphore_mem>>)
      } else {
      }
      %mul3A_241 = arith.constant 32 : i32
      %mul3A_242 = arith.muli %add3A_217, %mul3A_241 : i32
      %add3A_243 = arith.addi %add3A, %mul3A_242 : i32
      %lt3A_244 = arith.constant 2500 : i32
      %lt3A_245 = arith.cmpi slt, %add3A_243, %lt3A_244 : i32
      %convert_element_type3A_246 = arith.extui %lt3A_245 : i1 to i32
      %cond3A_247 = arith.constant 0 : i32
      %cond3A_248 = arith.cmpi ne, %convert_element_type3A_246, %cond3A_247 : i32
      scf.if %cond3A_248 {
        %dma_wait3A = arith.constant 1 : i32
        %dma_wait3A_259 = arith.constant 1 : i32
        %dma_wait3A_260 = arith.constant 0 : i32
        %dma_wait3A_261 = arith.constant 0 : i32
        %dma_wait3A_262 = tpu.memref_slice %arg9[%dma_wait3A_259, %dma_wait3A_260, %dma_wait3A_261] : memref<2x128x128xf32, #tpu.memory_space<vmem>> -> memref<1x128x128xf32, #tpu.memory_space<vmem>>
        %dma_wait3A_263 = tpu.memref_squeeze %dma_wait3A_262 : memref<1x128x128xf32, #tpu.memory_space<vmem>> -> memref<128x128xf32, #tpu.memory_space<vmem>>
        %dma_wait3A_264 = arith.constant 0 : i32
        %dma_wait3A_265 = tpu.memref_slice %arg6[%dma_wait3A, %dma_wait3A_264] : memref<2x128xi32, #tpu.memory_space<vmem>> -> memref<1x128xi32, #tpu.memory_space<vmem>>
        %dma_wait3A_266 = tpu.memref_squeeze %dma_wait3A_265 : memref<1x128xi32, #tpu.memory_space<vmem>> -> memref<128xi32, #tpu.memory_space<vmem>>
        %dma_wait3A_267 = arith.constant 0 : i32
        %dma_wait3A_268 = arith.constant 0 : i32
        %dma_wait3A_269 = tpu.memref_slice %arg2[%dma_wait3A_267, %dma_wait3A_268] : memref<10000x128xf32, #tpu.memory_space<hbm>> -> memref<10000x128xf32, #tpu.memory_space<hbm>>
        tpu.wait_indirect_dma semaphore(%arg14 : memref<!tpu.dma_semaphore, #tpu.memory_space<semaphore_mem>>) src(%dma_wait3A_269 : memref<10000x128xf32, #tpu.memory_space<hbm>>) dst(%dma_wait3A_263 : memref<128x128xf32, #tpu.memory_space<vmem>>)
        %dma_start3A_270 = arith.constant 1 : i32
        %dma_start3A_271 = arith.constant 1 : i32
        %dma_start3A_272 = arith.constant 0 : i32
        %dma_start3A_273 = arith.constant 0 : i32
        %dma_start3A_274 = tpu.memref_slice %arg9[%dma_start3A_270, %dma_start3A_272, %dma_start3A_273] : memref<2x128x128xf32, #tpu.memory_space<vmem>> -> memref<1x128x128xf32, #tpu.memory_space<vmem>>
        %dma_start3A_275 = tpu.memref_squeeze %dma_start3A_274 : memref<1x128x128xf32, #tpu.memory_space<vmem>> -> memref<128x128xf32, #tpu.memory_space<vmem>>
        %dma_start3A_276 = arith.constant 0 : i32
        %dma_start3A_277 = tpu.memref_slice %arg7[%dma_start3A_271, %dma_start3A_276] : memref<2x128xi32, #tpu.memory_space<vmem>> -> memref<1x128xi32, #tpu.memory_space<vmem>>
        %dma_start3A_278 = tpu.memref_squeeze %dma_start3A_277 : memref<1x128xi32, #tpu.memory_space<vmem>> -> memref<128xi32, #tpu.memory_space<vmem>>
        %dma_start3A_279 = arith.constant 0 : i32
        %dma_start3A_280 = arith.constant 0 : i32
        %dma_start3A_281 = tpu.memref_slice %arg10[%dma_start3A_279, %dma_start3A_280] : memref<10000x128xf32, #tpu.memory_space<vmem_shared>> -> memref<10000x128xf32, #tpu.memory_space<vmem_shared>>
        tpu.enqueue_indirect_dma source(%dma_start3A_275 : memref<128x128xf32, #tpu.memory_space<vmem>>) target(%dma_start3A_281 : memref<10000x128xf32, #tpu.memory_space<vmem_shared>>) offsets(%dma_start3A_278 : memref<128xi32, #tpu.memory_space<vmem>>) semaphore(%arg16 : memref<!tpu.dma_semaphore, #tpu.memory_space<semaphore_mem>>) {add = true}
      } else {
      }
      %add3A_249 = arith.constant 2 : i32
      %add3A_250 = arith.addi %add3A_217, %add3A_249 : i32
      %mul3A_251 = arith.constant 32 : i32
      %mul3A_252 = arith.muli %add3A_250, %mul3A_251 : i32
      %add3A_253 = arith.addi %add3A, %mul3A_252 : i32
      %lt3A_254 = arith.constant 2500 : i32
      %lt3A_255 = arith.cmpi slt, %add3A_253, %lt3A_254 : i32
      %convert_element_type3A_256 = arith.extui %lt3A_255 : i1 to i32
      %cond3A_257 = arith.constant 0 : i32
      %cond3A_258 = arith.cmpi ne, %convert_element_type3A_256, %cond3A_257 : i32
      scf.if %cond3A_258 {
        %add3A_259 = arith.constant 2 : i32
        %add3A_260 = arith.addi %add3A_217, %add3A_259 : i32
        %mul3A_261 = arith.constant 32 : i32
        %mul3A_262 = arith.muli %add3A_260, %mul3A_261 : i32
        %add3A_263 = arith.addi %add3A, %mul3A_262 : i32
        %mul3A_264 = arith.constant 256 : i32
        %mul3A_265 = arith.muli %add3A_263, %mul3A_264 : i32
        %dma_start3A_266 = arith.constant 256 : i32
        %dma_start3A_267 = tpu.memref_slice %arg8[%dma_start3A_266] : memref<512xi32, #tpu.memory_space<vmem>> -> memref<256xi32, #tpu.memory_space<vmem>>
        %dma_start3A_268 = tpu.memref_slice %arg3[%mul3A_265] : memref<640000xi32, #tpu.memory_space<hbm>> -> memref<256xi32, #tpu.memory_space<hbm>>
        %dma_start3A_269 = arith.constant 256 : i32
        %dma_start3A_270 = tpu.memref_slice %arg8[%dma_start3A_269] : memref<512xi32, #tpu.memory_space<vmem>> -> memref<256xi32, #tpu.memory_space<vmem>>
        %dma_start3A_271 = tpu.memref_slice %arg3[%mul3A_265] : memref<640000xi32, #tpu.memory_space<hbm>> -> memref<256xi32, #tpu.memory_space<hbm>>
        tpu.enqueue_dma source(%dma_start3A_271 : memref<256xi32, #tpu.memory_space<hbm>>) target(%dma_start3A_270 : memref<256xi32, #tpu.memory_space<vmem>>) target_semaphore(%arg12 : memref<!tpu.dma_semaphore, #tpu.memory_space<semaphore_mem>>)
      } else {
      }
    }
    %scan3A_158 = arith.constant 40 : i32
    %barrier3A_159 = arith.constant 0 : index
    tpu.barrier barrier_id(%barrier3A_159)
    %lt3A_160 = arith.constant 15 : i32
    %lt3A_161 = arith.cmpi slt, %arg1, %lt3A_160 : i32
    %convert_element_type3A_162 = arith.extui %lt3A_161 : i1 to i32
    %cond3A_163 = arith.constant 0 : i32
    %cond3A_164 = arith.cmpi ne, %convert_element_type3A_162, %cond3A_163 : i32
    scf.if %cond3A_164 {
      "tpu.region"() ({
        %run_scoped3A = tpu.sem_alloc : memref<!tpu.dma_semaphore, #tpu.memory_space<semaphore_mem>>
        %dma_start3A_170 = arith.constant 0 : i32
        %dma_start3A_171 = arith.constant 0 : i32
        %dma_start3A_172 = tpu.memref_slice %arg5[%arg0, %dma_start3A_170, %dma_start3A_171] : memref<2x10000x128xf32, #tpu.memory_space<hbm>> -> memref<1x10000x128xf32, #tpu.memory_space<hbm>>
        %dma_start3A_173 = tpu.memref_squeeze %dma_start3A_172 : memref<1x10000x128xf32, #tpu.memory_space<hbm>> -> memref<10000x128xf32, #tpu.memory_space<hbm>>
        %dma_start3A_174 = arith.constant 0 : i32
        %dma_start3A_175 = tpu.memref_slice %dma_start3A_173[%mul3A_2, %dma_start3A_174] : memref<10000x128xf32, #tpu.memory_space<hbm>> -> memref<624x128xf32, #tpu.memory_space<hbm>>
        %dma_start3A_176 = arith.constant 0 : i32
        %dma_start3A_177 = tpu.memref_slice %arg10[%mul3A_2, %dma_start3A_176] : memref<10000x128xf32, #tpu.memory_space<vmem_shared>> -> memref<624x128xf32, #tpu.memory_space<vmem_shared>>
        tpu.enqueue_dma source(%dma_start3A_177 : memref<624x128xf32, #tpu.memory_space<vmem_shared>>) target(%dma_start3A_175 : memref<624x128xf32, #tpu.memory_space<hbm>>) target_semaphore(%run_scoped3A : memref<!tpu.dma_semaphore, #tpu.memory_space<semaphore_mem>>)
        %dma_wait3A = arith.constant 0 : i32
        %dma_wait3A_178 = arith.constant 0 : i32
        %dma_wait3A_179 = tpu.memref_slice %arg5[%arg0, %dma_wait3A, %dma_wait3A_178] : memref<2x10000x128xf32, #tpu.memory_space<hbm>> -> memref<1x10000x128xf32, #tpu.memory_space<hbm>>
        %dma_wait3A_180 = tpu.memref_squeeze %dma_wait3A_179 : memref<1x10000x128xf32, #tpu.memory_space<hbm>> -> memref<10000x128xf32, #tpu.memory_space<hbm>>
        %dma_wait3A_181 = arith.constant 0 : i32
        %dma_wait3A_182 = tpu.memref_slice %dma_wait3A_180[%mul3A_2, %dma_wait3A_181] : memref<10000x128xf32, #tpu.memory_space<hbm>> -> memref<624x128xf32, #tpu.memory_space<hbm>>
        %dma_wait3A_183 = arith.constant 0 : i32
        %dma_wait3A_184 = tpu.memref_slice %arg10[%mul3A_2, %dma_wait3A_183] : memref<10000x128xf32, #tpu.memory_space<vmem_shared>> -> memref<624x128xf32, #tpu.memory_space<vmem_shared>>
        tpu.wait_dma2 semaphore(%run_scoped3A : memref<!tpu.dma_semaphore, #tpu.memory_space<semaphore_mem>>) src(%dma_wait3A_184 : memref<624x128xf32, #tpu.memory_space<vmem_shared>>) dst(%dma_wait3A_182 : memref<624x128xf32, #tpu.memory_space<hbm>>)
        tpu.yield
      }) : () -> ()
    } else {
    }
    %eq3A_165 = arith.constant 15 : i32
    %eq3A_166 = arith.cmpi eq, %arg1, %eq3A_165 : i32
    %convert_element_type3A_167 = arith.extui %eq3A_166 : i1 to i32
    %cond3A_168 = arith.constant 0 : i32
    %cond3A_169 = arith.cmpi ne, %convert_element_type3A_167, %cond3A_168 : i32
    scf.if %cond3A_169 {
      "tpu.region"() ({
        %run_scoped3A = tpu.sem_alloc : memref<!tpu.dma_semaphore, #tpu.memory_space<semaphore_mem>>
        %dma_start3A_170 = arith.constant 0 : i32
        %dma_start3A_171 = arith.constant 0 : i32
        %dma_start3A_172 = tpu.memref_slice %arg5[%arg0, %dma_start3A_170, %dma_start3A_171] : memref<2x10000x128xf32, #tpu.memory_space<hbm>> -> memref<1x10000x128xf32, #tpu.memory_space<hbm>>
        %dma_start3A_173 = tpu.memref_squeeze %dma_start3A_172 : memref<1x10000x128xf32, #tpu.memory_space<hbm>> -> memref<10000x128xf32, #tpu.memory_space<hbm>>
        %dma_start3A_174 = arith.constant 9360 : i32
        %dma_start3A_175 = arith.constant 0 : i32
        %dma_start3A_176 = tpu.memref_slice %dma_start3A_173[%dma_start3A_174, %dma_start3A_175] : memref<10000x128xf32, #tpu.memory_space<hbm>> -> memref<640x128xf32, #tpu.memory_space<hbm>>
        %dma_start3A_177 = arith.constant 9360 : i32
        %dma_start3A_178 = arith.constant 0 : i32
        %dma_start3A_179 = tpu.memref_slice %arg10[%dma_start3A_177, %dma_start3A_178] : memref<10000x128xf32, #tpu.memory_space<vmem_shared>> -> memref<640x128xf32, #tpu.memory_space<vmem_shared>>
        tpu.enqueue_dma source(%dma_start3A_179 : memref<640x128xf32, #tpu.memory_space<vmem_shared>>) target(%dma_start3A_176 : memref<640x128xf32, #tpu.memory_space<hbm>>) target_semaphore(%run_scoped3A : memref<!tpu.dma_semaphore, #tpu.memory_space<semaphore_mem>>)
        %dma_wait3A = arith.constant 0 : i32
        %dma_wait3A_180 = arith.constant 0 : i32
        %dma_wait3A_181 = tpu.memref_slice %arg5[%arg0, %dma_wait3A, %dma_wait3A_180] : memref<2x10000x128xf32, #tpu.memory_space<hbm>> -> memref<1x10000x128xf32, #tpu.memory_space<hbm>>
        %dma_wait3A_182 = tpu.memref_squeeze %dma_wait3A_181 : memref<1x10000x128xf32, #tpu.memory_space<hbm>> -> memref<10000x128xf32, #tpu.memory_space<hbm>>
        %dma_wait3A_183 = arith.constant 9360 : i32
        %dma_wait3A_184 = arith.constant 0 : i32
        %dma_wait3A_185 = tpu.memref_slice %dma_wait3A_182[%dma_wait3A_183, %dma_wait3A_184] : memref<10000x128xf32, #tpu.memory_space<hbm>> -> memref<640x128xf32, #tpu.memory_space<hbm>>
        %dma_wait3A_186 = arith.constant 9360 : i32
        %dma_wait3A_187 = arith.constant 0 : i32
        %dma_wait3A_188 = tpu.memref_slice %arg10[%dma_wait3A_186, %dma_wait3A_187] : memref<10000x128xf32, #tpu.memory_space<vmem_shared>> -> memref<640x128xf32, #tpu.memory_space<vmem_shared>>
        tpu.wait_dma2 semaphore(%run_scoped3A : memref<!tpu.dma_semaphore, #tpu.memory_space<semaphore_mem>>) src(%dma_wait3A_188 : memref<640x128xf32, #tpu.memory_space<vmem_shared>>) dst(%dma_wait3A_185 : memref<640x128xf32, #tpu.memory_space<hbm>>)
        tpu.yield
      }) : () -> ()
    } else {
    }
    return
  }
}

#map = affine_map<(d0, d1) -> (0, 0)>
#map1 = affine_map<(d0, d1) -> (0)>
#map2 = affine_map<(d0, d1) -> (0, 0, 0)>
module attributes {stable_mosaic.version = 14 : i64} {
  func.func @spmm_kernel(%arg0: i32, %arg1: i32, %arg2: memref<10000x128xf32, #tpu.memory_space<hbm>>, %arg3: memref<640000xi32, #tpu.memory_space<hbm>>, %arg4: memref<640x128xf32, #tpu.memory_space<hbm>>, %arg5: memref<2x10000x128xf32, #tpu.memory_space<hbm>>, %arg6: memref<2x128xi32, #tpu.memory_space<vmem>>, %arg7: memref<2x128xi32, #tpu.memory_space<vmem>>, %arg8: memref<512xi32, #tpu.memory_space<vmem>>, %arg9: memref<2x128x128xf32, #tpu.memory_space<vmem>>, %arg10: memref<10000x128xf32, #tpu.memory_space<vmem_shared>>, %arg11: memref<!tpu.dma_semaphore, #tpu.memory_space<semaphore_mem>>, %arg12: memref<!tpu.dma_semaphore, #tpu.memory_space<semaphore_mem>>, %arg13: memref<!tpu.dma_semaphore, #tpu.memory_space<semaphore_mem>>, %arg14: memref<!tpu.dma_semaphore, #tpu.memory_space<semaphore_mem>>, %arg15: memref<!tpu.dma_semaphore, #tpu.memory_space<semaphore_mem>>, %arg16: memref<!tpu.dma_semaphore, #tpu.memory_space<semaphore_mem>>) attributes {dimension_semantics = [#tpu.dimension_semantics<core_parallel>, #tpu.dimension_semantics<subcore_parallel>], iteration_bounds = array<i64: 2, 16>, scalar_prefetch = 0 : i64, scratch_operands = 11 : i64, tpu.core_type = #tpu.core_type<sc_vector_subcore>, window_params = [{transform_indices = #map}, {transform_indices = #map1}, {transform_indices = #map}, {transform_indices = #map2}]} {
    %mul3A = arith.constant 2 : i32
    %mul3A_0 = arith.muli %arg1, %mul3A : i32
    %add3A = arith.addi %mul3A_0, %arg0 : i32
    %mul3A_1 = arith.constant 624 : i32
    %mul3A_2 = arith.muli %arg1, %mul3A_1 : i32
    %lt3A = arith.constant 15 : i32
    %lt3A_3 = arith.cmpi slt, %arg1, %lt3A : i32
    %convert_element_type3A = arith.extui %lt3A_3 : i1 to i32
    %cond3A = arith.constant 0 : i32
    %cond3A_4 = arith.cmpi ne, %convert_element_type3A, %cond3A : i32
    scf.if %cond3A_4 {
      "tpu.region"() ({
        %run_scoped3A = tpu.sem_alloc : memref<!tpu.dma_semaphore, #tpu.memory_space<semaphore_mem>>
        %dma_start3A_170 = arith.constant 0 : i32
        %dma_start3A_171 = tpu.memref_slice %arg10[%mul3A_2, %dma_start3A_170] : memref<10000x128xf32, #tpu.memory_space<vmem_shared>> -> memref<624x128xf32, #tpu.memory_space<vmem_shared>>
        %dma_start3A_172 = arith.constant 0 : i32
        %dma_start3A_173 = arith.constant 0 : i32
        %dma_start3A_174 = tpu.memref_slice %arg4[%dma_start3A_172, %dma_start3A_173] : memref<640x128xf32, #tpu.memory_space<hbm>> -> memref<624x128xf32, #tpu.memory_space<hbm>>
        tpu.enqueue_dma source(%dma_start3A_174 : memref<624x128xf32, #tpu.memory_space<hbm>>) target(%dma_start3A_171 : memref<624x128xf32, #tpu.memory_space<vmem_shared>>) target_semaphore(%run_scoped3A : memref<!tpu.dma_semaphore, #tpu.memory_space<semaphore_mem>>)
        %dma_wait3A = arith.constant 0 : i32
        %dma_wait3A_175 = tpu.memref_slice %arg10[%mul3A_2, %dma_wait3A] : memref<10000x128xf32, #tpu.memory_space<vmem_shared>> -> memref<624x128xf32, #tpu.memory_space<vmem_shared>>
        %dma_wait3A_176 = arith.constant 0 : i32
        %dma_wait3A_177 = arith.constant 0 : i32
        %dma_wait3A_178 = tpu.memref_slice %arg4[%dma_wait3A_176, %dma_wait3A_177] : memref<640x128xf32, #tpu.memory_space<hbm>> -> memref<624x128xf32, #tpu.memory_space<hbm>>
        tpu.wait_dma2 semaphore(%run_scoped3A : memref<!tpu.dma_semaphore, #tpu.memory_space<semaphore_mem>>) src(%dma_wait3A_178 : memref<624x128xf32, #tpu.memory_space<hbm>>) dst(%dma_wait3A_175 : memref<624x128xf32, #tpu.memory_space<vmem_shared>>)
        tpu.yield
      }) : () -> ()
    } else {
    }
    %eq3A = arith.constant 15 : i32
    %eq3A_5 = arith.cmpi eq, %arg1, %eq3A : i32
    %convert_element_type3A_6 = arith.extui %eq3A_5 : i1 to i32
    %cond3A_7 = arith.constant 0 : i32
    %cond3A_8 = arith.cmpi ne, %convert_element_type3A_6, %cond3A_7 : i32
    scf.if %cond3A_8 {
      "tpu.region"() ({
        %run_scoped3A = tpu.sem_alloc : memref<!tpu.dma_semaphore, #tpu.memory_space<semaphore_mem>>
        %dma_start3A_170 = arith.constant 9360 : i32
        %dma_start3A_171 = arith.constant 0 : i32
        %dma_start3A_172 = tpu.memref_slice %arg10[%dma_start3A_170, %dma_start3A_171] : memref<10000x128xf32, #tpu.memory_space<vmem_shared>> -> memref<640x128xf32, #tpu.memory_space<vmem_shared>>
        tpu.enqueue_dma source(%arg4 : memref<640x128xf32, #tpu.memory_space<hbm>>) target(%dma_start3A_172 : memref<640x128xf32, #tpu.memory_space<vmem_shared>>) target_semaphore(%run_scoped3A : memref<!tpu.dma_semaphore, #tpu.memory_space<semaphore_mem>>)
        %dma_wait3A = arith.constant 9360 : i32
        %dma_wait3A_173 = arith.constant 0 : i32
        %dma_wait3A_174 = tpu.memref_slice %arg10[%dma_wait3A, %dma_wait3A_173] : memref<10000x128xf32, #tpu.memory_space<vmem_shared>> -> memref<640x128xf32, #tpu.memory_space<vmem_shared>>
        tpu.wait_dma2 semaphore(%run_scoped3A : memref<!tpu.dma_semaphore, #tpu.memory_space<semaphore_mem>>) src(%arg4 : memref<640x128xf32, #tpu.memory_space<hbm>>) dst(%dma_wait3A_174 : memref<640x128xf32, #tpu.memory_space<vmem_shared>>)
        tpu.yield
      }) : () -> ()
    } else {
    }
    %barrier3A = arith.constant 0 : index
    tpu.barrier barrier_id(%barrier3A)
    %add3A_9 = arith.constant 0 : i32
    %add3A_10 = arith.addi %add3A, %add3A_9 : i32
    %mul3A_11 = arith.constant 256 : i32
    %mul3A_12 = arith.muli %add3A_10, %mul3A_11 : i32
    "tpu.region"() ({
      %run_scoped3A = tpu.sem_alloc : memref<!tpu.dma_semaphore, #tpu.memory_space<semaphore_mem>>
      %dma_start3A_170 = arith.constant 0 : i32
      %dma_start3A_171 = tpu.memref_slice %arg8[%dma_start3A_170] : memref<512xi32, #tpu.memory_space<vmem>> -> memref<256xi32, #tpu.memory_space<vmem>>
      %dma_start3A_172 = tpu.memref_slice %arg3[%mul3A_12] : memref<640000xi32, #tpu.memory_space<hbm>> -> memref<256xi32, #tpu.memory_space<hbm>>
      %dma_start3A_173 = arith.constant 0 : i32
      %dma_start3A_174 = tpu.memref_slice %arg8[%dma_start3A_173] : memref<512xi32, #tpu.memory_space<vmem>> -> memref<256xi32, #tpu.memory_space<vmem>>
      %dma_start3A_175 = tpu.memref_slice %arg3[%mul3A_12] : memref<640000xi32, #tpu.memory_space<hbm>> -> memref<256xi32, #tpu.memory_space<hbm>>
      tpu.enqueue_dma source(%dma_start3A_175 : memref<256xi32, #tpu.memory_space<hbm>>) target(%dma_start3A_174 : memref<256xi32, #tpu.memory_space<vmem>>) target_semaphore(%run_scoped3A : memref<!tpu.dma_semaphore, #tpu.memory_space<semaphore_mem>>)
      %dma_wait3A = arith.constant 0 : i32
      %dma_wait3A_176 = tpu.memref_slice %arg8[%dma_wait3A] : memref<512xi32, #tpu.memory_space<vmem>> -> memref<256xi32, #tpu.memory_space<vmem>>
      %dma_wait3A_177 = tpu.memref_slice %arg3[%mul3A_12] : memref<640000xi32, #tpu.memory_space<hbm>> -> memref<256xi32, #tpu.memory_space<hbm>>
      %dma_wait3A_178 = arith.constant 0 : i32
      %dma_wait3A_179 = tpu.memref_slice %arg8[%dma_wait3A_178] : memref<512xi32, #tpu.memory_space<vmem>> -> memref<256xi32, #tpu.memory_space<vmem>>
      %dma_wait3A_180 = tpu.memref_slice %arg3[%mul3A_12] : memref<640000xi32, #tpu.memory_space<hbm>> -> memref<256xi32, #tpu.memory_space<hbm>>
      tpu.wait_dma2 semaphore(%run_scoped3A : memref<!tpu.dma_semaphore, #tpu.memory_space<semaphore_mem>>) src(%dma_wait3A_180 : memref<256xi32, #tpu.memory_space<hbm>>) dst(%dma_wait3A_179 : memref<256xi32, #tpu.memory_space<vmem>>)
      tpu.yield
    }) : () -> ()
    %get3A = arith.constant 0 : index
    %get3A_13 = tpu.vector_load %arg8[%get3A] {strides = array<i32>} : memref<512xi32, #tpu.memory_space<vmem>>, vector<16xi32>,
    %and3A = arith.constant 65535 : i32
    %and3A_14 = vector.broadcast %and3A : i32 to vector<16xi32>
    %and3A_15 = arith.andi %get3A_13, %and3A_14 : vector<16xi32>
    %swap3A = arith.constant 0 : i32
    %swap3A_16 = arith.index_cast %swap3A : i32 to index
    %swap3A_17 = arith.constant 0 : index
    %swap3A_18 = tpu.vector_load %arg6[%swap3A_16, %swap3A_17] {strides = array<i32>} : memref<2x128xi32, #tpu.memory_space<vmem>>, vector<16xi32>,
    tpu.vector_store %arg6[%swap3A_16, %swap3A_17], %and3A_15 {strides = array<i32>} : memref<2x128xi32, #tpu.memory_space<vmem>>, vector<16xi32>,
    %shift_right_arithmetic3A = arith.constant 16 : i32
    %shift_right_arithmetic3A_19 = vector.broadcast %shift_right_arithmetic3A : i32 to vector<16xi32>
    %shift_right_arithmetic3A_20 = arith.shrsi %get3A_13, %shift_right_arithmetic3A_19 : vector<16xi32>
    %swap3A_21 = arith.constant 0 : i32
    %swap3A_22 = arith.index_cast %swap3A_21 : i32 to index
    %swap3A_23 = arith.constant 0 : index
    %swap3A_24 = tpu.vector_load %arg7[%swap3A_22, %swap3A_23] {strides = array<i32>} : memref<2x128xi32, #tpu.memory_space<vmem>>, vector<16xi32>,
    tpu.vector_store %arg7[%swap3A_22, %swap3A_23], %shift_right_arithmetic3A_20 {strides = array<i32>} : memref<2x128xi32, #tpu.memory_space<vmem>>, vector<16xi32>,
    %get3A_25 = arith.constant 16 : index
    %get3A_26 = tpu.vector_load %arg8[%get3A_25] {strides = array<i32>} : memref<512xi32, #tpu.memory_space<vmem>>, vector<16xi32>,
    %and3A_27 = arith.constant 65535 : i32
    %and3A_28 = vector.broadcast %and3A_27 : i32 to vector<16xi32>
    %and3A_29 = arith.andi %get3A_26, %and3A_28 : vector<16xi32>
    %swap3A_30 = arith.constant 0 : i32
    %swap3A_31 = arith.index_cast %swap3A_30 : i32 to index
    %swap3A_32 = arith.constant 16 : index
    %swap3A_33 = tpu.vector_load %arg6[%swap3A_31, %swap3A_32] {strides = array<i32>} : memref<2x128xi32, #tpu.memory_space<vmem>>, vector<16xi32>,
    tpu.vector_store %arg6[%swap3A_31, %swap3A_32], %and3A_29 {strides = array<i32>} : memref<2x128xi32, #tpu.memory_space<vmem>>, vector<16xi32>,
    %shift_right_arithmetic3A_34 = arith.constant 16 : i32
    %shift_right_arithmetic3A_35 = vector.broadcast %shift_right_arithmetic3A_34 : i32 to vector<16xi32>
    %shift_right_arithmetic3A_36 = arith.shrsi %get3A_26, %shift_right_arithmetic3A_35 : vector<16xi32>
    %swap3A_37 = arith.constant 0 : i32
    %swap3A_38 = arith.index_cast %swap3A_37 : i32 to index
    %swap3A_39 = arith.constant 16 : index
    %swap3A_40 = tpu.vector_load %arg7[%swap3A_38, %swap3A_39] {strides = array<i32>} : memref<2x128xi32, #tpu.memory_space<vmem>>, vector<16xi32>,
    tpu.vector_store %arg7[%swap3A_38, %swap3A_39], %shift_right_arithmetic3A_36 {strides = array<i32>} : memref<2x128xi32, #tpu.memory_space<vmem>>, vector<16xi32>,
    %get3A_41 = arith.constant 32 : index
    %get3A_42 = tpu.vector_load %arg8[%get3A_41] {strides = array<i32>} : memref<512xi32, #tpu.memory_space<vmem>>, vector<16xi32>,
    %and3A_43 = arith.constant 65535 : i32
    %and3A_44 = vector.broadcast %and3A_43 : i32 to vector<16xi32>
    %and3A_45 = arith.andi %get3A_42, %and3A_44 : vector<16xi32>
    %swap3A_46 = arith.constant 0 : i32
    %swap3A_47 = arith.index_cast %swap3A_46 : i32 to index
    %swap3A_48 = arith.constant 32 : index
    %swap3A_49 = tpu.vector_load %arg6[%swap3A_47, %swap3A_48] {strides = array<i32>} : memref<2x128xi32, #tpu.memory_space<vmem>>, vector<16xi32>,
    tpu.vector_store %arg6[%swap3A_47, %swap3A_48], %and3A_45 {strides = array<i32>} : memref<2x128xi32, #tpu.memory_space<vmem>>, vector<16xi32>,
    %shift_right_arithmetic3A_50 = arith.constant 16 : i32
    %shift_right_arithmetic3A_51 = vector.broadcast %shift_right_arithmetic3A_50 : i32 to vector<16xi32>
    %shift_right_arithmetic3A_52 = arith.shrsi %get3A_42, %shift_right_arithmetic3A_51 : vector<16xi32>
    %swap3A_53 = arith.constant 0 : i32
    %swap3A_54 = arith.index_cast %swap3A_53 : i32 to index
    %swap3A_55 = arith.constant 32 : index
    %swap3A_56 = tpu.vector_load %arg7[%swap3A_54, %swap3A_55] {strides = array<i32>} : memref<2x128xi32, #tpu.memory_space<vmem>>, vector<16xi32>,
    tpu.vector_store %arg7[%swap3A_54, %swap3A_55], %shift_right_arithmetic3A_52 {strides = array<i32>} : memref<2x128xi32, #tpu.memory_space<vmem>>, vector<16xi32>,
    %get3A_57 = arith.constant 48 : index
    %get3A_58 = tpu.vector_load %arg8[%get3A_57] {strides = array<i32>} : memref<512xi32, #tpu.memory_space<vmem>>, vector<16xi32>,
    %and3A_59 = arith.constant 65535 : i32
    %and3A_60 = vector.broadcast %and3A_59 : i32 to vector<16xi32>
    %and3A_61 = arith.andi %get3A_58, %and3A_60 : vector<16xi32>
    %swap3A_62 = arith.constant 0 : i32
    %swap3A_63 = arith.index_cast %swap3A_62 : i32 to index
    %swap3A_64 = arith.constant 48 : index
    %swap3A_65 = tpu.vector_load %arg6[%swap3A_63, %swap3A_64] {strides = array<i32>} : memref<2x128xi32, #tpu.memory_space<vmem>>, vector<16xi32>,
    tpu.vector_store %arg6[%swap3A_63, %swap3A_64], %and3A_61 {strides = array<i32>} : memref<2x128xi32, #tpu.memory_space<vmem>>, vector<16xi32>,
    %shift_right_arithmetic3A_66 = arith.constant 16 : i32
    %shift_right_arithmetic3A_67 = vector.broadcast %shift_right_arithmetic3A_66 : i32 to vector<16xi32>
    %shift_right_arithmetic3A_68 = arith.shrsi %get3A_58, %shift_right_arithmetic3A_67 : vector<16xi32>
    %swap3A_69 = arith.constant 0 : i32
    %swap3A_70 = arith.index_cast %swap3A_69 : i32 to index
    %swap3A_71 = arith.constant 48 : index
    %swap3A_72 = tpu.vector_load %arg7[%swap3A_70, %swap3A_71] {strides = array<i32>} : memref<2x128xi32, #tpu.memory_space<vmem>>, vector<16xi32>,
    tpu.vector_store %arg7[%swap3A_70, %swap3A_71], %shift_right_arithmetic3A_68 {strides = array<i32>} : memref<2x128xi32, #tpu.memory_space<vmem>>, vector<16xi32>,
    %get3A_73 = arith.constant 64 : index
    %get3A_74 = tpu.vector_load %arg8[%get3A_73] {strides = array<i32>} : memref<512xi32, #tpu.memory_space<vmem>>, vector<16xi32>,
    %and3A_75 = arith.constant 65535 : i32
    %and3A_76 = vector.broadcast %and3A_75 : i32 to vector<16xi32>
    %and3A_77 = arith.andi %get3A_74, %and3A_76 : vector<16xi32>
    %swap3A_78 = arith.constant 0 : i32
    %swap3A_79 = arith.index_cast %swap3A_78 : i32 to index
    %swap3A_80 = arith.constant 64 : index
    %swap3A_81 = tpu.vector_load %arg6[%swap3A_79, %swap3A_80] {strides = array<i32>} : memref<2x128xi32, #tpu.memory_space<vmem>>, vector<16xi32>,
    tpu.vector_store %arg6[%swap3A_79, %swap3A_80], %and3A_77 {strides = array<i32>} : memref<2x128xi32, #tpu.memory_space<vmem>>, vector<16xi32>,
    %shift_right_arithmetic3A_82 = arith.constant 16 : i32
    %shift_right_arithmetic3A_83 = vector.broadcast %shift_right_arithmetic3A_82 : i32 to vector<16xi32>
    %shift_right_arithmetic3A_84 = arith.shrsi %get3A_74, %shift_right_arithmetic3A_83 : vector<16xi32>
    %swap3A_85 = arith.constant 0 : i32
    %swap3A_86 = arith.index_cast %swap3A_85 : i32 to index
    %swap3A_87 = arith.constant 64 : index
    %swap3A_88 = tpu.vector_load %arg7[%swap3A_86, %swap3A_87] {strides = array<i32>} : memref<2x128xi32, #tpu.memory_space<vmem>>, vector<16xi32>,
    tpu.vector_store %arg7[%swap3A_86, %swap3A_87], %shift_right_arithmetic3A_84 {strides = array<i32>} : memref<2x128xi32, #tpu.memory_space<vmem>>, vector<16xi32>,
    %get3A_89 = arith.constant 80 : index
    %get3A_90 = tpu.vector_load %arg8[%get3A_89] {strides = array<i32>} : memref<512xi32, #tpu.memory_space<vmem>>, vector<16xi32>,
    %and3A_91 = arith.constant 65535 : i32
    %and3A_92 = vector.broadcast %and3A_91 : i32 to vector<16xi32>
    %and3A_93 = arith.andi %get3A_90, %and3A_92 : vector<16xi32>
    %swap3A_94 = arith.constant 0 : i32
    %swap3A_95 = arith.index_cast %swap3A_94 : i32 to index
    %swap3A_96 = arith.constant 80 : index
    %swap3A_97 = tpu.vector_load %arg6[%swap3A_95, %swap3A_96] {strides = array<i32>} : memref<2x128xi32, #tpu.memory_space<vmem>>, vector<16xi32>,
    tpu.vector_store %arg6[%swap3A_95, %swap3A_96], %and3A_93 {strides = array<i32>} : memref<2x128xi32, #tpu.memory_space<vmem>>, vector<16xi32>,
    %shift_right_arithmetic3A_98 = arith.constant 16 : i32
    %shift_right_arithmetic3A_99 = vector.broadcast %shift_right_arithmetic3A_98 : i32 to vector<16xi32>
    %shift_right_arithmetic3A_100 = arith.shrsi %get3A_90, %shift_right_arithmetic3A_99 : vector<16xi32>
    %swap3A_101 = arith.constant 0 : i32
    %swap3A_102 = arith.index_cast %swap3A_101 : i32 to index
    %swap3A_103 = arith.constant 80 : index
    %swap3A_104 = tpu.vector_load %arg7[%swap3A_102, %swap3A_103] {strides = array<i32>} : memref<2x128xi32, #tpu.memory_space<vmem>>, vector<16xi32>,
    tpu.vector_store %arg7[%swap3A_102, %swap3A_103], %shift_right_arithmetic3A_100 {strides = array<i32>} : memref<2x128xi32, #tpu.memory_space<vmem>>, vector<16xi32>,
    %get3A_105 = arith.constant 96 : index
    %get3A_106 = tpu.vector_load %arg8[%get3A_105] {strides = array<i32>} : memref<512xi32, #tpu.memory_space<vmem>>, vector<16xi32>,
    %and3A_107 = arith.constant 65535 : i32
    %and3A_108 = vector.broadcast %and3A_107 : i32 to vector<16xi32>
    %and3A_109 = arith.andi %get3A_106, %and3A_108 : vector<16xi32>
    %swap3A_110 = arith.constant 0 : i32
    %swap3A_111 = arith.index_cast %swap3A_110 : i32 to index
    %swap3A_112 = arith.constant 96 : index
    %swap3A_113 = tpu.vector_load %arg6[%swap3A_111, %swap3A_112] {strides = array<i32>} : memref<2x128xi32, #tpu.memory_space<vmem>>, vector<16xi32>,
    tpu.vector_store %arg6[%swap3A_111, %swap3A_112], %and3A_109 {strides = array<i32>} : memref<2x128xi32, #tpu.memory_space<vmem>>, vector<16xi32>,
    %shift_right_arithmetic3A_114 = arith.constant 16 : i32
    %shift_right_arithmetic3A_115 = vector.broadcast %shift_right_arithmetic3A_114 : i32 to vector<16xi32>
    %shift_right_arithmetic3A_116 = arith.shrsi %get3A_106, %shift_right_arithmetic3A_115 : vector<16xi32>
    %swap3A_117 = arith.constant 0 : i32
    %swap3A_118 = arith.index_cast %swap3A_117 : i32 to index
    %swap3A_119 = arith.constant 96 : index
    %swap3A_120 = tpu.vector_load %arg7[%swap3A_118, %swap3A_119] {strides = array<i32>} : memref<2x128xi32, #tpu.memory_space<vmem>>, vector<16xi32>,
    tpu.vector_store %arg7[%swap3A_118, %swap3A_119], %shift_right_arithmetic3A_116 {strides = array<i32>} : memref<2x128xi32, #tpu.memory_space<vmem>>, vector<16xi32>,
    %get3A_121 = arith.constant 112 : index
    %get3A_122 = tpu.vector_load %arg8[%get3A_121] {strides = array<i32>} : memref<512xi32, #tpu.memory_space<vmem>>, vector<16xi32>,
    %and3A_123 = arith.constant 65535 : i32
    %and3A_124 = vector.broadcast %and3A_123 : i32 to vector<16xi32>
    %and3A_125 = arith.andi %get3A_122, %and3A_124 : vector<16xi32>
    %swap3A_126 = arith.constant 0 : i32
    %swap3A_127 = arith.index_cast %swap3A_126 : i32 to index
    %swap3A_128 = arith.constant 112 : index
    %swap3A_129 = tpu.vector_load %arg6[%swap3A_127, %swap3A_128] {strides = array<i32>} : memref<2x128xi32, #tpu.memory_space<vmem>>, vector<16xi32>,
    tpu.vector_store %arg6[%swap3A_127, %swap3A_128], %and3A_125 {strides = array<i32>} : memref<2x128xi32, #tpu.memory_space<vmem>>, vector<16xi32>,
    %shift_right_arithmetic3A_130 = arith.constant 16 : i32
    %shift_right_arithmetic3A_131 = vector.broadcast %shift_right_arithmetic3A_130 : i32 to vector<16xi32>
    %shift_right_arithmetic3A_132 = arith.shrsi %get3A_122, %shift_right_arithmetic3A_131 : vector<16xi32>
    %swap3A_133 = arith.constant 0 : i32
    %swap3A_134 = arith.index_cast %swap3A_133 : i32 to index
    %swap3A_135 = arith.constant 112 : index
    %swap3A_136 = tpu.vector_load %arg7[%swap3A_134, %swap3A_135] {strides = array<i32>} : memref<2x128xi32, #tpu.memory_space<vmem>>, vector<16xi32>,
    tpu.vector_store %arg7[%swap3A_134, %swap3A_135], %shift_right_arithmetic3A_132 {strides = array<i32>} : memref<2x128xi32, #tpu.memory_space<vmem>>, vector<16xi32>,
    %dma_start3A = arith.constant 0 : i32
    %dma_start3A_137 = arith.constant 0 : i32
    %dma_start3A_138 = arith.constant 0 : i32
    %dma_start3A_139 = arith.constant 0 : i32
    %dma_start3A_140 = tpu.memref_slice %arg9[%dma_start3A_137, %dma_start3A_138, %dma_start3A_139] : memref<2x128x128xf32, #tpu.memory_space<vmem>> -> memref<1x128x128xf32, #tpu.memory_space<vmem>>
    %dma_start3A_141 = tpu.memref_squeeze %dma_start3A_140 : memref<1x128x128xf32, #tpu.memory_space<vmem>> -> memref<128x128xf32, #tpu.memory_space<vmem>>
    %dma_start3A_142 = arith.constant 0 : i32
    %dma_start3A_143 = tpu.memref_slice %arg6[%dma_start3A, %dma_start3A_142] : memref<2x128xi32, #tpu.memory_space<vmem>> -> memref<1x128xi32, #tpu.memory_space<vmem>>
    %dma_start3A_144 = tpu.memref_squeeze %dma_start3A_143 : memref<1x128xi32, #tpu.memory_space<vmem>> -> memref<128xi32, #tpu.memory_space<vmem>>
    %dma_start3A_145 = arith.constant 0 : i32
    %dma_start3A_146 = arith.constant 0 : i32
    %dma_start3A_147 = tpu.memref_slice %arg2[%dma_start3A_145, %dma_start3A_146] : memref<10000x128xf32, #tpu.memory_space<hbm>> -> memref<10000x128xf32, #tpu.memory_space<hbm>>
    tpu.enqueue_indirect_dma source(%dma_start3A_147 : memref<10000x128xf32, #tpu.memory_space<hbm>>) target(%dma_start3A_141 : memref<128x128xf32, #tpu.memory_space<vmem>>) offsets(%dma_start3A_144 : memref<128xi32, #tpu.memory_space<vmem>>) semaphore(%arg13 : memref<!tpu.dma_semaphore, #tpu.memory_space<semaphore_mem>>)
    %add3A_148 = arith.constant 32 : i32
    %add3A_149 = arith.addi %add3A, %add3A_148 : i32
    %lt3A_150 = arith.constant 2500 : i32
    %lt3A_151 = arith.cmpi slt, %add3A_149, %lt3A_150 : i32
    %convert_element_type3A_152 = arith.extui %lt3A_151 : i1 to i32
    %cond3A_153 = arith.constant 0 : i32
    %cond3A_154 = arith.cmpi ne, %convert_element_type3A_152, %cond3A_153 : i32
    scf.if %cond3A_154 {
      %add3A_170 = arith.constant 32 : i32
      %add3A_171 = arith.addi %add3A, %add3A_170 : i32
      %mul3A_172 = arith.constant 256 : i32
      %mul3A_173 = arith.muli %add3A_171, %mul3A_172 : i32
      %dma_start3A_174 = arith.constant 256 : i32
      %dma_start3A_175 = tpu.memref_slice %arg8[%dma_start3A_174] : memref<512xi32, #tpu.memory_space<vmem>> -> memref<256xi32, #tpu.memory_space<vmem>>
      %dma_start3A_176 = tpu.memref_slice %arg3[%mul3A_173] : memref<640000xi32, #tpu.memory_space<hbm>> -> memref<256xi32, #tpu.memory_space<hbm>>
      %dma_start3A_177 = arith.constant 256 : i32
      %dma_start3A_178 = tpu.memref_slice %arg8[%dma_start3A_177] : memref<512xi32, #tpu.memory_space<vmem>> -> memref<256xi32, #tpu.memory_space<vmem>>
      %dma_start3A_179 = tpu.memref_slice %arg3[%mul3A_173] : memref<640000xi32, #tpu.memory_space<hbm>> -> memref<256xi32, #tpu.memory_space<hbm>>
      tpu.enqueue_dma source(%dma_start3A_179 : memref<256xi32, #tpu.memory_space<hbm>>) target(%dma_start3A_178 : memref<256xi32, #tpu.memory_space<vmem>>) target_semaphore(%arg12 : memref<!tpu.dma_semaphore, #tpu.memory_space<semaphore_mem>>)
    } else {
    }
    %scan3A = arith.constant 0 : i32
    %scan3A_155 = arith.constant 40 : i32
    %scan3A_156 = arith.addi %scan3A, %scan3A_155 : i32
    %scan3A_157 = arith.constant 1 : i32
    scf.for %scan3A_170 = %scan3A to %scan3A_156 step %scan3A_157  : i32 {
      %mul3A_171 = arith.constant 2 : i32
      %mul3A_172 = arith.muli %scan3A_170, %mul3A_171 : i32
      %add3A_173 = arith.constant 0 : i32
      %add3A_174 = arith.addi %add3A_173, %mul3A_172 : i32
      %add3A_175 = arith.constant 0 : i32
      %add3A_176 = arith.addi %add3A_174, %add3A_175 : i32
      %ge3A = arith.constant 1 : i32
      %ge3A_177 = arith.cmpi sge, %add3A_176, %ge3A : i32
      %sub3A = arith.constant 1 : i32
      %sub3A_178 = arith.subi %add3A_176, %sub3A : i32
      %mul3A_179 = arith.constant 32 : i32
      %mul3A_180 = arith.muli %sub3A_178, %mul3A_179 : i32
      %add3A_181 = arith.addi %add3A, %mul3A_180 : i32
      %lt3A_182 = arith.constant 2500 : i32
      %lt3A_183 = arith.cmpi slt, %add3A_181, %lt3A_182 : i32
      %and3A_184 = arith.andi %ge3A_177, %lt3A_183 : i1
      %convert_element_type3A_185 = arith.extui %and3A_184 : i1 to i32
      %cond3A_186 = arith.constant 0 : i32
      %cond3A_187 = arith.cmpi ne, %convert_element_type3A_185, %cond3A_186 : i32
      scf.if %cond3A_187 {
        %dma_wait3A = arith.constant 1 : i32
        %dma_wait3A_259 = arith.constant 1 : i32
        %dma_wait3A_260 = arith.constant 0 : i32
        %dma_wait3A_261 = arith.constant 0 : i32
        %dma_wait3A_262 = tpu.memref_slice %arg9[%dma_wait3A, %dma_wait3A_260, %dma_wait3A_261] : memref<2x128x128xf32, #tpu.memory_space<vmem>> -> memref<1x128x128xf32, #tpu.memory_space<vmem>>
        %dma_wait3A_263 = tpu.memref_squeeze %dma_wait3A_262 : memref<1x128x128xf32, #tpu.memory_space<vmem>> -> memref<128x128xf32, #tpu.memory_space<vmem>>
        %dma_wait3A_264 = arith.constant 0 : i32
        %dma_wait3A_265 = tpu.memref_slice %arg7[%dma_wait3A_259, %dma_wait3A_264] : memref<2x128xi32, #tpu.memory_space<vmem>> -> memref<1x128xi32, #tpu.memory_space<vmem>>
        %dma_wait3A_266 = tpu.memref_squeeze %dma_wait3A_265 : memref<1x128xi32, #tpu.memory_space<vmem>> -> memref<128xi32, #tpu.memory_space<vmem>>
        %dma_wait3A_267 = arith.constant 0 : i32
        %dma_wait3A_268 = arith.constant 0 : i32
        %dma_wait3A_269 = tpu.memref_slice %arg10[%dma_wait3A_267, %dma_wait3A_268] : memref<10000x128xf32, #tpu.memory_space<vmem_shared>> -> memref<10000x128xf32, #tpu.memory_space<vmem_shared>>
        tpu.wait_indirect_dma semaphore(%arg16 : memref<!tpu.dma_semaphore, #tpu.memory_space<semaphore_mem>>) src(%dma_wait3A_263 : memref<128x128xf32, #tpu.memory_space<vmem>>) dst(%dma_wait3A_269 : memref<10000x128xf32, #tpu.memory_space<vmem_shared>>)
      } else {
      }
      %add3A_188 = arith.constant 1 : i32
      %add3A_189 = arith.addi %add3A_176, %add3A_188 : i32
      %mul3A_190 = arith.constant 32 : i32
      %mul3A_191 = arith.muli %add3A_189, %mul3A_190 : i32
      %add3A_192 = arith.addi %add3A, %mul3A_191 : i32
      %lt3A_193 = arith.constant 2500 : i32
      %lt3A_194 = arith.cmpi slt, %add3A_192, %lt3A_193 : i32
      %convert_element_type3A_195 = arith.extui %lt3A_194 : i1 to i32
      %cond3A_196 = arith.constant 0 : i32
      %cond3A_197 = arith.cmpi ne, %convert_element_type3A_195, %cond3A_196 : i32
      scf.if %cond3A_197 {
        %add3A_259 = arith.constant 1 : i32
        %add3A_260 = arith.addi %add3A_176, %add3A_259 : i32
        %mul3A_261 = arith.constant 32 : i32
        %mul3A_262 = arith.muli %add3A_260, %mul3A_261 : i32
        %add3A_263 = arith.addi %add3A, %mul3A_262 : i32
        %mul3A_264 = arith.constant 256 : i32
        %mul3A_265 = arith.muli %add3A_263, %mul3A_264 : i32
        %dma_wait3A = arith.constant 256 : i32
        %dma_wait3A_266 = tpu.memref_slice %arg8[%dma_wait3A] : memref<512xi32, #tpu.memory_space<vmem>> -> memref<256xi32, #tpu.memory_space<vmem>>
        %dma_wait3A_267 = tpu.memref_slice %arg3[%mul3A_265] : memref<640000xi32, #tpu.memory_space<hbm>> -> memref<256xi32, #tpu.memory_space<hbm>>
        %dma_wait3A_268 = arith.constant 256 : i32
        %dma_wait3A_269 = tpu.memref_slice %arg8[%dma_wait3A_268] : memref<512xi32, #tpu.memory_space<vmem>> -> memref<256xi32, #tpu.memory_space<vmem>>
        %dma_wait3A_270 = tpu.memref_slice %arg3[%mul3A_265] : memref<640000xi32, #tpu.memory_space<hbm>> -> memref<256xi32, #tpu.memory_space<hbm>>
        tpu.wait_dma2 semaphore(%arg12 : memref<!tpu.dma_semaphore, #tpu.memory_space<semaphore_mem>>) src(%dma_wait3A_270 : memref<256xi32, #tpu.memory_space<hbm>>) dst(%dma_wait3A_269 : memref<256xi32, #tpu.memory_space<vmem>>)
        %get3A_271 = arith.constant 256 : index
        %get3A_272 = tpu.vector_load %arg8[%get3A_271] {strides = array<i32>} : memref<512xi32, #tpu.memory_space<vmem>>, vector<16xi32>,
        %and3A_273 = arith.constant 65535 : i32
        %and3A_274 = vector.broadcast %and3A_273 : i32 to vector<16xi32>
        %and3A_275 = arith.andi %get3A_272, %and3A_274 : vector<16xi32>
        %swap3A_276 = arith.constant 1 : i32
        %swap3A_277 = arith.index_cast %swap3A_276 : i32 to index
        %swap3A_278 = arith.constant 0 : index
        %swap3A_279 = tpu.vector_load %arg6[%swap3A_277, %swap3A_278] {strides = array<i32>} : memref<2x128xi32, #tpu.memory_space<vmem>>, vector<16xi32>,
        tpu.vector_store %arg6[%swap3A_277, %swap3A_278], %and3A_275 {strides = array<i32>} : memref<2x128xi32, #tpu.memory_space<vmem>>, vector<16xi32>,
        %shift_right_arithmetic3A_280 = arith.constant 16 : i32
        %shift_right_arithmetic3A_281 = vector.broadcast %shift_right_arithmetic3A_280 : i32 to vector<16xi32>
        %shift_right_arithmetic3A_282 = arith.shrsi %get3A_272, %shift_right_arithmetic3A_281 : vector<16xi32>
        %swap3A_283 = arith.constant 1 : i32
        %swap3A_284 = arith.index_cast %swap3A_283 : i32 to index
        %swap3A_285 = arith.constant 0 : index
        %swap3A_286 = tpu.vector_load %arg7[%swap3A_284, %swap3A_285] {strides = array<i32>} : memref<2x128xi32, #tpu.memory_space<vmem>>, vector<16xi32>,
        tpu.vector_store %arg7[%swap3A_284, %swap3A_285], %shift_right_arithmetic3A_282 {strides = array<i32>} : memref<2x128xi32, #tpu.memory_space<vmem>>, vector<16xi32>,
        %get3A_287 = arith.constant 272 : index
        %get3A_288 = tpu.vector_load %arg8[%get3A_287] {strides = array<i32>} : memref<512xi32, #tpu.memory_space<vmem>>, vector<16xi32>,
        %and3A_289 = arith.constant 65535 : i32
        %and3A_290 = vector.broadcast %and3A_289 : i32 to vector<16xi32>
        %and3A_291 = arith.andi %get3A_288, %and3A_290 : vector<16xi32>
        %swap3A_292 = arith.constant 1 : i32
        %swap3A_293 = arith.index_cast %swap3A_292 : i32 to index
        %swap3A_294 = arith.constant 16 : index
        %swap3A_295 = tpu.vector_load %arg6[%swap3A_293, %swap3A_294] {strides = array<i32>} : memref<2x128xi32, #tpu.memory_space<vmem>>, vector<16xi32>,
        tpu.vector_store %arg6[%swap3A_293, %swap3A_294], %and3A_291 {strides = array<i32>} : memref<2x128xi32, #tpu.memory_space<vmem>>, vector<16xi32>,
        %shift_right_arithmetic3A_296 = arith.constant 16 : i32
        %shift_right_arithmetic3A_297 = vector.broadcast %shift_right_arithmetic3A_296 : i32 to vector<16xi32>
        %shift_right_arithmetic3A_298 = arith.shrsi %get3A_288, %shift_right_arithmetic3A_297 : vector<16xi32>
        %swap3A_299 = arith.constant 1 : i32
        %swap3A_300 = arith.index_cast %swap3A_299 : i32 to index
        %swap3A_301 = arith.constant 16 : index
        %swap3A_302 = tpu.vector_load %arg7[%swap3A_300, %swap3A_301] {strides = array<i32>} : memref<2x128xi32, #tpu.memory_space<vmem>>, vector<16xi32>,
        tpu.vector_store %arg7[%swap3A_300, %swap3A_301], %shift_right_arithmetic3A_298 {strides = array<i32>} : memref<2x128xi32, #tpu.memory_space<vmem>>, vector<16xi32>,
        %get3A_303 = arith.constant 288 : index
        %get3A_304 = tpu.vector_load %arg8[%get3A_303] {strides = array<i32>} : memref<512xi32, #tpu.memory_space<vmem>>, vector<16xi32>,
        %and3A_305 = arith.constant 65535 : i32
        %and3A_306 = vector.broadcast %and3A_305 : i32 to vector<16xi32>
        %and3A_307 = arith.andi %get3A_304, %and3A_306 : vector<16xi32>
        %swap3A_308 = arith.constant 1 : i32
        %swap3A_309 = arith.index_cast %swap3A_308 : i32 to index
        %swap3A_310 = arith.constant 32 : index
        %swap3A_311 = tpu.vector_load %arg6[%swap3A_309, %swap3A_310] {strides = array<i32>} : memref<2x128xi32, #tpu.memory_space<vmem>>, vector<16xi32>,
        tpu.vector_store %arg6[%swap3A_309, %swap3A_310], %and3A_307 {strides = array<i32>} : memref<2x128xi32, #tpu.memory_space<vmem>>, vector<16xi32>,
        %shift_right_arithmetic3A_312 = arith.constant 16 : i32
        %shift_right_arithmetic3A_313 = vector.broadcast %shift_right_arithmetic3A_312 : i32 to vector<16xi32>
        %shift_right_arithmetic3A_314 = arith.shrsi %get3A_304, %shift_right_arithmetic3A_313 : vector<16xi32>
        %swap3A_315 = arith.constant 1 : i32
        %swap3A_316 = arith.index_cast %swap3A_315 : i32 to index
        %swap3A_317 = arith.constant 32 : index
        %swap3A_318 = tpu.vector_load %arg7[%swap3A_316, %swap3A_317] {strides = array<i32>} : memref<2x128xi32, #tpu.memory_space<vmem>>, vector<16xi32>,
        tpu.vector_store %arg7[%swap3A_316, %swap3A_317], %shift_right_arithmetic3A_314 {strides = array<i32>} : memref<2x128xi32, #tpu.memory_space<vmem>>, vector<16xi32>,
        %get3A_319 = arith.constant 304 : index
        %get3A_320 = tpu.vector_load %arg8[%get3A_319] {strides = array<i32>} : memref<512xi32, #tpu.memory_space<vmem>>, vector<16xi32>,
        %and3A_321 = arith.constant 65535 : i32
        %and3A_322 = vector.broadcast %and3A_321 : i32 to vector<16xi32>
        %and3A_323 = arith.andi %get3A_320, %and3A_322 : vector<16xi32>
        %swap3A_324 = arith.constant 1 : i32
        %swap3A_325 = arith.index_cast %swap3A_324 : i32 to index
        %swap3A_326 = arith.constant 48 : index
        %swap3A_327 = tpu.vector_load %arg6[%swap3A_325, %swap3A_326] {strides = array<i32>} : memref<2x128xi32, #tpu.memory_space<vmem>>, vector<16xi32>,
        tpu.vector_store %arg6[%swap3A_325, %swap3A_326], %and3A_323 {strides = array<i32>} : memref<2x128xi32, #tpu.memory_space<vmem>>, vector<16xi32>,
        %shift_right_arithmetic3A_328 = arith.constant 16 : i32
        %shift_right_arithmetic3A_329 = vector.broadcast %shift_right_arithmetic3A_328 : i32 to vector<16xi32>
        %shift_right_arithmetic3A_330 = arith.shrsi %get3A_320, %shift_right_arithmetic3A_329 : vector<16xi32>
        %swap3A_331 = arith.constant 1 : i32
        %swap3A_332 = arith.index_cast %swap3A_331 : i32 to index
        %swap3A_333 = arith.constant 48 : index
        %swap3A_334 = tpu.vector_load %arg7[%swap3A_332, %swap3A_333] {strides = array<i32>} : memref<2x128xi32, #tpu.memory_space<vmem>>, vector<16xi32>,
        tpu.vector_store %arg7[%swap3A_332, %swap3A_333], %shift_right_arithmetic3A_330 {strides = array<i32>} : memref<2x128xi32, #tpu.memory_space<vmem>>, vector<16xi32>,
        %get3A_335 = arith.constant 320 : index
        %get3A_336 = tpu.vector_load %arg8[%get3A_335] {strides = array<i32>} : memref<512xi32, #tpu.memory_space<vmem>>, vector<16xi32>,
        %and3A_337 = arith.constant 65535 : i32
        %and3A_338 = vector.broadcast %and3A_337 : i32 to vector<16xi32>
        %and3A_339 = arith.andi %get3A_336, %and3A_338 : vector<16xi32>
        %swap3A_340 = arith.constant 1 : i32
        %swap3A_341 = arith.index_cast %swap3A_340 : i32 to index
        %swap3A_342 = arith.constant 64 : index
        %swap3A_343 = tpu.vector_load %arg6[%swap3A_341, %swap3A_342] {strides = array<i32>} : memref<2x128xi32, #tpu.memory_space<vmem>>, vector<16xi32>,
        tpu.vector_store %arg6[%swap3A_341, %swap3A_342], %and3A_339 {strides = array<i32>} : memref<2x128xi32, #tpu.memory_space<vmem>>, vector<16xi32>,
        %shift_right_arithmetic3A_344 = arith.constant 16 : i32
        %shift_right_arithmetic3A_345 = vector.broadcast %shift_right_arithmetic3A_344 : i32 to vector<16xi32>
        %shift_right_arithmetic3A_346 = arith.shrsi %get3A_336, %shift_right_arithmetic3A_345 : vector<16xi32>
        %swap3A_347 = arith.constant 1 : i32
        %swap3A_348 = arith.index_cast %swap3A_347 : i32 to index
        %swap3A_349 = arith.constant 64 : index
        %swap3A_350 = tpu.vector_load %arg7[%swap3A_348, %swap3A_349] {strides = array<i32>} : memref<2x128xi32, #tpu.memory_space<vmem>>, vector<16xi32>,
        tpu.vector_store %arg7[%swap3A_348, %swap3A_349], %shift_right_arithmetic3A_346 {strides = array<i32>} : memref<2x128xi32, #tpu.memory_space<vmem>>, vector<16xi32>,
        %get3A_351 = arith.constant 336 : index
        %get3A_352 = tpu.vector_load %arg8[%get3A_351] {strides = array<i32>} : memref<512xi32, #tpu.memory_space<vmem>>, vector<16xi32>,
        %and3A_353 = arith.constant 65535 : i32
        %and3A_354 = vector.broadcast %and3A_353 : i32 to vector<16xi32>
        %and3A_355 = arith.andi %get3A_352, %and3A_354 : vector<16xi32>
        %swap3A_356 = arith.constant 1 : i32
        %swap3A_357 = arith.index_cast %swap3A_356 : i32 to index
        %swap3A_358 = arith.constant 80 : index
        %swap3A_359 = tpu.vector_load %arg6[%swap3A_357, %swap3A_358] {strides = array<i32>} : memref<2x128xi32, #tpu.memory_space<vmem>>, vector<16xi32>,
        tpu.vector_store %arg6[%swap3A_357, %swap3A_358], %and3A_355 {strides = array<i32>} : memref<2x128xi32, #tpu.memory_space<vmem>>, vector<16xi32>,
        %shift_right_arithmetic3A_360 = arith.constant 16 : i32
        %shift_right_arithmetic3A_361 = vector.broadcast %shift_right_arithmetic3A_360 : i32 to vector<16xi32>
        %shift_right_arithmetic3A_362 = arith.shrsi %get3A_352, %shift_right_arithmetic3A_361 : vector<16xi32>
        %swap3A_363 = arith.constant 1 : i32
        %swap3A_364 = arith.index_cast %swap3A_363 : i32 to index
        %swap3A_365 = arith.constant 80 : index
        %swap3A_366 = tpu.vector_load %arg7[%swap3A_364, %swap3A_365] {strides = array<i32>} : memref<2x128xi32, #tpu.memory_space<vmem>>, vector<16xi32>,
        tpu.vector_store %arg7[%swap3A_364, %swap3A_365], %shift_right_arithmetic3A_362 {strides = array<i32>} : memref<2x128xi32, #tpu.memory_space<vmem>>, vector<16xi32>,
        %get3A_367 = arith.constant 352 : index
        %get3A_368 = tpu.vector_load %arg8[%get3A_367] {strides = array<i32>} : memref<512xi32, #tpu.memory_space<vmem>>, vector<16xi32>,
        %and3A_369 = arith.constant 65535 : i32
        %and3A_370 = vector.broadcast %and3A_369 : i32 to vector<16xi32>
        %and3A_371 = arith.andi %get3A_368, %and3A_370 : vector<16xi32>
        %swap3A_372 = arith.constant 1 : i32
        %swap3A_373 = arith.index_cast %swap3A_372 : i32 to index
        %swap3A_374 = arith.constant 96 : index
        %swap3A_375 = tpu.vector_load %arg6[%swap3A_373, %swap3A_374] {strides = array<i32>} : memref<2x128xi32, #tpu.memory_space<vmem>>, vector<16xi32>,
        tpu.vector_store %arg6[%swap3A_373, %swap3A_374], %and3A_371 {strides = array<i32>} : memref<2x128xi32, #tpu.memory_space<vmem>>, vector<16xi32>,
        %shift_right_arithmetic3A_376 = arith.constant 16 : i32
        %shift_right_arithmetic3A_377 = vector.broadcast %shift_right_arithmetic3A_376 : i32 to vector<16xi32>
        %shift_right_arithmetic3A_378 = arith.shrsi %get3A_368, %shift_right_arithmetic3A_377 : vector<16xi32>
        %swap3A_379 = arith.constant 1 : i32
        %swap3A_380 = arith.index_cast %swap3A_379 : i32 to index
        %swap3A_381 = arith.constant 96 : index
        %swap3A_382 = tpu.vector_load %arg7[%swap3A_380, %swap3A_381] {strides = array<i32>} : memref<2x128xi32, #tpu.memory_space<vmem>>, vector<16xi32>,
        tpu.vector_store %arg7[%swap3A_380, %swap3A_381], %shift_right_arithmetic3A_378 {strides = array<i32>} : memref<2x128xi32, #tpu.memory_space<vmem>>, vector<16xi32>,
        %get3A_383 = arith.constant 368 : index
        %get3A_384 = tpu.vector_load %arg8[%get3A_383] {strides = array<i32>} : memref<512xi32, #tpu.memory_space<vmem>>, vector<16xi32>,
        %and3A_385 = arith.constant 65535 : i32
        %and3A_386 = vector.broadcast %and3A_385 : i32 to vector<16xi32>
        %and3A_387 = arith.andi %get3A_384, %and3A_386 : vector<16xi32>
        %swap3A_388 = arith.constant 1 : i32
        %swap3A_389 = arith.index_cast %swap3A_388 : i32 to index
        %swap3A_390 = arith.constant 112 : index
        %swap3A_391 = tpu.vector_load %arg6[%swap3A_389, %swap3A_390] {strides = array<i32>} : memref<2x128xi32, #tpu.memory_space<vmem>>, vector<16xi32>,
        tpu.vector_store %arg6[%swap3A_389, %swap3A_390], %and3A_387 {strides = array<i32>} : memref<2x128xi32, #tpu.memory_space<vmem>>, vector<16xi32>,
        %shift_right_arithmetic3A_392 = arith.constant 16 : i32
        %shift_right_arithmetic3A_393 = vector.broadcast %shift_right_arithmetic3A_392 : i32 to vector<16xi32>
        %shift_right_arithmetic3A_394 = arith.shrsi %get3A_384, %shift_right_arithmetic3A_393 : vector<16xi32>
        %swap3A_395 = arith.constant 1 : i32
        %swap3A_396 = arith.index_cast %swap3A_395 : i32 to index
        %swap3A_397 = arith.constant 112 : index
        %swap3A_398 = tpu.vector_load %arg7[%swap3A_396, %swap3A_397] {strides = array<i32>} : memref<2x128xi32, #tpu.memory_space<vmem>>, vector<16xi32>,
        tpu.vector_store %arg7[%swap3A_396, %swap3A_397], %shift_right_arithmetic3A_394 {strides = array<i32>} : memref<2x128xi32, #tpu.memory_space<vmem>>, vector<16xi32>,
        %dma_start3A_399 = arith.constant 1 : i32
        %dma_start3A_400 = arith.constant 1 : i32
        %dma_start3A_401 = arith.constant 0 : i32
        %dma_start3A_402 = arith.constant 0 : i32
        %dma_start3A_403 = tpu.memref_slice %arg9[%dma_start3A_400, %dma_start3A_401, %dma_start3A_402] : memref<2x128x128xf32, #tpu.memory_space<vmem>> -> memref<1x128x128xf32, #tpu.memory_space<vmem>>
        %dma_start3A_404 = tpu.memref_squeeze %dma_start3A_403 : memref<1x128x128xf32, #tpu.memory_space<vmem>> -> memref<128x128xf32, #tpu.memory_space<vmem>>
        %dma_start3A_405 = arith.constant 0 : i32
        %dma_start3A_406 = tpu.memref_slice %arg6[%dma_start3A_399, %dma_start3A_405] : memref<2x128xi32, #tpu.memory_space<vmem>> -> memref<1x128xi32, #tpu.memory_space<vmem>>
        %dma_start3A_407 = tpu.memref_squeeze %dma_start3A_406 : memref<1x128xi32, #tpu.memory_space<vmem>> -> memref<128xi32, #tpu.memory_space<vmem>>
        %dma_start3A_408 = arith.constant 0 : i32
        %dma_start3A_409 = arith.constant 0 : i32
        %dma_start3A_410 = tpu.memref_slice %arg2[%dma_start3A_408, %dma_start3A_409] : memref<10000x128xf32, #tpu.memory_space<hbm>> -> memref<10000x128xf32, #tpu.memory_space<hbm>>
        tpu.enqueue_indirect_dma source(%dma_start3A_410 : memref<10000x128xf32, #tpu.memory_space<hbm>>) target(%dma_start3A_404 : memref<128x128xf32, #tpu.memory_space<vmem>>) offsets(%dma_start3A_407 : memref<128xi32, #tpu.memory_space<vmem>>) semaphore(%arg14 : memref<!tpu.dma_semaphore, #tpu.memory_space<semaphore_mem>>)
      } else {
      }
      %mul3A_198 = arith.constant 32 : i32
      %mul3A_199 = arith.muli %add3A_176, %mul3A_198 : i32
      %add3A_200 = arith.addi %add3A, %mul3A_199 : i32
      %lt3A_201 = arith.constant 2500 : i32
      %lt3A_202 = arith.cmpi slt, %add3A_200, %lt3A_201 : i32
      %convert_element_type3A_203 = arith.extui %lt3A_202 : i1 to i32
      %cond3A_204 = arith.constant 0 : i32
      %cond3A_205 = arith.cmpi ne, %convert_element_type3A_203, %cond3A_204 : i32
      scf.if %cond3A_205 {
        %dma_wait3A = arith.constant 0 : i32
        %dma_wait3A_259 = arith.constant 0 : i32
        %dma_wait3A_260 = arith.constant 0 : i32
        %dma_wait3A_261 = arith.constant 0 : i32
        %dma_wait3A_262 = tpu.memref_slice %arg9[%dma_wait3A_259, %dma_wait3A_260, %dma_wait3A_261] : memref<2x128x128xf32, #tpu.memory_space<vmem>> -> memref<1x128x128xf32, #tpu.memory_space<vmem>>
        %dma_wait3A_263 = tpu.memref_squeeze %dma_wait3A_262 : memref<1x128x128xf32, #tpu.memory_space<vmem>> -> memref<128x128xf32, #tpu.memory_space<vmem>>
        %dma_wait3A_264 = arith.constant 0 : i32
        %dma_wait3A_265 = tpu.memref_slice %arg6[%dma_wait3A, %dma_wait3A_264] : memref<2x128xi32, #tpu.memory_space<vmem>> -> memref<1x128xi32, #tpu.memory_space<vmem>>
        %dma_wait3A_266 = tpu.memref_squeeze %dma_wait3A_265 : memref<1x128xi32, #tpu.memory_space<vmem>> -> memref<128xi32, #tpu.memory_space<vmem>>
        %dma_wait3A_267 = arith.constant 0 : i32
        %dma_wait3A_268 = arith.constant 0 : i32
        %dma_wait3A_269 = tpu.memref_slice %arg2[%dma_wait3A_267, %dma_wait3A_268] : memref<10000x128xf32, #tpu.memory_space<hbm>> -> memref<10000x128xf32, #tpu.memory_space<hbm>>
        tpu.wait_indirect_dma semaphore(%arg13 : memref<!tpu.dma_semaphore, #tpu.memory_space<semaphore_mem>>) src(%dma_wait3A_269 : memref<10000x128xf32, #tpu.memory_space<hbm>>) dst(%dma_wait3A_263 : memref<128x128xf32, #tpu.memory_space<vmem>>)
        %dma_start3A_270 = arith.constant 0 : i32
        %dma_start3A_271 = arith.constant 0 : i32
        %dma_start3A_272 = arith.constant 0 : i32
        %dma_start3A_273 = arith.constant 0 : i32
        %dma_start3A_274 = tpu.memref_slice %arg9[%dma_start3A_270, %dma_start3A_272, %dma_start3A_273] : memref<2x128x128xf32, #tpu.memory_space<vmem>> -> memref<1x128x128xf32, #tpu.memory_space<vmem>>
        %dma_start3A_275 = tpu.memref_squeeze %dma_start3A_274 : memref<1x128x128xf32, #tpu.memory_space<vmem>> -> memref<128x128xf32, #tpu.memory_space<vmem>>
        %dma_start3A_276 = arith.constant 0 : i32
        %dma_start3A_277 = tpu.memref_slice %arg7[%dma_start3A_271, %dma_start3A_276] : memref<2x128xi32, #tpu.memory_space<vmem>> -> memref<1x128xi32, #tpu.memory_space<vmem>>
        %dma_start3A_278 = tpu.memref_squeeze %dma_start3A_277 : memref<1x128xi32, #tpu.memory_space<vmem>> -> memref<128xi32, #tpu.memory_space<vmem>>
        %dma_start3A_279 = arith.constant 0 : i32
        %dma_start3A_280 = arith.constant 0 : i32
        %dma_start3A_281 = tpu.memref_slice %arg10[%dma_start3A_279, %dma_start3A_280] : memref<10000x128xf32, #tpu.memory_space<vmem_shared>> -> memref<10000x128xf32, #tpu.memory_space<vmem_shared>>
        tpu.enqueue_indirect_dma source(%dma_start3A_275 : memref<128x128xf32, #tpu.memory_space<vmem>>) target(%dma_start3A_281 : memref<10000x128xf32, #tpu.memory_space<vmem_shared>>) offsets(%dma_start3A_278 : memref<128xi32, #tpu.memory_space<vmem>>) semaphore(%arg15 : memref<!tpu.dma_semaphore, #tpu.memory_space<semaphore_mem>>) {add = true}
      } else {
      }
      %add3A_206 = arith.constant 2 : i32
      %add3A_207 = arith.addi %add3A_176, %add3A_206 : i32
      %mul3A_208 = arith.constant 32 : i32
      %mul3A_209 = arith.muli %add3A_207, %mul3A_208 : i32
      %add3A_210 = arith.addi %add3A, %mul3A_209 : i32
      %lt3A_211 = arith.constant 2500 : i32
      %lt3A_212 = arith.cmpi slt, %add3A_210, %lt3A_211 : i32
      %convert_element_type3A_213 = arith.extui %lt3A_212 : i1 to i32
      %cond3A_214 = arith.constant 0 : i32
      %cond3A_215 = arith.cmpi ne, %convert_element_type3A_213, %cond3A_214 : i32
      scf.if %cond3A_215 {
        %add3A_259 = arith.constant 2 : i32
        %add3A_260 = arith.addi %add3A_176, %add3A_259 : i32
        %mul3A_261 = arith.constant 32 : i32
        %mul3A_262 = arith.muli %add3A_260, %mul3A_261 : i32
        %add3A_263 = arith.addi %add3A, %mul3A_262 : i32
        %mul3A_264 = arith.constant 256 : i32
        %mul3A_265 = arith.muli %add3A_263, %mul3A_264 : i32
        %dma_start3A_266 = arith.constant 0 : i32
        %dma_start3A_267 = tpu.memref_slice %arg8[%dma_start3A_266] : memref<512xi32, #tpu.memory_space<vmem>> -> memref<256xi32, #tpu.memory_space<vmem>>
        %dma_start3A_268 = tpu.memref_slice %arg3[%mul3A_265] : memref<640000xi32, #tpu.memory_space<hbm>> -> memref<256xi32, #tpu.memory_space<hbm>>
        %dma_start3A_269 = arith.constant 0 : i32
        %dma_start3A_270 = tpu.memref_slice %arg8[%dma_start3A_269] : memref<512xi32, #tpu.memory_space<vmem>> -> memref<256xi32, #tpu.memory_space<vmem>>
        %dma_start3A_271 = tpu.memref_slice %arg3[%mul3A_265] : memref<640000xi32, #tpu.memory_space<hbm>> -> memref<256xi32, #tpu.memory_space<hbm>>
        tpu.enqueue_dma source(%dma_start3A_271 : memref<256xi32, #tpu.memory_space<hbm>>) target(%dma_start3A_270 : memref<256xi32, #tpu.memory_space<vmem>>) target_semaphore(%arg11 : memref<!tpu.dma_semaphore, #tpu.memory_space<semaphore_mem>>)
      } else {
      }
      %add3A_216 = arith.constant 1 : i32
      %add3A_217 = arith.addi %add3A_174, %add3A_216 : i32
      %ge3A_218 = arith.constant 1 : i32
      %ge3A_219 = arith.cmpi sge, %add3A_217, %ge3A_218 : i32
      %sub3A_220 = arith.constant 1 : i32
      %sub3A_221 = arith.subi %add3A_217, %sub3A_220 : i32
      %mul3A_222 = arith.constant 32 : i32
      %mul3A_223 = arith.muli %sub3A_221, %mul3A_222 : i32
      %add3A_224 = arith.addi %add3A, %mul3A_223 : i32
      %lt3A_225 = arith.constant 2500 : i32
      %lt3A_226 = arith.cmpi slt, %add3A_224, %lt3A_225 : i32
      %and3A_227 = arith.andi %ge3A_219, %lt3A_226 : i1
      %convert_element_type3A_228 = arith.extui %and3A_227 : i1 to i32
      %cond3A_229 = arith.constant 0 : i32
      %cond3A_230 = arith.cmpi ne, %convert_element_type3A_228, %cond3A_229 : i32
      scf.if %cond3A_230 {
        %dma_wait3A = arith.constant 0 : i32
        %dma_wait3A_259 = arith.constant 0 : i32
        %dma_wait3A_260 = arith.constant 0 : i32
        %dma_wait3A_261 = arith.constant 0 : i32
        %dma_wait3A_262 = tpu.memref_slice %arg9[%dma_wait3A, %dma_wait3A_260, %dma_wait3A_261] : memref<2x128x128xf32, #tpu.memory_space<vmem>> -> memref<1x128x128xf32, #tpu.memory_space<vmem>>
        %dma_wait3A_263 = tpu.memref_squeeze %dma_wait3A_262 : memref<1x128x128xf32, #tpu.memory_space<vmem>> -> memref<128x128xf32, #tpu.memory_space<vmem>>
        %dma_wait3A_264 = arith.constant 0 : i32
        %dma_wait3A_265 = tpu.memref_slice %arg7[%dma_wait3A_259, %dma_wait3A_264] : memref<2x128xi32, #tpu.memory_space<vmem>> -> memref<1x128xi32, #tpu.memory_space<vmem>>
        %dma_wait3A_266 = tpu.memref_squeeze %dma_wait3A_265 : memref<1x128xi32, #tpu.memory_space<vmem>> -> memref<128xi32, #tpu.memory_space<vmem>>
        %dma_wait3A_267 = arith.constant 0 : i32
        %dma_wait3A_268 = arith.constant 0 : i32
        %dma_wait3A_269 = tpu.memref_slice %arg10[%dma_wait3A_267, %dma_wait3A_268] : memref<10000x128xf32, #tpu.memory_space<vmem_shared>> -> memref<10000x128xf32, #tpu.memory_space<vmem_shared>>
        tpu.wait_indirect_dma semaphore(%arg15 : memref<!tpu.dma_semaphore, #tpu.memory_space<semaphore_mem>>) src(%dma_wait3A_263 : memref<128x128xf32, #tpu.memory_space<vmem>>) dst(%dma_wait3A_269 : memref<10000x128xf32, #tpu.memory_space<vmem_shared>>)
      } else {
      }
      %add3A_231 = arith.constant 1 : i32
      %add3A_232 = arith.addi %add3A_217, %add3A_231 : i32
      %mul3A_233 = arith.constant 32 : i32
      %mul3A_234 = arith.muli %add3A_232, %mul3A_233 : i32
      %add3A_235 = arith.addi %add3A, %mul3A_234 : i32
      %lt3A_236 = arith.constant 2500 : i32
      %lt3A_237 = arith.cmpi slt, %add3A_235, %lt3A_236 : i32
      %convert_element_type3A_238 = arith.extui %lt3A_237 : i1 to i32
      %cond3A_239 = arith.constant 0 : i32
      %cond3A_240 = arith.cmpi ne, %convert_element_type3A_238, %cond3A_239 : i32
      scf.if %cond3A_240 {
        %add3A_259 = arith.constant 1 : i32
        %add3A_260 = arith.addi %add3A_217, %add3A_259 : i32
        %mul3A_261 = arith.constant 32 : i32
        %mul3A_262 = arith.muli %add3A_260, %mul3A_261 : i32
        %add3A_263 = arith.addi %add3A, %mul3A_262 : i32
        %mul3A_264 = arith.constant 256 : i32
        %mul3A_265 = arith.muli %add3A_263, %mul3A_264 : i32
        %dma_wait3A = arith.constant 0 : i32
        %dma_wait3A_266 = tpu.memref_slice %arg8[%dma_wait3A] : memref<512xi32, #tpu.memory_space<vmem>> -> memref<256xi32, #tpu.memory_space<vmem>>
        %dma_wait3A_267 = tpu.memref_slice %arg3[%mul3A_265] : memref<640000xi32, #tpu.memory_space<hbm>> -> memref<256xi32, #tpu.memory_space<hbm>>
        %dma_wait3A_268 = arith.constant 0 : i32
        %dma_wait3A_269 = tpu.memref_slice %arg8[%dma_wait3A_268] : memref<512xi32, #tpu.memory_space<vmem>> -> memref<256xi32, #tpu.memory_space<vmem>>
        %dma_wait3A_270 = tpu.memref_slice %arg3[%mul3A_265] : memref<640000xi32, #tpu.memory_space<hbm>> -> memref<256xi32, #tpu.memory_space<hbm>>
        tpu.wait_dma2 semaphore(%arg11 : memref<!tpu.dma_semaphore, #tpu.memory_space<semaphore_mem>>) src(%dma_wait3A_270 : memref<256xi32, #tpu.memory_space<hbm>>) dst(%dma_wait3A_269 : memref<256xi32, #tpu.memory_space<vmem>>)
        %get3A_271 = arith.constant 0 : index
        %get3A_272 = tpu.vector_load %arg8[%get3A_271] {strides = array<i32>} : memref<512xi32, #tpu.memory_space<vmem>>, vector<16xi32>,
        %and3A_273 = arith.constant 65535 : i32
        %and3A_274 = vector.broadcast %and3A_273 : i32 to vector<16xi32>
        %and3A_275 = arith.andi %get3A_272, %and3A_274 : vector<16xi32>
        %swap3A_276 = arith.constant 0 : i32
        %swap3A_277 = arith.index_cast %swap3A_276 : i32 to index
        %swap3A_278 = arith.constant 0 : index
        %swap3A_279 = tpu.vector_load %arg6[%swap3A_277, %swap3A_278] {strides = array<i32>} : memref<2x128xi32, #tpu.memory_space<vmem>>, vector<16xi32>,
        tpu.vector_store %arg6[%swap3A_277, %swap3A_278], %and3A_275 {strides = array<i32>} : memref<2x128xi32, #tpu.memory_space<vmem>>, vector<16xi32>,
        %shift_right_arithmetic3A_280 = arith.constant 16 : i32
        %shift_right_arithmetic3A_281 = vector.broadcast %shift_right_arithmetic3A_280 : i32 to vector<16xi32>
        %shift_right_arithmetic3A_282 = arith.shrsi %get3A_272, %shift_right_arithmetic3A_281 : vector<16xi32>
        %swap3A_283 = arith.constant 0 : i32
        %swap3A_284 = arith.index_cast %swap3A_283 : i32 to index
        %swap3A_285 = arith.constant 0 : index
        %swap3A_286 = tpu.vector_load %arg7[%swap3A_284, %swap3A_285] {strides = array<i32>} : memref<2x128xi32, #tpu.memory_space<vmem>>, vector<16xi32>,
        tpu.vector_store %arg7[%swap3A_284, %swap3A_285], %shift_right_arithmetic3A_282 {strides = array<i32>} : memref<2x128xi32, #tpu.memory_space<vmem>>, vector<16xi32>,
        %get3A_287 = arith.constant 16 : index
        %get3A_288 = tpu.vector_load %arg8[%get3A_287] {strides = array<i32>} : memref<512xi32, #tpu.memory_space<vmem>>, vector<16xi32>,
        %and3A_289 = arith.constant 65535 : i32
        %and3A_290 = vector.broadcast %and3A_289 : i32 to vector<16xi32>
        %and3A_291 = arith.andi %get3A_288, %and3A_290 : vector<16xi32>
        %swap3A_292 = arith.constant 0 : i32
        %swap3A_293 = arith.index_cast %swap3A_292 : i32 to index
        %swap3A_294 = arith.constant 16 : index
        %swap3A_295 = tpu.vector_load %arg6[%swap3A_293, %swap3A_294] {strides = array<i32>} : memref<2x128xi32, #tpu.memory_space<vmem>>, vector<16xi32>,
        tpu.vector_store %arg6[%swap3A_293, %swap3A_294], %and3A_291 {strides = array<i32>} : memref<2x128xi32, #tpu.memory_space<vmem>>, vector<16xi32>,
        %shift_right_arithmetic3A_296 = arith.constant 16 : i32
        %shift_right_arithmetic3A_297 = vector.broadcast %shift_right_arithmetic3A_296 : i32 to vector<16xi32>
        %shift_right_arithmetic3A_298 = arith.shrsi %get3A_288, %shift_right_arithmetic3A_297 : vector<16xi32>
        %swap3A_299 = arith.constant 0 : i32
        %swap3A_300 = arith.index_cast %swap3A_299 : i32 to index
        %swap3A_301 = arith.constant 16 : index
        %swap3A_302 = tpu.vector_load %arg7[%swap3A_300, %swap3A_301] {strides = array<i32>} : memref<2x128xi32, #tpu.memory_space<vmem>>, vector<16xi32>,
        tpu.vector_store %arg7[%swap3A_300, %swap3A_301], %shift_right_arithmetic3A_298 {strides = array<i32>} : memref<2x128xi32, #tpu.memory_space<vmem>>, vector<16xi32>,
        %get3A_303 = arith.constant 32 : index
        %get3A_304 = tpu.vector_load %arg8[%get3A_303] {strides = array<i32>} : memref<512xi32, #tpu.memory_space<vmem>>, vector<16xi32>,
        %and3A_305 = arith.constant 65535 : i32
        %and3A_306 = vector.broadcast %and3A_305 : i32 to vector<16xi32>
        %and3A_307 = arith.andi %get3A_304, %and3A_306 : vector<16xi32>
        %swap3A_308 = arith.constant 0 : i32
        %swap3A_309 = arith.index_cast %swap3A_308 : i32 to index
        %swap3A_310 = arith.constant 32 : index
        %swap3A_311 = tpu.vector_load %arg6[%swap3A_309, %swap3A_310] {strides = array<i32>} : memref<2x128xi32, #tpu.memory_space<vmem>>, vector<16xi32>,
        tpu.vector_store %arg6[%swap3A_309, %swap3A_310], %and3A_307 {strides = array<i32>} : memref<2x128xi32, #tpu.memory_space<vmem>>, vector<16xi32>,
        %shift_right_arithmetic3A_312 = arith.constant 16 : i32
        %shift_right_arithmetic3A_313 = vector.broadcast %shift_right_arithmetic3A_312 : i32 to vector<16xi32>
        %shift_right_arithmetic3A_314 = arith.shrsi %get3A_304, %shift_right_arithmetic3A_313 : vector<16xi32>
        %swap3A_315 = arith.constant 0 : i32
        %swap3A_316 = arith.index_cast %swap3A_315 : i32 to index
        %swap3A_317 = arith.constant 32 : index
        %swap3A_318 = tpu.vector_load %arg7[%swap3A_316, %swap3A_317] {strides = array<i32>} : memref<2x128xi32, #tpu.memory_space<vmem>>, vector<16xi32>,
        tpu.vector_store %arg7[%swap3A_316, %swap3A_317], %shift_right_arithmetic3A_314 {strides = array<i32>} : memref<2x128xi32, #tpu.memory_space<vmem>>, vector<16xi32>,
        %get3A_319 = arith.constant 48 : index
        %get3A_320 = tpu.vector_load %arg8[%get3A_319] {strides = array<i32>} : memref<512xi32, #tpu.memory_space<vmem>>, vector<16xi32>,
        %and3A_321 = arith.constant 65535 : i32
        %and3A_322 = vector.broadcast %and3A_321 : i32 to vector<16xi32>
        %and3A_323 = arith.andi %get3A_320, %and3A_322 : vector<16xi32>
        %swap3A_324 = arith.constant 0 : i32
        %swap3A_325 = arith.index_cast %swap3A_324 : i32 to index
        %swap3A_326 = arith.constant 48 : index
        %swap3A_327 = tpu.vector_load %arg6[%swap3A_325, %swap3A_326] {strides = array<i32>} : memref<2x128xi32, #tpu.memory_space<vmem>>, vector<16xi32>,
        tpu.vector_store %arg6[%swap3A_325, %swap3A_326], %and3A_323 {strides = array<i32>} : memref<2x128xi32, #tpu.memory_space<vmem>>, vector<16xi32>,
        %shift_right_arithmetic3A_328 = arith.constant 16 : i32
        %shift_right_arithmetic3A_329 = vector.broadcast %shift_right_arithmetic3A_328 : i32 to vector<16xi32>
        %shift_right_arithmetic3A_330 = arith.shrsi %get3A_320, %shift_right_arithmetic3A_329 : vector<16xi32>
        %swap3A_331 = arith.constant 0 : i32
        %swap3A_332 = arith.index_cast %swap3A_331 : i32 to index
        %swap3A_333 = arith.constant 48 : index
        %swap3A_334 = tpu.vector_load %arg7[%swap3A_332, %swap3A_333] {strides = array<i32>} : memref<2x128xi32, #tpu.memory_space<vmem>>, vector<16xi32>,
        tpu.vector_store %arg7[%swap3A_332, %swap3A_333], %shift_right_arithmetic3A_330 {strides = array<i32>} : memref<2x128xi32, #tpu.memory_space<vmem>>, vector<16xi32>,
        %get3A_335 = arith.constant 64 : index
        %get3A_336 = tpu.vector_load %arg8[%get3A_335] {strides = array<i32>} : memref<512xi32, #tpu.memory_space<vmem>>, vector<16xi32>,
        %and3A_337 = arith.constant 65535 : i32
        %and3A_338 = vector.broadcast %and3A_337 : i32 to vector<16xi32>
        %and3A_339 = arith.andi %get3A_336, %and3A_338 : vector<16xi32>
        %swap3A_340 = arith.constant 0 : i32
        %swap3A_341 = arith.index_cast %swap3A_340 : i32 to index
        %swap3A_342 = arith.constant 64 : index
        %swap3A_343 = tpu.vector_load %arg6[%swap3A_341, %swap3A_342] {strides = array<i32>} : memref<2x128xi32, #tpu.memory_space<vmem>>, vector<16xi32>,
        tpu.vector_store %arg6[%swap3A_341, %swap3A_342], %and3A_339 {strides = array<i32>} : memref<2x128xi32, #tpu.memory_space<vmem>>, vector<16xi32>,
        %shift_right_arithmetic3A_344 = arith.constant 16 : i32
        %shift_right_arithmetic3A_345 = vector.broadcast %shift_right_arithmetic3A_344 : i32 to vector<16xi32>
        %shift_right_arithmetic3A_346 = arith.shrsi %get3A_336, %shift_right_arithmetic3A_345 : vector<16xi32>
        %swap3A_347 = arith.constant 0 : i32
        %swap3A_348 = arith.index_cast %swap3A_347 : i32 to index
        %swap3A_349 = arith.constant 64 : index
        %swap3A_350 = tpu.vector_load %arg7[%swap3A_348, %swap3A_349] {strides = array<i32>} : memref<2x128xi32, #tpu.memory_space<vmem>>, vector<16xi32>,
        tpu.vector_store %arg7[%swap3A_348, %swap3A_349], %shift_right_arithmetic3A_346 {strides = array<i32>} : memref<2x128xi32, #tpu.memory_space<vmem>>, vector<16xi32>,
        %get3A_351 = arith.constant 80 : index
        %get3A_352 = tpu.vector_load %arg8[%get3A_351] {strides = array<i32>} : memref<512xi32, #tpu.memory_space<vmem>>, vector<16xi32>,
        %and3A_353 = arith.constant 65535 : i32
        %and3A_354 = vector.broadcast %and3A_353 : i32 to vector<16xi32>
        %and3A_355 = arith.andi %get3A_352, %and3A_354 : vector<16xi32>
        %swap3A_356 = arith.constant 0 : i32
        %swap3A_357 = arith.index_cast %swap3A_356 : i32 to index
        %swap3A_358 = arith.constant 80 : index
        %swap3A_359 = tpu.vector_load %arg6[%swap3A_357, %swap3A_358] {strides = array<i32>} : memref<2x128xi32, #tpu.memory_space<vmem>>, vector<16xi32>,
        tpu.vector_store %arg6[%swap3A_357, %swap3A_358], %and3A_355 {strides = array<i32>} : memref<2x128xi32, #tpu.memory_space<vmem>>, vector<16xi32>,
        %shift_right_arithmetic3A_360 = arith.constant 16 : i32
        %shift_right_arithmetic3A_361 = vector.broadcast %shift_right_arithmetic3A_360 : i32 to vector<16xi32>
        %shift_right_arithmetic3A_362 = arith.shrsi %get3A_352, %shift_right_arithmetic3A_361 : vector<16xi32>
        %swap3A_363 = arith.constant 0 : i32
        %swap3A_364 = arith.index_cast %swap3A_363 : i32 to index
        %swap3A_365 = arith.constant 80 : index
        %swap3A_366 = tpu.vector_load %arg7[%swap3A_364, %swap3A_365] {strides = array<i32>} : memref<2x128xi32, #tpu.memory_space<vmem>>, vector<16xi32>,
        tpu.vector_store %arg7[%swap3A_364, %swap3A_365], %shift_right_arithmetic3A_362 {strides = array<i32>} : memref<2x128xi32, #tpu.memory_space<vmem>>, vector<16xi32>,
        %get3A_367 = arith.constant 96 : index
        %get3A_368 = tpu.vector_load %arg8[%get3A_367] {strides = array<i32>} : memref<512xi32, #tpu.memory_space<vmem>>, vector<16xi32>,
        %and3A_369 = arith.constant 65535 : i32
        %and3A_370 = vector.broadcast %and3A_369 : i32 to vector<16xi32>
        %and3A_371 = arith.andi %get3A_368, %and3A_370 : vector<16xi32>
        %swap3A_372 = arith.constant 0 : i32
        %swap3A_373 = arith.index_cast %swap3A_372 : i32 to index
        %swap3A_374 = arith.constant 96 : index
        %swap3A_375 = tpu.vector_load %arg6[%swap3A_373, %swap3A_374] {strides = array<i32>} : memref<2x128xi32, #tpu.memory_space<vmem>>, vector<16xi32>,
        tpu.vector_store %arg6[%swap3A_373, %swap3A_374], %and3A_371 {strides = array<i32>} : memref<2x128xi32, #tpu.memory_space<vmem>>, vector<16xi32>,
        %shift_right_arithmetic3A_376 = arith.constant 16 : i32
        %shift_right_arithmetic3A_377 = vector.broadcast %shift_right_arithmetic3A_376 : i32 to vector<16xi32>
        %shift_right_arithmetic3A_378 = arith.shrsi %get3A_368, %shift_right_arithmetic3A_377 : vector<16xi32>
        %swap3A_379 = arith.constant 0 : i32
        %swap3A_380 = arith.index_cast %swap3A_379 : i32 to index
        %swap3A_381 = arith.constant 96 : index
        %swap3A_382 = tpu.vector_load %arg7[%swap3A_380, %swap3A_381] {strides = array<i32>} : memref<2x128xi32, #tpu.memory_space<vmem>>, vector<16xi32>,
        tpu.vector_store %arg7[%swap3A_380, %swap3A_381], %shift_right_arithmetic3A_378 {strides = array<i32>} : memref<2x128xi32, #tpu.memory_space<vmem>>, vector<16xi32>,
        %get3A_383 = arith.constant 112 : index
        %get3A_384 = tpu.vector_load %arg8[%get3A_383] {strides = array<i32>} : memref<512xi32, #tpu.memory_space<vmem>>, vector<16xi32>,
        %and3A_385 = arith.constant 65535 : i32
        %and3A_386 = vector.broadcast %and3A_385 : i32 to vector<16xi32>
        %and3A_387 = arith.andi %get3A_384, %and3A_386 : vector<16xi32>
        %swap3A_388 = arith.constant 0 : i32
        %swap3A_389 = arith.index_cast %swap3A_388 : i32 to index
        %swap3A_390 = arith.constant 112 : index
        %swap3A_391 = tpu.vector_load %arg6[%swap3A_389, %swap3A_390] {strides = array<i32>} : memref<2x128xi32, #tpu.memory_space<vmem>>, vector<16xi32>,
        tpu.vector_store %arg6[%swap3A_389, %swap3A_390], %and3A_387 {strides = array<i32>} : memref<2x128xi32, #tpu.memory_space<vmem>>, vector<16xi32>,
        %shift_right_arithmetic3A_392 = arith.constant 16 : i32
        %shift_right_arithmetic3A_393 = vector.broadcast %shift_right_arithmetic3A_392 : i32 to vector<16xi32>
        %shift_right_arithmetic3A_394 = arith.shrsi %get3A_384, %shift_right_arithmetic3A_393 : vector<16xi32>
        %swap3A_395 = arith.constant 0 : i32
        %swap3A_396 = arith.index_cast %swap3A_395 : i32 to index
        %swap3A_397 = arith.constant 112 : index
        %swap3A_398 = tpu.vector_load %arg7[%swap3A_396, %swap3A_397] {strides = array<i32>} : memref<2x128xi32, #tpu.memory_space<vmem>>, vector<16xi32>,
        tpu.vector_store %arg7[%swap3A_396, %swap3A_397], %shift_right_arithmetic3A_394 {strides = array<i32>} : memref<2x128xi32, #tpu.memory_space<vmem>>, vector<16xi32>,
        %dma_start3A_399 = arith.constant 0 : i32
        %dma_start3A_400 = arith.constant 0 : i32
        %dma_start3A_401 = arith.constant 0 : i32
        %dma_start3A_402 = arith.constant 0 : i32
        %dma_start3A_403 = tpu.memref_slice %arg9[%dma_start3A_400, %dma_start3A_401, %dma_start3A_402] : memref<2x128x128xf32, #tpu.memory_space<vmem>> -> memref<1x128x128xf32, #tpu.memory_space<vmem>>
        %dma_start3A_404 = tpu.memref_squeeze %dma_start3A_403 : memref<1x128x128xf32, #tpu.memory_space<vmem>> -> memref<128x128xf32, #tpu.memory_space<vmem>>
        %dma_start3A_405 = arith.constant 0 : i32
        %dma_start3A_406 = tpu.memref_slice %arg6[%dma_start3A_399, %dma_start3A_405] : memref<2x128xi32, #tpu.memory_space<vmem>> -> memref<1x128xi32, #tpu.memory_space<vmem>>
        %dma_start3A_407 = tpu.memref_squeeze %dma_start3A_406 : memref<1x128xi32, #tpu.memory_space<vmem>> -> memref<128xi32, #tpu.memory_space<vmem>>
        %dma_start3A_408 = arith.constant 0 : i32
        %dma_start3A_409 = arith.constant 0 : i32
        %dma_start3A_410 = tpu.memref_slice %arg2[%dma_start3A_408, %dma_start3A_409] : memref<10000x128xf32, #tpu.memory_space<hbm>> -> memref<10000x128xf32, #tpu.memory_space<hbm>>
        tpu.enqueue_indirect_dma source(%dma_start3A_410 : memref<10000x128xf32, #tpu.memory_space<hbm>>) target(%dma_start3A_404 : memref<128x128xf32, #tpu.memory_space<vmem>>) offsets(%dma_start3A_407 : memref<128xi32, #tpu.memory_space<vmem>>) semaphore(%arg13 : memref<!tpu.dma_semaphore, #tpu.memory_space<semaphore_mem>>)
      } else {
      }
      %mul3A_241 = arith.constant 32 : i32
      %mul3A_242 = arith.muli %add3A_217, %mul3A_241 : i32
      %add3A_243 = arith.addi %add3A, %mul3A_242 : i32
      %lt3A_244 = arith.constant 2500 : i32
      %lt3A_245 = arith.cmpi slt, %add3A_243, %lt3A_244 : i32
      %convert_element_type3A_246 = arith.extui %lt3A_245 : i1 to i32
      %cond3A_247 = arith.constant 0 : i32
      %cond3A_248 = arith.cmpi ne, %convert_element_type3A_246, %cond3A_247 : i32
      scf.if %cond3A_248 {
        %dma_wait3A = arith.constant 1 : i32
        %dma_wait3A_259 = arith.constant 1 : i32
        %dma_wait3A_260 = arith.constant 0 : i32
        %dma_wait3A_261 = arith.constant 0 : i32
        %dma_wait3A_262 = tpu.memref_slice %arg9[%dma_wait3A_259, %dma_wait3A_260, %dma_wait3A_261] : memref<2x128x128xf32, #tpu.memory_space<vmem>> -> memref<1x128x128xf32, #tpu.memory_space<vmem>>
        %dma_wait3A_263 = tpu.memref_squeeze %dma_wait3A_262 : memref<1x128x128xf32, #tpu.memory_space<vmem>> -> memref<128x128xf32, #tpu.memory_space<vmem>>
        %dma_wait3A_264 = arith.constant 0 : i32
        %dma_wait3A_265 = tpu.memref_slice %arg6[%dma_wait3A, %dma_wait3A_264] : memref<2x128xi32, #tpu.memory_space<vmem>> -> memref<1x128xi32, #tpu.memory_space<vmem>>
        %dma_wait3A_266 = tpu.memref_squeeze %dma_wait3A_265 : memref<1x128xi32, #tpu.memory_space<vmem>> -> memref<128xi32, #tpu.memory_space<vmem>>
        %dma_wait3A_267 = arith.constant 0 : i32
        %dma_wait3A_268 = arith.constant 0 : i32
        %dma_wait3A_269 = tpu.memref_slice %arg2[%dma_wait3A_267, %dma_wait3A_268] : memref<10000x128xf32, #tpu.memory_space<hbm>> -> memref<10000x128xf32, #tpu.memory_space<hbm>>
        tpu.wait_indirect_dma semaphore(%arg14 : memref<!tpu.dma_semaphore, #tpu.memory_space<semaphore_mem>>) src(%dma_wait3A_269 : memref<10000x128xf32, #tpu.memory_space<hbm>>) dst(%dma_wait3A_263 : memref<128x128xf32, #tpu.memory_space<vmem>>)
        %dma_start3A_270 = arith.constant 1 : i32
        %dma_start3A_271 = arith.constant 1 : i32
        %dma_start3A_272 = arith.constant 0 : i32
        %dma_start3A_273 = arith.constant 0 : i32
        %dma_start3A_274 = tpu.memref_slice %arg9[%dma_start3A_270, %dma_start3A_272, %dma_start3A_273] : memref<2x128x128xf32, #tpu.memory_space<vmem>> -> memref<1x128x128xf32, #tpu.memory_space<vmem>>
        %dma_start3A_275 = tpu.memref_squeeze %dma_start3A_274 : memref<1x128x128xf32, #tpu.memory_space<vmem>> -> memref<128x128xf32, #tpu.memory_space<vmem>>
        %dma_start3A_276 = arith.constant 0 : i32
        %dma_start3A_277 = tpu.memref_slice %arg7[%dma_start3A_271, %dma_start3A_276] : memref<2x128xi32, #tpu.memory_space<vmem>> -> memref<1x128xi32, #tpu.memory_space<vmem>>
        %dma_start3A_278 = tpu.memref_squeeze %dma_start3A_277 : memref<1x128xi32, #tpu.memory_space<vmem>> -> memref<128xi32, #tpu.memory_space<vmem>>
        %dma_start3A_279 = arith.constant 0 : i32
        %dma_start3A_280 = arith.constant 0 : i32
        %dma_start3A_281 = tpu.memref_slice %arg10[%dma_start3A_279, %dma_start3A_280] : memref<10000x128xf32, #tpu.memory_space<vmem_shared>> -> memref<10000x128xf32, #tpu.memory_space<vmem_shared>>
        tpu.enqueue_indirect_dma source(%dma_start3A_275 : memref<128x128xf32, #tpu.memory_space<vmem>>) target(%dma_start3A_281 : memref<10000x128xf32, #tpu.memory_space<vmem_shared>>) offsets(%dma_start3A_278 : memref<128xi32, #tpu.memory_space<vmem>>) semaphore(%arg16 : memref<!tpu.dma_semaphore, #tpu.memory_space<semaphore_mem>>) {add = true}
      } else {
      }
      %add3A_249 = arith.constant 2 : i32
      %add3A_250 = arith.addi %add3A_217, %add3A_249 : i32
      %mul3A_251 = arith.constant 32 : i32
      %mul3A_252 = arith.muli %add3A_250, %mul3A_251 : i32
      %add3A_253 = arith.addi %add3A, %mul3A_252 : i32
      %lt3A_254 = arith.constant 2500 : i32
      %lt3A_255 = arith.cmpi slt, %add3A_253, %lt3A_254 : i32
      %convert_element_type3A_256 = arith.extui %lt3A_255 : i1 to i32
      %cond3A_257 = arith.constant 0 : i32
      %cond3A_258 = arith.cmpi ne, %convert_element_type3A_256, %cond3A_257 : i32
      scf.if %cond3A_258 {
        %add3A_259 = arith.constant 2 : i32
        %add3A_260 = arith.addi %add3A_217, %add3A_259 : i32
        %mul3A_261 = arith.constant 32 : i32
        %mul3A_262 = arith.muli %add3A_260, %mul3A_261 : i32
        %add3A_263 = arith.addi %add3A, %mul3A_262 : i32
        %mul3A_264 = arith.constant 256 : i32
        %mul3A_265 = arith.muli %add3A_263, %mul3A_264 : i32
        %dma_start3A_266 = arith.constant 256 : i32
        %dma_start3A_267 = tpu.memref_slice %arg8[%dma_start3A_266] : memref<512xi32, #tpu.memory_space<vmem>> -> memref<256xi32, #tpu.memory_space<vmem>>
        %dma_start3A_268 = tpu.memref_slice %arg3[%mul3A_265] : memref<640000xi32, #tpu.memory_space<hbm>> -> memref<256xi32, #tpu.memory_space<hbm>>
        %dma_start3A_269 = arith.constant 256 : i32
        %dma_start3A_270 = tpu.memref_slice %arg8[%dma_start3A_269] : memref<512xi32, #tpu.memory_space<vmem>> -> memref<256xi32, #tpu.memory_space<vmem>>
        %dma_start3A_271 = tpu.memref_slice %arg3[%mul3A_265] : memref<640000xi32, #tpu.memory_space<hbm>> -> memref<256xi32, #tpu.memory_space<hbm>>
        tpu.enqueue_dma source(%dma_start3A_271 : memref<256xi32, #tpu.memory_space<hbm>>) target(%dma_start3A_270 : memref<256xi32, #tpu.memory_space<vmem>>) target_semaphore(%arg12 : memref<!tpu.dma_semaphore, #tpu.memory_space<semaphore_mem>>)
      } else {
      }
    }
    %scan3A_158 = arith.constant 40 : i32
    %barrier3A_159 = arith.constant 0 : index
    tpu.barrier barrier_id(%barrier3A_159)
    %lt3A_160 = arith.constant 15 : i32
    %lt3A_161 = arith.cmpi slt, %arg1, %lt3A_160 : i32
    %convert_element_type3A_162 = arith.extui %lt3A_161 : i1 to i32
    %cond3A_163 = arith.constant 0 : i32
    %cond3A_164 = arith.cmpi ne, %convert_element_type3A_162, %cond3A_163 : i32
    scf.if %cond3A_164 {
      "tpu.region"() ({
        %run_scoped3A = tpu.sem_alloc : memref<!tpu.dma_semaphore, #tpu.memory_space<semaphore_mem>>
        %dma_start3A_170 = arith.constant 0 : i32
        %dma_start3A_171 = arith.constant 0 : i32
        %dma_start3A_172 = tpu.memref_slice %arg5[%arg0, %dma_start3A_170, %dma_start3A_171] : memref<2x10000x128xf32, #tpu.memory_space<hbm>> -> memref<1x10000x128xf32, #tpu.memory_space<hbm>>
        %dma_start3A_173 = tpu.memref_squeeze %dma_start3A_172 : memref<1x10000x128xf32, #tpu.memory_space<hbm>> -> memref<10000x128xf32, #tpu.memory_space<hbm>>
        %dma_start3A_174 = arith.constant 0 : i32
        %dma_start3A_175 = tpu.memref_slice %dma_start3A_173[%mul3A_2, %dma_start3A_174] : memref<10000x128xf32, #tpu.memory_space<hbm>> -> memref<624x128xf32, #tpu.memory_space<hbm>>
        %dma_start3A_176 = arith.constant 0 : i32
        %dma_start3A_177 = tpu.memref_slice %arg10[%mul3A_2, %dma_start3A_176] : memref<10000x128xf32, #tpu.memory_space<vmem_shared>> -> memref<624x128xf32, #tpu.memory_space<vmem_shared>>
        tpu.enqueue_dma source(%dma_start3A_177 : memref<624x128xf32, #tpu.memory_space<vmem_shared>>) target(%dma_start3A_175 : memref<624x128xf32, #tpu.memory_space<hbm>>) target_semaphore(%run_scoped3A : memref<!tpu.dma_semaphore, #tpu.memory_space<semaphore_mem>>)
        %dma_wait3A = arith.constant 0 : i32
        %dma_wait3A_178 = arith.constant 0 : i32
        %dma_wait3A_179 = tpu.memref_slice %arg5[%arg0, %dma_wait3A, %dma_wait3A_178] : memref<2x10000x128xf32, #tpu.memory_space<hbm>> -> memref<1x10000x128xf32, #tpu.memory_space<hbm>>
        %dma_wait3A_180 = tpu.memref_squeeze %dma_wait3A_179 : memref<1x10000x128xf32, #tpu.memory_space<hbm>> -> memref<10000x128xf32, #tpu.memory_space<hbm>>
        %dma_wait3A_181 = arith.constant 0 : i32
        %dma_wait3A_182 = tpu.memref_slice %dma_wait3A_180[%mul3A_2, %dma_wait3A_181] : memref<10000x128xf32, #tpu.memory_space<hbm>> -> memref<624x128xf32, #tpu.memory_space<hbm>>
        %dma_wait3A_183 = arith.constant 0 : i32
        %dma_wait3A_184 = tpu.memref_slice %arg10[%mul3A_2, %dma_wait3A_183] : memref<10000x128xf32, #tpu.memory_space<vmem_shared>> -> memref<624x128xf32, #tpu.memory_space<vmem_shared>>
        tpu.wait_dma2 semaphore(%run_scoped3A : memref<!tpu.dma_semaphore, #tpu.memory_space<semaphore_mem>>) src(%dma_wait3A_184 : memref<624x128xf32, #tpu.memory_space<vmem_shared>>) dst(%dma_wait3A_182 : memref<624x128xf32, #tpu.memory_space<hbm>>)
        tpu.yield
      }) : () -> ()
    } else {
    }
    %eq3A_165 = arith.constant 15 : i32
    %eq3A_166 = arith.cmpi eq, %arg1, %eq3A_165 : i32
    %convert_element_type3A_167 = arith.extui %eq3A_166 : i1 to i32
    %cond3A_168 = arith.constant 0 : i32
    %cond3A_169 = arith.cmpi ne, %convert_element_type3A_167, %cond3A_168 : i32
    scf.if %cond3A_169 {
      "tpu.region"() ({
        %run_scoped3A = tpu.sem_alloc : memref<!tpu.dma_semaphore, #tpu.memory_space<semaphore_mem>>
        %dma_start3A_170 = arith.constant 0 : i32
        %dma_start3A_171 = arith.constant 0 : i32
        %dma_start3A_172 = tpu.memref_slice %arg5[%arg0, %dma_start3A_170, %dma_start3A_171] : memref<2x10000x128xf32, #tpu.memory_space<hbm>> -> memref<1x10000x128xf32, #tpu.memory_space<hbm>>
        %dma_start3A_173 = tpu.memref_squeeze %dma_start3A_172 : memref<1x10000x128xf32, #tpu.memory_space<hbm>> -> memref<10000x128xf32, #tpu.memory_space<hbm>>
        %dma_start3A_174 = arith.constant 9360 : i32
        %dma_start3A_175 = arith.constant 0 : i32
        %dma_start3A_176 = tpu.memref_slice %dma_start3A_173[%dma_start3A_174, %dma_start3A_175] : memref<10000x128xf32, #tpu.memory_space<hbm>> -> memref<640x128xf32, #tpu.memory_space<hbm>>
        %dma_start3A_177 = arith.constant 9360 : i32
        %dma_start3A_178 = arith.constant 0 : i32
        %dma_start3A_179 = tpu.memref_slice %arg10[%dma_start3A_177, %dma_start3A_178] : memref<10000x128xf32, #tpu.memory_space<vmem_shared>> -> memref<640x128xf32, #tpu.memory_space<vmem_shared>>
        tpu.enqueue_dma source(%dma_start3A_179 : memref<640x128xf32, #tpu.memory_space<vmem_shared>>) target(%dma_start3A_176 : memref<640x128xf32, #tpu.memory_space<hbm>>) target_semaphore(%run_scoped3A : memref<!tpu.dma_semaphore, #tpu.memory_space<semaphore_mem>>)
        %dma_wait3A = arith.constant 0 : i32
        %dma_wait3A_180 = arith.constant 0 : i32
        %dma_wait3A_181 = tpu.memref_slice %arg5[%arg0, %dma_wait3A, %dma_wait3A_180] : memref<2x10000x128xf32, #tpu.memory_space<hbm>> -> memref<1x10000x128xf32, #tpu.memory_space<hbm>>
        %dma_wait3A_182 = tpu.memref_squeeze %dma_wait3A_181 : memref<1x10000x128xf32, #tpu.memory_space<hbm>> -> memref<10000x128xf32, #tpu.memory_space<hbm>>
        %dma_wait3A_183 = arith.constant 9360 : i32
        %dma_wait3A_184 = arith.constant 0 : i32
        %dma_wait3A_185 = tpu.memref_slice %dma_wait3A_182[%dma_wait3A_183, %dma_wait3A_184] : memref<10000x128xf32, #tpu.memory_space<hbm>> -> memref<640x128xf32, #tpu.memory_space<hbm>>
        %dma_wait3A_186 = arith.constant 9360 : i32
        %dma_wait3A_187 = arith.constant 0 : i32
        %dma_wait3A_188 = tpu.memref_slice %arg10[%dma_wait3A_186, %dma_wait3A_187] : memref<10000x128xf32, #tpu.memory_space<vmem_shared>> -> memref<640x128xf32, #tpu.memory_space<vmem_shared>>
        tpu.wait_dma2 semaphore(%run_scoped3A : memref<!tpu.dma_semaphore, #tpu.memory_space<semaphore_mem>>) src(%dma_wait3A_188 : memref<640x128xf32, #tpu.memory_space<vmem_shared>>) dst(%dma_wait3A_185 : memref<640x128xf32, #tpu.memory_space<hbm>>)
        tpu.yield
      }) : () -> ()
    } else {
    }
    return
  }
}

module attributes {stable_mosaic.version = 14 : i64} {
  func.func @_mm1_pack_kernel(%arg0: memref<10000x128xf32, #tpu.memory_space<vmem>>, %arg1: memref<128x128xf32, #tpu.memory_space<vmem>>, %arg2: memref<2x320000xi32, #tpu.memory_space<vmem>>, %arg3: memref<320000xf32, #tpu.memory_space<vmem>>, %arg4: memref<10000x128xf32, #tpu.memory_space<vmem>>, %arg5: memref<640000xi32, #tpu.memory_space<vmem>>) attributes {dimension_semantics = [], scalar_prefetch = 0 : i64, scratch_operands = 0 : i64, tpu.core_type = #tpu.core_type<tc>} {
    %get3A = arith.constant 0 : index
    %get3A_0 = arith.constant 0 : index
    %get3A_1 = vector.load %arg0[%get3A, %get3A_0] : memref<10000x128xf32, #tpu.memory_space<vmem>>, vector<10000x128xf32>
    %get3A_2 = arith.constant 0 : index
    %get3A_3 = arith.constant 0 : index
    %get3A_4 = vector.load %arg1[%get3A_2, %get3A_3] : memref<128x128xf32, #tpu.memory_space<vmem>>, vector<128x128xf32>
    %dot_general3A = arith.constant dense<0.000000e+00> : vector<10000x128xf32>
    %dot_general3A_5 = tpu.matmul %get3A_1, %get3A_4, %dot_general3A {dimension_numbers = #tpu.dot_dimension_numbers<[1], [0], [0], [1], [0, 0, 1, 1], [], []>, transpose_lhs_hint = false} : vector<10000x128xf32>, vector<128x128xf32>, vector<10000x128xf32> -> vector<10000x128xf32>
    %swap3A = arith.constant 0 : index
    %swap3A_6 = arith.constant 0 : index
    %swap3A_7 = vector.load %arg4[%swap3A, %swap3A_6] : memref<10000x128xf32, #tpu.memory_space<vmem>>, vector<10000x128xf32>
    tpu.vector_store %arg4[%swap3A, %swap3A_6], %dot_general3A_5 {strides = array<i32>} : memref<10000x128xf32, #tpu.memory_space<vmem>>, vector<10000x128xf32>,
    %get3A_8 = arith.constant 0 : index
    %get3A_9 = arith.constant 0 : index
    %get3A_10 = vector.load %arg2[%get3A_8, %get3A_9] : memref<2x320000xi32, #tpu.memory_space<vmem>>, vector<1x320000xi32>
    %get3A_11 = vector.shape_cast %get3A_10 : vector<1x320000xi32> to vector<320000xi32>
    %shift_left3A = arith.constant 16 : i32
    %shift_left3A_12 = vector.broadcast %shift_left3A : i32 to vector<320000xi32>
    %shift_left3A_13 = arith.shli %get3A_11, %shift_left3A_12 : vector<320000xi32>
    %get3A_14 = arith.constant 1 : index
    %get3A_15 = arith.constant 0 : index
    %get3A_16 = vector.load %arg2[%get3A_14, %get3A_15] : memref<2x320000xi32, #tpu.memory_space<vmem>>, vector<1x320000xi32>
    %get3A_17 = vector.shape_cast %get3A_16 : vector<1x320000xi32> to vector<320000xi32>
    %or3A = arith.ori %shift_left3A_13, %get3A_17 : vector<320000xi32>
    %get3A_18 = arith.constant 0 : index
    %get3A_19 = vector.load %arg3[%get3A_18] : memref<320000xf32, #tpu.memory_space<vmem>>, vector<320000xf32>
    %bitcast_convert_type3A = tpu.bitcast %get3A_19 : vector<320000xf32> -> vector<320000xi32>
    %reshape3A = vector.shape_cast %or3A : vector<320000xi32> to vector<2500x128xi32>
    %reshape3A_20 = vector.shape_cast %bitcast_convert_type3A : vector<320000xi32> to vector<2500x128xi32>
    %concatenate3A = tpu.concatenate %reshape3A, %reshape3A_20 in 1 : vector<2500x128xi32>, vector<2500x128xi32> -> vector<2500x256xi32>
    %reshape3A_21 = vector.shape_cast %concatenate3A : vector<2500x256xi32> to vector<640000xi32>
    %swap3A_22 = arith.constant 0 : index
    %swap3A_23 = vector.load %arg5[%swap3A_22] : memref<640000xi32, #tpu.memory_space<vmem>>, vector<640000xi32>
    tpu.vector_store %arg5[%swap3A_22], %reshape3A_21 {strides = array<i32>} : memref<640000xi32, #tpu.memory_space<vmem>>, vector<640000xi32>,
    return
  }
}

module attributes {stable_mosaic.version = 14 : i64} {
  func.func @_relu_kernel(%arg0: memref<2x10000x128xf32, #tpu.memory_space<vmem>>, %arg1: memref<1x128xf32, #tpu.memory_space<vmem>>, %arg2: memref<10000x128xf32, #tpu.memory_space<vmem>>) attributes {dimension_semantics = [], scalar_prefetch = 0 : i64, scratch_operands = 0 : i64, tpu.core_type = #tpu.core_type<tc>} {
    %get3A = arith.constant 0 : index
    %get3A_0 = arith.constant 0 : index
    %get3A_1 = arith.constant 0 : index
    %get3A_2 = vector.load %arg0[%get3A, %get3A_0, %get3A_1] : memref<2x10000x128xf32, #tpu.memory_space<vmem>>, vector<1x10000x128xf32>
    %get3A_3 = vector.shape_cast %get3A_2 : vector<1x10000x128xf32> to vector<10000x128xf32>
    %get3A_4 = arith.constant 1 : index
    %get3A_5 = arith.constant 0 : index
    %get3A_6 = arith.constant 0 : index
    %get3A_7 = vector.load %arg0[%get3A_4, %get3A_5, %get3A_6] : memref<2x10000x128xf32, #tpu.memory_space<vmem>>, vector<1x10000x128xf32>
    %get3A_8 = vector.shape_cast %get3A_7 : vector<1x10000x128xf32> to vector<10000x128xf32>
    %add3A = arith.addf %get3A_3, %get3A_8 : vector<10000x128xf32>
    %get3A_9 = arith.constant 0 : index
    %get3A_10 = arith.constant 0 : index
    %get3A_11 = vector.load %arg1[%get3A_9, %get3A_10] : memref<1x128xf32, #tpu.memory_space<vmem>>, vector<1x128xf32>
    %add3A_12 = vector.broadcast %get3A_11 : vector<1x128xf32> to vector<10000x128xf32>
    %add3A_13 = arith.addf %add3A, %add3A_12 : vector<10000x128xf32>
    %max3A = arith.constant 0.000000e+00 : f32
    %max3A_14 = vector.broadcast %max3A : f32 to vector<10000x128xf32>
    %max3A_15 = arith.maximumf %add3A_13, %max3A_14 : vector<10000x128xf32>
    %swap3A = arith.constant 0 : index
    %swap3A_16 = arith.constant 0 : index
    %swap3A_17 = vector.load %arg2[%swap3A, %swap3A_16] : memref<10000x128xf32, #tpu.memory_space<vmem>>, vector<10000x128xf32>
    tpu.vector_store %arg2[%swap3A, %swap3A_16], %max3A_15 {strides = array<i32>} : memref<10000x128xf32, #tpu.memory_space<vmem>>, vector<10000x128xf32>,
    return
  }
}

module attributes {stable_mosaic.version = 14 : i64} {
  func.func @_final_kernel(%arg0: memref<2x10000x128xf32, #tpu.memory_space<vmem>>, %arg1: memref<128x16xf32, #tpu.memory_space<vmem>>, %arg2: memref<1x16xf32, #tpu.memory_space<vmem>>, %arg3: memref<10000x16xf32, #tpu.memory_space<vmem>>) attributes {dimension_semantics = [], scalar_prefetch = 0 : i64, scratch_operands = 0 : i64, tpu.core_type = #tpu.core_type<tc>} {
    %get3A = arith.constant 0 : index
    %get3A_0 = arith.constant 0 : index
    %get3A_1 = arith.constant 0 : index
    %get3A_2 = vector.load %arg0[%get3A, %get3A_0, %get3A_1] : memref<2x10000x128xf32, #tpu.memory_space<vmem>>, vector<1x10000x128xf32>
    %get3A_3 = vector.shape_cast %get3A_2 : vector<1x10000x128xf32> to vector<10000x128xf32>
    %get3A_4 = arith.constant 1 : index
    %get3A_5 = arith.constant 0 : index
    %get3A_6 = arith.constant 0 : index
    %get3A_7 = vector.load %arg0[%get3A_4, %get3A_5, %get3A_6] : memref<2x10000x128xf32, #tpu.memory_space<vmem>>, vector<1x10000x128xf32>
    %get3A_8 = vector.shape_cast %get3A_7 : vector<1x10000x128xf32> to vector<10000x128xf32>
    %add3A = arith.addf %get3A_3, %get3A_8 : vector<10000x128xf32>
    %get3A_9 = arith.constant 0 : index
    %get3A_10 = arith.constant 0 : index
    %get3A_11 = vector.load %arg1[%get3A_9, %get3A_10] : memref<128x16xf32, #tpu.memory_space<vmem>>, vector<128x16xf32>
    %dot_general3A = arith.constant dense<0.000000e+00> : vector<10000x16xf32>
    %dot_general3A_12 = tpu.matmul %add3A, %get3A_11, %dot_general3A {dimension_numbers = #tpu.dot_dimension_numbers<[1], [0], [0], [1], [0, 0, 1, 1], [], []>, transpose_lhs_hint = false} : vector<10000x128xf32>, vector<128x16xf32>, vector<10000x16xf32> -> vector<10000x16xf32>
    %get3A_13 = arith.constant 0 : index
    %get3A_14 = arith.constant 0 : index
    %get3A_15 = vector.load %arg2[%get3A_13, %get3A_14] : memref<1x16xf32, #tpu.memory_space<vmem>>, vector<1x16xf32>
    %add3A_16 = vector.broadcast %get3A_15 : vector<1x16xf32> to vector<10000x16xf32>
    %add3A_17 = arith.addf %dot_general3A_12, %add3A_16 : vector<10000x16xf32>
    %reduce_max3A = arith.constant dense<0xFF800000> : vector<10000xf32>
    %reduce_max3A_18 = vector.multi_reduction <maximumf>, %add3A_17, %reduce_max3A [1] : vector<10000x16xf32> to vector<10000xf32>
    %broadcast_in_dim3A = vector.shape_cast %reduce_max3A_18 : vector<10000xf32> to vector<10000x1xf32>
    %sub3A = vector.broadcast %broadcast_in_dim3A : vector<10000x1xf32> to vector<10000x16xf32>
    %sub3A_19 = arith.subf %add3A_17, %sub3A : vector<10000x16xf32>
    %exp3A = math.exp %sub3A_19 : vector<10000x16xf32>
    %reduce_sum3A = arith.constant dense<0.000000e+00> : vector<10000xf32>
    %reduce_sum3A_20 = vector.multi_reduction <add>, %exp3A, %reduce_sum3A [1] : vector<10000x16xf32> to vector<10000xf32>
    %broadcast_in_dim3A_21 = vector.shape_cast %reduce_sum3A_20 : vector<10000xf32> to vector<10000x1xf32>
    %log3A = math.log %broadcast_in_dim3A_21 : vector<10000x1xf32>
    %add3A_22 = arith.addf %log3A, %broadcast_in_dim3A : vector<10000x1xf32>
    %sub3A_23 = vector.broadcast %add3A_22 : vector<10000x1xf32> to vector<10000x16xf32>
    %sub3A_24 = arith.subf %add3A_17, %sub3A_23 : vector<10000x16xf32>
    %swap3A = arith.constant 0 : index
    %swap3A_25 = arith.constant 0 : index
    %swap3A_26 = vector.load %arg3[%swap3A, %swap3A_25] : memref<10000x16xf32, #tpu.memory_space<vmem>>, vector<10000x16xf32>
    tpu.vector_store %arg3[%swap3A, %swap3A_25], %sub3A_24 {strides = array<i32>} : memref<10000x16xf32, #tpu.memory_space<vmem>>, vector<10000x16xf32>,
    return
  }
}

</mosaic_0001>

<sc_bundles>
// kernel: kernel.10.cloned.1.call-start
scs
__scs_entry_jumppad:
0x0: {  	(pc) =	sbr.rel $0x88, $3  }
0x1: {  	(tag) =	ssettag $0x0;
	lr =	simm.s32 $0x1  }
0x2: {  	[smem:$0x3F9A] =	sst lr;
	_ =	strace $0xD0000000  }
0x3: {  	_ = 	snop  }
0x4: {  	_ = 	snop  }
0x5: {  	_ = 	snop  }
0x6: {  	_ = 	snop  }
0x7: {  	_ = 	snop  }
__scs_overlays_trampoline_lowered:
0x8: {  	[smem:$0x3FA9] =	sst s0  }
0x9: {  	[smem:$0x3FAA] =	sst s1  }
0xa: {  	[smem:$0x3FAB] =	sst s2  }
0xb: {  	[smem:$0x3FAC] =	sst s3  }
0xc: {  	[smem:$0x3FAD] =	sst s4  }
0xd: {  	[smem:$0x3FAE] =	sst s5  }
0xe: {  	[smem:$0x3FAF] =	sst s6  }
0xf: {  	[smem:$0x3FB0] =	sst s7  }
0x10: {  	[smem:$0x3FB1] =	sst s8  }
0x11: {  	[smem:$0x3FB2] =	sst s9;
	s0 =	simm.s32 @!p0 $0x0  }
0x12: {  	s1 =	sld [smem:$0x3F98];
	s0 =	simm.s32 @p0 $0x1  }
0x13: {  	[smem:$0x3FB3] =	sst s0;
	s0 =	simm.s32 @!p1 $0x0  }
0x14: {  	s2 =	sld [smem:$0x3F97];
	s0 =	simm.s32 @p1 $0x1  }
0x15: {  	[smem:$0x3FB4] =	sst s0;
	s0 =	simm.s32 @!p2 $0x0  }
0x16: {  	s3 =	sld [smem:$0x3FDB];
	s0 =	simm.s32 @p2 $0x1  }
0x17: {  	s4 =	simm.s32 $0x1BF5;
	[smem:$0x3FB6] =	sst s0  }
0x18: {  	s0 =	sld [smem:$0x3F99];
	_ =	swait.ge [sflag:s4], $0x0  }
0x19: {  	s7 =	sld [smem:$0x3F9A]  }
0x1a: {  	s8 =	sadd.s32 $0xFFFFE003, lr  }
0x1b: {  	s9 =	sadd.s32 $0xFFFFFEF7, lr;
	s5 =	simm.s32 $0xFFFFFFFF;
	p2 =	slt.u32 s8, $0xFFFFF086  }
0x1c: {  	p1 =	slt.u32 s9, $0xF7A;
	s5 =	simm.s32 @!p2 $0x0  }
0x1d: {  	s5 =	simm.s32 @p1 $0x1;
	p0 =	seq.s32 s7, s2  }
0x1e: {  	s7 =	smul.u32 @!p0 $0xF7A, s2;
	p2 =	seq.s32 @!p0 s5, $0x0  }
0x1f: {  	s9 =	smul.u32 $0xF7A, s1;
	s8 =	simm.s32 @!p0 $0x1BF5;
	p2 =	por !p2, p0  }
0x20: {  	[sflag:s8] =	ssyncset.s32 @!p0 $0xFFFFF086;
	s6 =	sadd.s32 @!p0 s3, s7;
	s7 =	simm.s32 @!p0 $0x108  }
0x21: {  	s3 =	sadd.s32 s3, s9;
	s6 =	sadd.s32 @!p0 $0x88, s6;
	s7 =	simm.s32 @p2 $0x1082  }
0x22: {  	[simem:s7], [sflag:s8] =	dma.local @!p0 [hbm:s6], $0xF7A  }
0x23: {  	s9 =	sor.u32 $0xD0000000, s2;
	s6 =	simm.s32 $0x108;
	_ =	swait.ge @!p0 [sflag:s8], $0x0  }
0x24: {  	s3 =	sadd.s32 $0x88, s3;
	s6 =	simm.s32 @!p1 $0x1082;
	[sflag:s4] =	ssyncset.s32 $0xFFFFF086  }
0x25: {  	[simem:s6], [sflag:s4] =	dma.local [hbm:s3], $0xF7A  }
0x26: {  	[smem:$0x3F9A] =	sst s1;
	(tag) =	ssettag s2;
	_ =	strace s9  }
0x27: {  	s1 =	sld [smem:$0x3FAA]  }
0x28: {  	s2 =	sld [smem:$0x3FAB]  }
0x29: {  	s4 =	sld [smem:$0x3FAD]  }
0x2a: {  	p0 =	seq.s32 s5, $0x0;
	s5 =	sld [smem:$0x3FAE]  }
0x2b: {  	s6 =	sld [smem:$0x3FAF]  }
0x2c: {  	s7 =	sld [smem:$0x3FB0]  }
0x2d: {  	s3 =	simm.s32 $0x108;
	s8 =	sld [smem:$0x3FB1]  }
0x2e: {  	s3 =	simm.s32 @!p0 $0x1082;
	s9 =	sld [smem:$0x3FB2]  }
0x2f: {  	lr =	sadd.s32 s0, s3;
	s0 =	sld [smem:$0x3FA9]  }
0x30: {  	s3 =	sld [smem:$0x3FAC]  }
0x31: {  	[smem:$0x3FB5] =	sst s10  }
0x32: {  	s10 =	sld [smem:$0x3FB3];
	_ =	sdelay $0x3  }
0x33: {  	p0 =	seq.s32 s10, $0x1;
	s10 =	sld [smem:$0x3FB5];
	_ =	sdelay $0x3  }
0x34: {  	[smem:$0x3FB5] =	sst s10  }
0x35: {  	s10 =	sld [smem:$0x3FB4];
	_ =	sdelay $0x3  }
0x36: {  	p1 =	seq.s32 s10, $0x1;
	s10 =	sld [smem:$0x3FB5];
	_ =	sdelay $0x3  }
0x37: {  	[smem:$0x3FB5] =	sst s10  }
0x38: {  	s10 =	sld [smem:$0x3FB6]  }
0x39: {  	_ = 	snop;
	(pc) =	sbr.ind lr, $3  }
0x3a: {  	_ = 	snop  }
0x3b: {  	_ = 	snop  }
0x3c: {  	p2 =	seq.s32 s10, $0x1;
	s10 =	sld [smem:$0x3FB5]  }
0x3d: {  	_ =	shalt  }
0x3e: {  	_ =	shalt  }
0x3f: {  	_ =	shalt  }
0x40: {  	_ =	shalt  }
0x41: {  	_ =	shalt  }
0x42: {  	_ =	shalt  }
0x43: {  	_ =	shalt  }
0x44: {  	_ =	shalt  }
0x45: {  	_ =	shalt  }
0x46: {  	_ =	shalt  }
0x47: {  	_ =	shalt  }
0x48: {  	_ =	shalt  }
0x49: {  	_ =	shalt  }
0x4a: {  	_ =	shalt  }
0x4b: {  	_ =	shalt  }
0x4c: {  	_ =	shalt  }
0x4d: {  	_ =	shalt  }
0x4e: {  	_ =	shalt  }
0x4f: {  	_ =	shalt  }
0x50: {  	_ =	shalt  }
0x51: {  	_ =	shalt  }
0x52: {  	_ =	shalt  }
0x53: {  	_ =	shalt  }
0x54: {  	_ =	shalt  }
0x55: {  	_ =	shalt  }
0x56: {  	_ =	shalt  }
0x57: {  	_ =	shalt  }
0x58: {  	_ =	shalt  }
0x59: {  	_ =	shalt  }
0x5a: {  	_ =	shalt  }
0x5b: {  	_ =	shalt  }
0x5c: {  	_ =	shalt  }
0x5d: {  	_ =	shalt  }
0x5e: {  	_ =	shalt  }
0x5f: {  	_ =	shalt  }
0x60: {  	_ =	shalt  }
0x61: {  	_ =	shalt  }
0x62: {  	_ =	shalt  }
0x63: {  	_ =	shalt  }
0x64: {  	_ =	shalt  }
0x65: {  	_ =	shalt  }
0x66: {  	_ =	shalt  }
0x67: {  	_ =	shalt  }
0x68: {  	_ =	shalt  }
0x69: {  	_ =	shalt  }
0x6a: {  	_ =	shalt  }
0x6b: {  	_ =	shalt  }
0x6c: {  	_ =	shalt  }
0x6d: {  	_ =	shalt  }
0x6e: {  	_ =	shalt  }
0x6f: {  	_ =	shalt  }
0x70: {  	_ =	shalt  }
0x71: {  	_ =	shalt  }
0x72: {  	_ =	shalt  }
0x73: {  	_ =	shalt  }
0x74: {  	_ =	shalt  }
0x75: {  	_ =	shalt  }
0x76: {  	_ =	shalt  }
0x77: {  	_ =	shalt  }
0x78: {  	_ =	shalt  }
0x79: {  	_ =	shalt  }
0x7a: {  	_ =	shalt  }
0x7b: {  	_ =	shalt  }
0x7c: {  	_ =	shalt  }
0x7d: {  	_ =	shalt  }
0x7e: {  	_ =	shalt  }
0x7f: {  	_ =	shalt  }
0x80: {  	_ =	shalt  }
0x81: {  	_ =	shalt  }
0x82: {  	_ =	shalt  }
0x83: {  	_ =	shalt  }
0x84: {  	_ =	shalt  }
0x85: {  	_ =	shalt  }
0x86: {  	_ =	shalt  }
0x87: {  	_ =	shalt  }
.Lfunc_end0:
.L_simem_size_0:
called_computation.1_lowered:
.L_overlay_start_0:
0x88: {  	s2 =	sld [smem:$0x3FD9]  }
0x89: {  	s3 =	sld [smem:$0x3FFE];
	_ =	sdelay $0x1  }
0x8a: {  	s1 =	srdreg.scid  }
0x8b: {  	s0 =	sand.u32 $0x1, s1  }
0x8c: {  	s17 =	sshll.u32 s0, $0xA;
	s2 =	sadd.s32 s3, s2  }
0x8d: {  	s2 =	sadd.s32 s2, s17  }
0x8e: {  	[smem:$0x3FC1] =	sst s2  }
0x8f: {  	_ = 	snop  }
0x90: {  	s2 =	sld [smem:$0x3FD0];
	(tm) =	ssettm $0x1  }
0x91: {  	s18 =	sld [smem:$0x3FFB];
	_ =	sdelay $0x3  }
0x92: {  	_ =	strace s18  }
0x93: {  	s3 =	sld [smem:$0x3FFC];
	_ =	sdelay $0x3  }
0x94: {  	_ =	strace s3  }
0x95: {  	s3 =	sld [smem:$0x3FFD];
	_ =	sdelay $0x3  }
0x96: {  	_ =	strace s3  }
0x97: {  	_ =	strace $0x8FFFFFFF  }
0x98: {  	s19 =	sld [smem:$0x3FDB];
	_ =	sdelay $0x1  }
0x99: {  	s4 =	simm.s32 $_scs_section_size  }
0x9a: {  	s5 =	simm.s32 $_size__tile_overlayer_lowered;
	s6 =	simm.s32 $_tile_overlayer_lowered  }
0x9b: {  	s22 =	simm.s32 $0x1BFF;
	s21 =	sshll.u32 s6, $0x1;
	s3 =	sadd.s32 s4, s19  }
0x9c: {  	s7 =	simm.s32 $0x0;
	s20 =	sshll.u32 s5, $0x1;
	s5 =	sadd.s32 s21, s3  }
0x9d: {  	[timem:s7], [sflag:s22] =	dma.local [hbm:s5], s20  }
0x9e: {  	_ =	swait.ge [sflag:s22], s20  }
0x9f: {  	s4 =	ssub.s32 $0x0, s20;
	[sflag:s22] =	ssyncset.done $0x0  }
0xa0: {  	[sflag:s22] =	ssyncadd.s32 s4;
	_ =	sdelay $0x1  }
0xa1: {  	s23 =	simm.s32 $0x1B8B  }
0xa2: {  	_ =	swait.ge [sflag:s23], $0x1  }
0xa3: {  	[sflag:s23] =	ssyncset.done $0x0  }
0xa4: {  	s25 =	simm.s32 $0x1B8E;
	s24 =	sld [smem:$0x3FFE];
	[sflag:s23] =	ssyncadd.s32 $0xFFFFFFFF  }
0xa5: {  	s26 =	simm.s32 $execute0_lowered;
	[smem:$0x3FD2] =	sst s25  }
0xa6: {  	s5 =	sshll.u32 s26, $0x1;
	_ =	strace $0x80000049;
	[dreg:$0x1] =	wrdreg $0xFFFFFFFF  }
0xa7: {  	s28 =	simm.s32 $_size_execute0_lowered;
	s3 =	sadd.s32 s3, s5;
	[dreg:$0x0] =	wrdreg $0x0  }
0xa8: {  	s5 =	sshll.u32 s28, $0x1;
	[dreg:$0x2] =	wrdreg s3  }
0xa9: {  	[dreg:$0x3] =	wrdreg s5  }
0xaa: {  	[dreg:$0x4] =	wrdreg $0xC0  }
0xab: {  	_ =	task [dreg:s7], $0x5FFFF  }
0xac: {  	[dreg:$0x1] =	wrdreg $0xFFFFFFFF  }
0xad: {  	[dreg:$0x0] =	wrdreg $0x60  }
0xae: {  	[dreg:$0x2] =	wrdreg s24  }
0xaf: {  	[dreg:$0x3] =	wrdreg s2  }
0xb0: {  	[dreg:$0x4] =	wrdreg $0x84000  }
0xb1: {  	[dreg:$0x5] =	wrdreg $0x9  }
0xb2: {  	_ =	task.clear_ibuf [dreg:s7], $0x6FFFF;
	_ =	strace $0x90000049  }
0xb3: {  	s29 =	simm.s32 $0x9;
	_ =	strace $0x8000004B  }
0xb4: {  	_ =	swait.ge [sflag:s29], $0x1  }
0xb5: {  	[sflag:s29] =	ssyncadd.s32 $0xFFFFFFFF  }
0xb6: {  	_ =	strace $0x9000004B  }
0xb7: {  	_ =	sfence  }
0xb8: {  	s30 =	sld [smem:$0x0];
	_ =	sdelay $0x2  }
0xb9: {  	s31 =	sshll.u32 s1, $0xD;
	s1 =	sshrl.u32 s1, $0x2  }
0xba: {  	s3 =	sand.u32 $0x4000, s31;
	s1 =	sadd.s32 s1, s30  }
0xbb: {  	s0 =	sor.u32 s3, s0;
	s1 =	sshll.u32 s1, $0x11  }
0xbc: {  	s0 =	sor.u32 s1, s0  }
0xbd: {  	s0 =	sadd.s32 $0x8F2B, s0  }
0xbe: {  	[sflag:s0] =	ssyncadd.remote.s32 $0x1  }
0xbf: {  	_ =	sfence.sel $0xFFFF  }
0xc0: {  	[dreg:$0x0] =	wrdreg $0xFFFFFFFF;
	(pc) =	sbr.abs _section_cstart, $3  }
0xc1: {  	[dreg:$0x1] =	wrdreg $0xFFFFFFFF  }
0xc2: {  	_ =	task.clear_ibuf [dreg:s7], $0x2FFFF;
	_ =	strace $0x9FFFFFFF  }
0xc3: {  	(tm) =	ssettm $0x7FFFFFFF  }
tec
execute0_lowered:
.L_overlay_start_1:
0x0: {  	(tag) =	ssettag $0x1  }
0x1: {  	s6 =	rddreg [dreg:$0x0]  }
0x2: {  	s1 =	rddreg [dreg:$0x1]  }
0x3: {  	s2 =	rddreg [dreg:$0x2];
	s3 =	simm.s32 $0x0;
	s4 =	srdreg.scid  }
0x4: {  	s18 =	simm.s32 $0x7;
	s19 =	simm.s32 $0x80;
	s20 =	simm.s32 $0x400  }
0x5: {  	s21 =	simm.s32 $0x300;
	s23 =	simm.s32 $0x0;
	[smem:$0x7FF] =	sst s3  }
0x6: {  	s12 =	sand.u32 $0x1, s4;
	s5 =	sadd.s32 $0x15C00, s6;
	s4 =	stileid.u32  }
0x7: {  	s13 =	sadd.s32 $0x2200, s6;
	_ =	strace $0x8000004A;
	s7 =	smul.u32 $0x27100, s12  }
0x8: {  	s10 =	sshll.u32 s4, $0x1;
	s8 =	smul.u32 $0x4E000, s4;
	s30 =	ssub.s32 $0x2, s12  }
0x9: {  	s17 =	sshll.u32 s4, $0x6;
	s22 =	smul.u32 $0x2700, s4;
	s31 =	sshll.u32 s12, $0x5  }
0xa: {  	p0 =	seq.s32 s4, $0xF;
	s9 =	sshrl.u32 s30, $0x1;
	s11 =	sadd.s32 s7, s6  }
0xb: {  	s6 =	sor.u32 s12, s10;
	s8 =	sshrl.u32 s8, $0x2;
	s15 =	ssub.s32 s30, s9  }
0xc: {  	s9 =	ssub.s32 $0x9C4, s10;
	s10 =	ssub.s32 $0x9A4, s10;
	s14 =	sshll.u32 s6, $0x5  }
0xd: {  	s16 =	sadd.s32 s8, s2;
	s11 =	sadd.s32 $0x3CE00, s11;
	s12 =	smax.u32 s15, $0x1  }
0xe: {  	s15 =	sshll.u32 @!p0 s4, $0x6;
	s7 =	sadd.s32 s13, s14;
	s14 =	sadd.s32 $0x124800, s2  }
0xf: {  	s13 =	sadd.s32 s17, s13;
	s15 =	sor.u32 @!p0 $0x1C07, s15;
	s16 =	sshrl.u32 @!p0 s16, $0x3  }
0x10: {  	s17 =	simm.s32 $0x200;
	s22 =	sadd.s32 @!p0 s22, s11;
	s13 =	sadd.s32 s31, s13  }
0x11: {  	s8 =	sadd.s32 $0x400, s7;
	s14 =	sshrl.u32 @p0 s14, $0x3;
	s13 =	sadd.s32 $0xC00, s13  }
.LBB2_1:
0x12: {  	s24 =	simm.s32 @p0 $0x1FC7  }
0x13: {  	[spmem:s14], [sflag:s24] =	dma.local @p0 [hbm:s1], $0x2800  }
0x14: {  	s24 =	simm.s32 @p0 $0x7  }
0x15: {  	_ =	swait.ge @p0 [sflag:s24], $0x2800  }
0x16: {  	[sflag:s24] =	ssyncset.done @p0 $0x0  }
0x17: {  	[sflag:s24] =	ssyncadd.s32 @p0 $0xFFFFD800;
	s24 =	simm.s32 @!p0 $0x7  }
0x18: {  	[spmem:s16], [sflag:s15] =	dma.local @!p0 [hbm:s1], $0x2700  }
0x19: {  	_ =	swait.ge @!p0 [sflag:s24], $0x2700  }
0x1a: {  	[sflag:s24] =	ssyncset.done @!p0 $0x0  }
0x1b: {  	[sflag:s24] =	ssyncadd.s32 @!p0 $0xFFFFD900  }
0x1c: {  	[bflag:$0x0] =	sbarrier.arrive $0xFFFF  }
0x1d: {  	[tilespmem:s17], [sflag:$0x7] =	stream.linear.gather [hbm4b:s7+s3], $0x100, $0x38;
	[tilespmem:$0x1BC80] =	vst v63  }
0x1e: {  	_ =	swait.ge [sflag:s18], $0x100  }
0x1f: {  	[sflag:s18] =	ssyncset.done $0x0  }
0x20: {  	[sflag:s18] =	ssyncadd.s32 $0xFFFFFF00  }
0x21: {  	v0 =	vld [tilespmem:$0x200];
	_ =	sdelay $0x1  }
0x22: {  	v1 =	vld [tilespmem:$0x210];
	_ =	sdelay $0x1  }
0x23: {  	v2 =	vld [tilespmem:$0x220]  }
0x24: {  	v3 =	vand.u32 $0xFFFF, v0  }
0x25: {  	v45 =	vld [tilespmem:$0x230];
	v0 =	vshra.s32 v0, $0x10;
	[tilespmem:$0x0] =	vst v3  }
0x26: {  	v46 =	vand.u32 $0xFFFF, v1;
	[tilespmem:$0x100] =	vst v0  }
0x27: {  	v48 =	vld [tilespmem:$0x240];
	v47 =	vshra.s32 v1, $0x10;
	[tilespmem:$0x10] =	vst v46  }
0x28: {  	v49 =	vand.u32 $0xFFFF, v2;
	[tilespmem:$0x110] =	vst v47  }
0x29: {  	v51 =	vld [tilespmem:$0x250];
	v50 =	vshra.s32 v2, $0x10;
	[tilespmem:$0x20] =	vst v49  }
0x2a: {  	v52 =	vand.u32 $0xFFFF, v45;
	[tilespmem:$0x120] =	vst v50  }
0x2b: {  	v54 =	vld [tilespmem:$0x260];
	v53 =	vshra.s32 v45, $0x10;
	[tilespmem:$0x30] =	vst v52  }
0x2c: {  	v55 =	vand.u32 $0xFFFF, v48;
	[tilespmem:$0x130] =	vst v53  }
0x2d: {  	v57 =	vld [tilespmem:$0x270];
	v56 =	vshra.s32 v48, $0x10;
	[tilespmem:$0x40] =	vst v55  }
0x2e: {  	v58 =	vand.u32 $0xFFFF, v51;
	[tilespmem:$0x140] =	vst v56  }
0x2f: {  	v59 =	vshra.s32 v51, $0x10;
	[tilespmem:$0x50] =	vst v58  }
0x30: {  	v60 =	vand.u32 $0xFFFF, v54;
	[tilespmem:$0x150] =	vst v59  }
0x31: {  	v61 =	vshra.s32 v54, $0x10;
	[tilespmem:$0x60] =	vst v60  }
0x32: {  	v62 =	vand.u32 $0xFFFF, v57;
	[tilespmem:$0x160] =	vst v61  }
0x33: {  	v63 =	vshra.s32 v57, $0x10;
	[tilespmem:$0x70] =	vst v62  }
0x34: {  	[tilespmem:$0x170] =	vst v63  }
0x35: {  	[tilespmem:s20], [sflag:$0x3] =	stream.indirect.gather [hbm4b:s5+s19], $0x80, s3, s19, $0xb8;
	[tilespmem:$0x1BC80] =	vst v63  }
0x36: {  	s25 =	simm.s32 $0x0;
	s24 =	smov.u32 s13  }
0x37: {  	[tilespmem:s21], [sflag:$0x2] =	stream.linear.gather [hbm4b:s8+s3], $0x100, $0x38;
	[tilespmem:$0x1BC80] =	vst v63  }
.LBB2_2:
0x38: {  	p2 =	seq.s32 s25, $0x0  }
0x39: {  	s26 =	simm.s32 @!p2 $0x6  }
0x3a: {  	_ =	swait.ge @!p2 [sflag:s26], $0x4000  }
0x3b: {  	p1 =	sge.u32 s25, s10;
	[sflag:s26] =	ssyncset.done @!p2 $0x0  }
0x3c: {  	[sflag:s26] =	ssyncadd.s32 @!p2 $0xFFFFC000;
	s26 =	simm.s32 @!p1 $0x2  }
0x3d: {  	_ =	swait.ge @!p1 [sflag:s26], $0x100  }
0x3e: {  	[sflag:s26] =	ssyncset.done @!p1 $0x0  }
0x3f: {  	[sflag:s26] =	ssyncadd.s32 @!p1 $0xFFFFFF00  }
0x40: {  	v0 =	vld @!p1 [tilespmem:$0x300];
	_ =	sdelay $0x1  }
0x41: {  	v1 =	vld @!p1 [tilespmem:$0x310];
	_ =	sdelay $0x1  }
0x42: {  	v2 =	vld @!p1 [tilespmem:$0x320]  }
0x43: {  	v3 =	vand.u32 @!p1 $0xFFFF, v0  }
0x44: {  	v0 =	vshra.s32 @!p1 v0, $0x10;
	[tilespmem:$0x80] =	vst @!p1 v3;
	v3 =	vld @!p1 [tilespmem:$0x330]  }
0x45: {  	[tilespmem:$0x180] =	vst @!p1 v0;
	v0 =	vand.u32 @!p1 $0xFFFF, v1  }
0x46: {  	[tilespmem:$0x90] =	vst @!p1 v0;
	v0 =	vshra.s32 @!p1 v1, $0x10;
	v1 =	vld @!p1 [tilespmem:$0x340]  }
0x47: {  	[tilespmem:$0x190] =	vst @!p1 v0;
	v0 =	vand.u32 @!p1 $0xFFFF, v2  }
0x48: {  	[tilespmem:$0xA0] =	vst @!p1 v0;
	v0 =	vshra.s32 @!p1 v2, $0x10;
	v2 =	vld @!p1 [tilespmem:$0x350]  }
0x49: {  	[tilespmem:$0x1A0] =	vst @!p1 v0;
	v0 =	vand.u32 @!p1 $0xFFFF, v3  }
0x4a: {  	[tilespmem:$0xB0] =	vst @!p1 v0;
	v0 =	vshra.s32 @!p1 v3, $0x10;
	v3 =	vld @!p1 [tilespmem:$0x360]  }
0x4b: {  	[tilespmem:$0x1B0] =	vst @!p1 v0;
	v0 =	vand.u32 @!p1 $0xFFFF, v1  }
0x4c: {  	[tilespmem:$0xC0] =	vst @!p1 v0;
	v0 =	vshra.s32 @!p1 v1, $0x10;
	v1 =	vld @!p1 [tilespmem:$0x370]  }
0x4d: {  	[tilespmem:$0x1C0] =	vst @!p1 v0;
	v0 =	vand.u32 @!p1 $0xFFFF, v2  }
0x4e: {  	[tilespmem:$0xD0] =	vst @!p1 v0;
	v0 =	vshra.s32 @!p1 v2, $0x10  }
0x4f: {  	[tilespmem:$0x1D0] =	vst @!p1 v0;
	v0 =	vand.u32 @!p1 $0xFFFF, v3  }
0x50: {  	[tilespmem:$0xE0] =	vst @!p1 v0;
	v0 =	vshra.s32 @!p1 v3, $0x10  }
0x51: {  	[tilespmem:$0x1E0] =	vst @!p1 v0;
	v0 =	vand.u32 @!p1 $0xFFFF, v1  }
0x52: {  	p3 =	sge.u32 s25, s9;
	[tilespmem:$0xF0] =	vst @!p1 v0;
	v0 =	vshra.s32 @!p1 v1, $0x10  }
0x53: {  	s28 =	simm.s32 @!p1 $0x4400;
	s29 =	simm.s32 @!p3 $0x3;
	s26 =	simm.s32 @!p1 $0x80;
	[tilespmem:$0x1F0] =	vst @!p1 v0  }
0x54: {  	[tilespmem:s28], [sflag:$0x4] =	stream.indirect.gather @!p1 [hbm4b:s5+s26], $0x80, s26, s26, $0xb8;
	[tilespmem:$0x1BC80] =	vst v63  }
0x55: {  	_ =	swait.ge @!p3 [sflag:s29], $0x4000  }
0x56: {  	s30 =	simm.s32 @!p3 $0x100;
	[sflag:s29] =	ssyncset.done @!p3 $0x0  }
0x57: {  	s31 =	simm.s32 @!p3 $0x400;
	[sflag:s29] =	ssyncadd.s32 @!p3 $0xFFFFC000;
	s29 =	simm.s32 @!p3 $0x80  }
0x58: {  	[spmem:s2] =	stream.indirect.scatter.add.f32 @!p3 [tilespmem:s31], [sflag:$0x5], $0x80, s30, s29, $0xb8;
	[tilespmem:$0x1BC80] =	vst v63  }
0x59: {  	s29 =	sadd.s32 s25, s6  }
0x5a: {  	s0 =	sadd.s32 $0x40, s29  }
0x5b: {  	p2 =	sgt.u32 s0, $0x9C3  }
0x5c: {  	s30 =	sadd.s32 @!p2 $0xFFFFFC00, s24;
	s31 =	simm.s32 @!p2 $0x0;
	s0 =	simm.s32 @!p2 $0x200  }
0x5d: {  	[tilespmem:s0], [sflag:$0x1] =	stream.linear.gather @!p2 [hbm4b:s30+s31], $0x100, $0x38;
	[tilespmem:$0x1BC80] =	vst v63  }
0x5e: {  	s0 =	simm.s32 @!p3 $0x5  }
0x5f: {  	_ =	swait.ge @!p3 [sflag:s0], $0x4000  }
0x60: {  	[sflag:s0] =	ssyncset.done @!p3 $0x0  }
0x61: {  	[sflag:s0] =	ssyncadd.s32 @!p3 $0xFFFFC000;
	s0 =	simm.s32 @!p2 $0x1  }
0x62: {  	_ =	swait.ge @!p2 [sflag:s0], $0x100  }
0x63: {  	[sflag:s0] =	ssyncset.done @!p2 $0x0  }
0x64: {  	[sflag:s0] =	ssyncadd.s32 @!p2 $0xFFFFFF00  }
0x65: {  	v0 =	vld @!p2 [tilespmem:$0x200];
	_ =	sdelay $0x1  }
0x66: {  	v1 =	vld @!p2 [tilespmem:$0x210];
	_ =	sdelay $0x1  }
0x67: {  	v2 =	vld @!p2 [tilespmem:$0x220]  }
0x68: {  	v3 =	vand.u32 @!p2 $0xFFFF, v0  }
0x69: {  	v0 =	vshra.s32 @!p2 v0, $0x10;
	[tilespmem:$0x0] =	vst @!p2 v3;
	v3 =	vld @!p2 [tilespmem:$0x230]  }
0x6a: {  	[tilespmem:$0x100] =	vst @!p2 v0;
	v0 =	vand.u32 @!p2 $0xFFFF, v1  }
0x6b: {  	[tilespmem:$0x10] =	vst @!p2 v0;
	v0 =	vshra.s32 @!p2 v1, $0x10;
	v1 =	vld @!p2 [tilespmem:$0x240]  }
0x6c: {  	[tilespmem:$0x110] =	vst @!p2 v0;
	v0 =	vand.u32 @!p2 $0xFFFF, v2  }
0x6d: {  	[tilespmem:$0x20] =	vst @!p2 v0;
	v0 =	vshra.s32 @!p2 v2, $0x10;
	v2 =	vld @!p2 [tilespmem:$0x250]  }
0x6e: {  	[tilespmem:$0x120] =	vst @!p2 v0;
	v0 =	vand.u32 @!p2 $0xFFFF, v3  }
0x6f: {  	[tilespmem:$0x30] =	vst @!p2 v0;
	v0 =	vshra.s32 @!p2 v3, $0x10;
	v3 =	vld @!p2 [tilespmem:$0x260]  }
0x70: {  	[tilespmem:$0x130] =	vst @!p2 v0;
	v0 =	vand.u32 @!p2 $0xFFFF, v1  }
0x71: {  	[tilespmem:$0x40] =	vst @!p2 v0;
	v0 =	vshra.s32 @!p2 v1, $0x10;
	v1 =	vld @!p2 [tilespmem:$0x270]  }
0x72: {  	[tilespmem:$0x140] =	vst @!p2 v0;
	v0 =	vand.u32 @!p2 $0xFFFF, v2  }
0x73: {  	[tilespmem:$0x50] =	vst @!p2 v0;
	v0 =	vshra.s32 @!p2 v2, $0x10  }
0x74: {  	[tilespmem:$0x150] =	vst @!p2 v0;
	v0 =	vand.u32 @!p2 $0xFFFF, v3  }
0x75: {  	[tilespmem:$0x60] =	vst @!p2 v0;
	v0 =	vshra.s32 @!p2 v3, $0x10  }
0x76: {  	[tilespmem:$0x160] =	vst @!p2 v0;
	v0 =	vand.u32 @!p2 $0xFFFF, v1  }
0x77: {  	[tilespmem:$0x70] =	vst @!p2 v0;
	v0 =	vshra.s32 @!p2 v1, $0x10  }
0x78: {  	s30 =	simm.s32 @!p2 $0x400;
	s0 =	simm.s32 @!p2 $0x80;
	[tilespmem:$0x170] =	vst @!p2 v0  }
0x79: {  	[tilespmem:s30], [sflag:$0x3] =	stream.indirect.gather @!p2 [hbm4b:s5+s0], $0x80, s31, s0, $0xb8;
	[tilespmem:$0x1BC80] =	vst v63  }
0x7a: {  	s0 =	simm.s32 @!p1 $0x4  }
0x7b: {  	_ =	swait.ge @!p1 [sflag:s0], $0x4000  }
0x7c: {  	[sflag:s0] =	ssyncset.done @!p1 $0x0  }
0x7d: {  	s31 =	sadd.s32 $0x60, s29;
	[sflag:s0] =	ssyncadd.s32 @!p1 $0xFFFFC000;
	s0 =	simm.s32 @!p1 $0x180  }
0x7e: {  	[spmem:s2] =	stream.indirect.scatter.add.f32 @!p1 [tilespmem:s28], [sflag:$0x6], $0x80, s0, s26, $0xb8;
	[tilespmem:$0x1BC80] =	vst v63  }
0x7f: {  	p1 =	sgt.u32 s31, $0x9C3  }
0x80: {  	s25 =	sadd.s32 $0x40, s25;
	s0 =	simm.s32 @!p1 $0x0;
	s26 =	simm.s32 @!p1 $0x300  }
0x81: {  	[tilespmem:s26], [sflag:$0x2] =	stream.linear.gather @!p1 [hbm4b:s24+s0], $0x100, $0x38;
	[tilespmem:$0x1BC80] =	vst v63  }
0x82: {  	p1 =	sne.s32 s25, $0xA00  }
.Ltmp0:
0x83: {  	_ = 	snop;
	(pc) =	sbr.rel @p1 .LBB2_2-.Ltmp0, $2  }
0x84: {  	_ =	sdelay $0x2  }
0x85: {  	s24 =	sadd.s32 $0x800, s24  }
0x86: {  	[bflag:$0x0] =	sbarrier.arrive $0xFFFF;
	s0 =	sadd.s32 @p0 $0x24900, s11;
	s24 =	simm.s32 @p0 $0x1FC7  }
0x87: {  	[hbm:s0], [sflag:s24] =	dma.local @p0 [spmem:s14], $0x2800  }
0x88: {  	s0 =	simm.s32 @p0 $0x7  }
0x89: {  	s23 =	sadd.s32 $0x1, s23;
	_ =	swait.ge @p0 [sflag:s0], $0x2800  }
0x8a: {  	p1 =	sne.s32 s23, s12;
	[sflag:s0] =	ssyncset.done @p0 $0x0  }
.Ltmp1:
0x8b: {  	[sflag:s0] =	ssyncadd.s32 @p0 $0xFFFFD800;
	s0 =	simm.s32 @!p0 $0x7;
	(pc) =	sbr.rel @p1 .LBB2_1-.Ltmp1, $4  }
0x8c: {  	[hbm:s22], [sflag:s15] =	dma.local @!p0 [spmem:s16], $0x2700  }
0x8d: {  	_ =	swait.ge @!p0 [sflag:s0], $0x2700  }
0x8e: {  	[sflag:s0] =	ssyncset.done @!p0 $0x0  }
0x8f: {  	[sflag:s0] =	ssyncadd.s32 @!p0 $0xFFFFD900  }
0x90: {  	_ =	sfence.sel $0x180000  }
0x91: {  	[bflag:$0x0] =	sbarrier.arrive $0xFFFF  }
0x92: {  	_ =	strace $0x9000004A  }
0x93: {  	[bflag:$0x2] =	sbarrier.arrive $0xFFFF  }
0x94: {  	p0 =	sne.s32 s4, $0x0;
	s0 =	rddreg [dreg:$0x3]  }
0x95: {  	s0 =	sadd.s32 @!p0 $0x100000, s0  }
0x96: {  	[sflag:s0] =	ssyncadd.tile.s32 @!p0 $0x1;
	_ =	shalt  }
.Lfunc_end2:
_tile_overlayer_lowered:
.L_overlay_start_2:
0x97: {  	(tag) =	ssettag $0x2  }
0x98: {  	s0 =	rddreg [dreg:$0x0];
	s2 =	stileid.u32  }
0x99: {  	s1 =	rddreg [dreg:$0x1];
	p0 =	sne.s32 s2, $0x0  }
0x9a: {  	s3 =	rddreg [dreg:$0x2];
	[bflag:$0x3] =	sbarrier.arrive $0xFFFF;
	s2 =	simm.s32 @!p0 $0x1C07  }
0x9b: {  	[timem:s3], [sflag:s2] =	dma.local @!p0 [hbm:s0], s1  }
0x9c: {  	s0 =	simm.s32 @!p0 $0x7  }
0x9d: {  	_ =	swait.ge @!p0 [sflag:s0], s1  }
0x9e: {  	s1 =	ssub.s32 @!p0 $0x0, s1;
	[sflag:s0] =	ssyncset.done @!p0 $0x0  }
0x9f: {  	[sflag:s0] =	ssyncadd.s32 @!p0 s1  }
0xa0: {  	[bflag:$0x3] =	sbarrier.arrive $0xFFFF  }
0xa1: {  	_ =	shalt  }

// kernel: kernel.7.cloned.1.call-start
scs
__scs_entry_jumppad:
0x0: {  	(pc) =	sbr.rel $0x88, $3  }
0x1: {  	(tag) =	ssettag $0x0;
	lr =	simm.s32 $0x1  }
0x2: {  	[smem:$0x3F9A] =	sst lr;
	_ =	strace $0xD0000000  }
0x3: {  	_ = 	snop  }
0x4: {  	_ = 	snop  }
0x5: {  	_ = 	snop  }
0x6: {  	_ = 	snop  }
0x7: {  	_ = 	snop  }
__scs_overlays_trampoline_lowered:
0x8: {  	[smem:$0x3FA9] =	sst s0  }
0x9: {  	[smem:$0x3FAA] =	sst s1  }
0xa: {  	[smem:$0x3FAB] =	sst s2  }
0xb: {  	[smem:$0x3FAC] =	sst s3  }
0xc: {  	[smem:$0x3FAD] =	sst s4  }
0xd: {  	[smem:$0x3FAE] =	sst s5  }
0xe: {  	[smem:$0x3FAF] =	sst s6  }
0xf: {  	[smem:$0x3FB0] =	sst s7  }
0x10: {  	[smem:$0x3FB1] =	sst s8  }
0x11: {  	[smem:$0x3FB2] =	sst s9;
	s0 =	simm.s32 @!p0 $0x0  }
0x12: {  	s1 =	sld [smem:$0x3F98];
	s0 =	simm.s32 @p0 $0x1  }
0x13: {  	[smem:$0x3FB3] =	sst s0;
	s0 =	simm.s32 @!p1 $0x0  }
0x14: {  	s2 =	sld [smem:$0x3F97];
	s0 =	simm.s32 @p1 $0x1  }
0x15: {  	[smem:$0x3FB4] =	sst s0;
	s0 =	simm.s32 @!p2 $0x0  }
0x16: {  	s3 =	sld [smem:$0x3FDB];
	s0 =	simm.s32 @p2 $0x1  }
0x17: {  	s4 =	simm.s32 $0x1BF5;
	[smem:$0x3FB6] =	sst s0  }
0x18: {  	s0 =	sld [smem:$0x3F99];
	_ =	swait.ge [sflag:s4], $0x0  }
0x19: {  	s7 =	sld [smem:$0x3F9A]  }
0x1a: {  	s8 =	sadd.s32 $0xFFFFE003, lr  }
0x1b: {  	s9 =	sadd.s32 $0xFFFFFEF7, lr;
	s5 =	simm.s32 $0xFFFFFFFF;
	p2 =	slt.u32 s8, $0xFFFFF086  }
0x1c: {  	p1 =	slt.u32 s9, $0xF7A;
	s5 =	simm.s32 @!p2 $0x0  }
0x1d: {  	s5 =	simm.s32 @p1 $0x1;
	p0 =	seq.s32 s7, s2  }
0x1e: {  	s7 =	smul.u32 @!p0 $0xF7A, s2;
	p2 =	seq.s32 @!p0 s5, $0x0  }
0x1f: {  	s9 =	smul.u32 $0xF7A, s1;
	s8 =	simm.s32 @!p0 $0x1BF5;
	p2 =	por !p2, p0  }
0x20: {  	[sflag:s8] =	ssyncset.s32 @!p0 $0xFFFFF086;
	s6 =	sadd.s32 @!p0 s3, s7;
	s7 =	simm.s32 @!p0 $0x108  }
0x21: {  	s3 =	sadd.s32 s3, s9;
	s6 =	sadd.s32 @!p0 $0x88, s6;
	s7 =	simm.s32 @p2 $0x1082  }
0x22: {  	[simem:s7], [sflag:s8] =	dma.local @!p0 [hbm:s6], $0xF7A  }
0x23: {  	s9 =	sor.u32 $0xD0000000, s2;
	s6 =	simm.s32 $0x108;
	_ =	swait.ge @!p0 [sflag:s8], $0x0  }
0x24: {  	s3 =	sadd.s32 $0x88, s3;
	s6 =	simm.s32 @!p1 $0x1082;
	[sflag:s4] =	ssyncset.s32 $0xFFFFF086  }
0x25: {  	[simem:s6], [sflag:s4] =	dma.local [hbm:s3], $0xF7A  }
0x26: {  	[smem:$0x3F9A] =	sst s1;
	(tag) =	ssettag s2;
	_ =	strace s9  }
0x27: {  	s1 =	sld [smem:$0x3FAA]  }
0x28: {  	s2 =	sld [smem:$0x3FAB]  }
0x29: {  	s4 =	sld [smem:$0x3FAD]  }
0x2a: {  	p0 =	seq.s32 s5, $0x0;
	s5 =	sld [smem:$0x3FAE]  }
0x2b: {  	s6 =	sld [smem:$0x3FAF]  }
0x2c: {  	s7 =	sld [smem:$0x3FB0]  }
0x2d: {  	s3 =	simm.s32 $0x108;
	s8 =	sld [smem:$0x3FB1]  }
0x2e: {  	s3 =	simm.s32 @!p0 $0x1082;
	s9 =	sld [smem:$0x3FB2]  }
0x2f: {  	lr =	sadd.s32 s0, s3;
	s0 =	sld [smem:$0x3FA9]  }
0x30: {  	s3 =	sld [smem:$0x3FAC]  }
0x31: {  	[smem:$0x3FB5] =	sst s10  }
0x32: {  	s10 =	sld [smem:$0x3FB3];
	_ =	sdelay $0x3  }
0x33: {  	p0 =	seq.s32 s10, $0x1;
	s10 =	sld [smem:$0x3FB5];
	_ =	sdelay $0x3  }
0x34: {  	[smem:$0x3FB5] =	sst s10  }
0x35: {  	s10 =	sld [smem:$0x3FB4];
	_ =	sdelay $0x3  }
0x36: {  	p1 =	seq.s32 s10, $0x1;
	s10 =	sld [smem:$0x3FB5];
	_ =	sdelay $0x3  }
0x37: {  	[smem:$0x3FB5] =	sst s10  }
0x38: {  	s10 =	sld [smem:$0x3FB6]  }
0x39: {  	_ = 	snop;
	(pc) =	sbr.ind lr, $3  }
0x3a: {  	_ = 	snop  }
0x3b: {  	_ = 	snop  }
0x3c: {  	p2 =	seq.s32 s10, $0x1;
	s10 =	sld [smem:$0x3FB5]  }
0x3d: {  	_ =	shalt  }
0x3e: {  	_ =	shalt  }
0x3f: {  	_ =	shalt  }
0x40: {  	_ =	shalt  }
0x41: {  	_ =	shalt  }
0x42: {  	_ =	shalt  }
0x43: {  	_ =	shalt  }
0x44: {  	_ =	shalt  }
0x45: {  	_ =	shalt  }
0x46: {  	_ =	shalt  }
0x47: {  	_ =	shalt  }
0x48: {  	_ =	shalt  }
0x49: {  	_ =	shalt  }
0x4a: {  	_ =	shalt  }
0x4b: {  	_ =	shalt  }
0x4c: {  	_ =	shalt  }
0x4d: {  	_ =	shalt  }
0x4e: {  	_ =	shalt  }
0x4f: {  	_ =	shalt  }
0x50: {  	_ =	shalt  }
0x51: {  	_ =	shalt  }
0x52: {  	_ =	shalt  }
0x53: {  	_ =	shalt  }
0x54: {  	_ =	shalt  }
0x55: {  	_ =	shalt  }
0x56: {  	_ =	shalt  }
0x57: {  	_ =	shalt  }
0x58: {  	_ =	shalt  }
0x59: {  	_ =	shalt  }
0x5a: {  	_ =	shalt  }
0x5b: {  	_ =	shalt  }
0x5c: {  	_ =	shalt  }
0x5d: {  	_ =	shalt  }
0x5e: {  	_ =	shalt  }
0x5f: {  	_ =	shalt  }
0x60: {  	_ =	shalt  }
0x61: {  	_ =	shalt  }
0x62: {  	_ =	shalt  }
0x63: {  	_ =	shalt  }
0x64: {  	_ =	shalt  }
0x65: {  	_ =	shalt  }
0x66: {  	_ =	shalt  }
0x67: {  	_ =	shalt  }
0x68: {  	_ =	shalt  }
0x69: {  	_ =	shalt  }
0x6a: {  	_ =	shalt  }
0x6b: {  	_ =	shalt  }
0x6c: {  	_ =	shalt  }
0x6d: {  	_ =	shalt  }
0x6e: {  	_ =	shalt  }
0x6f: {  	_ =	shalt  }
0x70: {  	_ =	shalt  }
0x71: {  	_ =	shalt  }
0x72: {  	_ =	shalt  }
0x73: {  	_ =	shalt  }
0x74: {  	_ =	shalt  }
0x75: {  	_ =	shalt  }
0x76: {  	_ =	shalt  }
0x77: {  	_ =	shalt  }
0x78: {  	_ =	shalt  }
0x79: {  	_ =	shalt  }
0x7a: {  	_ =	shalt  }
0x7b: {  	_ =	shalt  }
0x7c: {  	_ =	shalt  }
0x7d: {  	_ =	shalt  }
0x7e: {  	_ =	shalt  }
0x7f: {  	_ =	shalt  }
0x80: {  	_ =	shalt  }
0x81: {  	_ =	shalt  }
0x82: {  	_ =	shalt  }
0x83: {  	_ =	shalt  }
0x84: {  	_ =	shalt  }
0x85: {  	_ =	shalt  }
0x86: {  	_ =	shalt  }
0x87: {  	_ =	shalt  }
.Lfunc_end0:
.L_simem_size_0:
called_computation_lowered:
.L_overlay_start_0:
0x88: {  	s2 =	sld [smem:$0x3FD9]  }
0x89: {  	s3 =	sld [smem:$0x3FFE];
	_ =	sdelay $0x1  }
0x8a: {  	s1 =	srdreg.scid  }
0x8b: {  	s0 =	sand.u32 $0x1, s1  }
0x8c: {  	s17 =	sshll.u32 s0, $0xA;
	s2 =	sadd.s32 s3, s2  }
0x8d: {  	s2 =	sadd.s32 s2, s17  }
0x8e: {  	[smem:$0x3FC1] =	sst s2  }
0x8f: {  	_ = 	snop  }
0x90: {  	s2 =	sld [smem:$0x3FD0];
	(tm) =	ssettm $0x1  }
0x91: {  	s18 =	sld [smem:$0x3FFB];
	_ =	sdelay $0x3  }
0x92: {  	_ =	strace s18  }
0x93: {  	s3 =	sld [smem:$0x3FFC];
	_ =	sdelay $0x3  }
0x94: {  	_ =	strace s3  }
0x95: {  	s3 =	sld [smem:$0x3FFD];
	_ =	sdelay $0x3  }
0x96: {  	_ =	strace s3  }
0x97: {  	_ =	strace $0x8FFFFFFF  }
0x98: {  	s19 =	sld [smem:$0x3FDB];
	_ =	sdelay $0x1  }
0x99: {  	s4 =	simm.s32 $_scs_section_size  }
0x9a: {  	s5 =	simm.s32 $_size__tile_overlayer_lowered;
	s6 =	simm.s32 $_tile_overlayer_lowered  }
0x9b: {  	s22 =	simm.s32 $0x1BFF;
	s21 =	sshll.u32 s6, $0x1;
	s3 =	sadd.s32 s4, s19  }
0x9c: {  	s7 =	simm.s32 $0x0;
	s20 =	sshll.u32 s5, $0x1;
	s5 =	sadd.s32 s21, s3  }
0x9d: {  	[timem:s7], [sflag:s22] =	dma.local [hbm:s5], s20  }
0x9e: {  	_ =	swait.ge [sflag:s22], s20  }
0x9f: {  	s4 =	ssub.s32 $0x0, s20;
	[sflag:s22] =	ssyncset.done $0x0  }
0xa0: {  	[sflag:s22] =	ssyncadd.s32 s4;
	_ =	sdelay $0x1  }
0xa1: {  	s23 =	simm.s32 $0x1B8B  }
0xa2: {  	_ =	swait.ge [sflag:s23], $0x1  }
0xa3: {  	[sflag:s23] =	ssyncset.done $0x0  }
0xa4: {  	s25 =	simm.s32 $0x1B8E;
	s24 =	sld [smem:$0x3FFE];
	[sflag:s23] =	ssyncadd.s32 $0xFFFFFFFF  }
0xa5: {  	s26 =	simm.s32 $execute0_lowered;
	[smem:$0x3FD2] =	sst s25  }
0xa6: {  	s5 =	sshll.u32 s26, $0x1;
	_ =	strace $0x80000046;
	[dreg:$0x1] =	wrdreg $0xFFFFFFFF  }
0xa7: {  	s28 =	simm.s32 $_size_execute0_lowered;
	s3 =	sadd.s32 s3, s5;
	[dreg:$0x0] =	wrdreg $0x0  }
0xa8: {  	s5 =	sshll.u32 s28, $0x1;
	[dreg:$0x2] =	wrdreg s3  }
0xa9: {  	[dreg:$0x3] =	wrdreg s5  }
0xaa: {  	[dreg:$0x4] =	wrdreg $0xC0  }
0xab: {  	_ =	task [dreg:s7], $0x5FFFF  }
0xac: {  	[dreg:$0x1] =	wrdreg $0xFFFFFFFF  }
0xad: {  	[dreg:$0x0] =	wrdreg $0x60  }
0xae: {  	[dreg:$0x2] =	wrdreg s24  }
0xaf: {  	[dreg:$0x3] =	wrdreg s2  }
0xb0: {  	[dreg:$0x4] =	wrdreg $0x84000  }
0xb1: {  	[dreg:$0x5] =	wrdreg $0x9  }
0xb2: {  	_ =	task.clear_ibuf [dreg:s7], $0x6FFFF;
	_ =	strace $0x90000046  }
0xb3: {  	s29 =	simm.s32 $0x9;
	_ =	strace $0x80000048  }
0xb4: {  	_ =	swait.ge [sflag:s29], $0x1  }
0xb5: {  	[sflag:s29] =	ssyncadd.s32 $0xFFFFFFFF  }
0xb6: {  	_ =	strace $0x90000048  }
0xb7: {  	_ =	sfence  }
0xb8: {  	s30 =	sld [smem:$0x0];
	_ =	sdelay $0x2  }
0xb9: {  	s31 =	sshll.u32 s1, $0xD;
	s1 =	sshrl.u32 s1, $0x2  }
0xba: {  	s3 =	sand.u32 $0x4000, s31;
	s1 =	sadd.s32 s1, s30  }
0xbb: {  	s0 =	sor.u32 s3, s0;
	s1 =	sshll.u32 s1, $0x11  }
0xbc: {  	s0 =	sor.u32 s1, s0  }
0xbd: {  	s0 =	sadd.s32 $0x8F2B, s0  }
0xbe: {  	[sflag:s0] =	ssyncadd.remote.s32 $0x1  }
0xbf: {  	_ =	sfence.sel $0xFFFF  }
0xc0: {  	[dreg:$0x0] =	wrdreg $0xFFFFFFFF;
	(pc) =	sbr.abs _section_cstart, $3  }
0xc1: {  	[dreg:$0x1] =	wrdreg $0xFFFFFFFF  }
0xc2: {  	_ =	task.clear_ibuf [dreg:s7], $0x2FFFF;
	_ =	strace $0x9FFFFFFF  }
0xc3: {  	(tm) =	ssettm $0x7FFFFFFF  }
tec
execute0_lowered:
.L_overlay_start_1:
0x0: {  	(tag) =	ssettag $0x1  }
0x1: {  	s6 =	rddreg [dreg:$0x0]  }
0x2: {  	s1 =	rddreg [dreg:$0x1]  }
0x3: {  	s2 =	rddreg [dreg:$0x2];
	s3 =	simm.s32 $0x0;
	s4 =	srdreg.scid  }
0x4: {  	s18 =	simm.s32 $0x7;
	s19 =	simm.s32 $0x80;
	s20 =	simm.s32 $0x400  }
0x5: {  	s21 =	simm.s32 $0x300;
	s23 =	simm.s32 $0x0;
	[smem:$0x7FF] =	sst s3  }
0x6: {  	s12 =	sand.u32 $0x1, s4;
	s5 =	sadd.s32 $0x15C00, s6;
	s4 =	stileid.u32  }
0x7: {  	s13 =	sadd.s32 $0x2200, s6;
	_ =	strace $0x80000047;
	s7 =	smul.u32 $0x27100, s12  }
0x8: {  	s10 =	sshll.u32 s4, $0x1;
	s8 =	smul.u32 $0x4E000, s4;
	s30 =	ssub.s32 $0x2, s12  }
0x9: {  	s17 =	sshll.u32 s4, $0x6;
	s22 =	smul.u32 $0x2700, s4;
	s31 =	sshll.u32 s12, $0x5  }
0xa: {  	p0 =	seq.s32 s4, $0xF;
	s9 =	sshrl.u32 s30, $0x1;
	s11 =	sadd.s32 s7, s6  }
0xb: {  	s6 =	sor.u32 s12, s10;
	s8 =	sshrl.u32 s8, $0x2;
	s15 =	ssub.s32 s30, s9  }
0xc: {  	s9 =	ssub.s32 $0x9C4, s10;
	s10 =	ssub.s32 $0x9A4, s10;
	s14 =	sshll.u32 s6, $0x5  }
0xd: {  	s16 =	sadd.s32 s8, s2;
	s11 =	sadd.s32 $0x3CE00, s11;
	s12 =	smax.u32 s15, $0x1  }
0xe: {  	s15 =	sshll.u32 @!p0 s4, $0x6;
	s7 =	sadd.s32 s13, s14;
	s14 =	sadd.s32 $0x124800, s2  }
0xf: {  	s13 =	sadd.s32 s17, s13;
	s15 =	sor.u32 @!p0 $0x1C07, s15;
	s16 =	sshrl.u32 @!p0 s16, $0x3  }
0x10: {  	s17 =	simm.s32 $0x200;
	s22 =	sadd.s32 @!p0 s22, s11;
	s13 =	sadd.s32 s31, s13  }
0x11: {  	s8 =	sadd.s32 $0x400, s7;
	s14 =	sshrl.u32 @p0 s14, $0x3;
	s13 =	sadd.s32 $0xC00, s13  }
.LBB2_1:
0x12: {  	s24 =	simm.s32 @p0 $0x1FC7  }
0x13: {  	[spmem:s14], [sflag:s24] =	dma.local @p0 [hbm:s1], $0x2800  }
0x14: {  	s24 =	simm.s32 @p0 $0x7  }
0x15: {  	_ =	swait.ge @p0 [sflag:s24], $0x2800  }
0x16: {  	[sflag:s24] =	ssyncset.done @p0 $0x0  }
0x17: {  	[sflag:s24] =	ssyncadd.s32 @p0 $0xFFFFD800;
	s24 =	simm.s32 @!p0 $0x7  }
0x18: {  	[spmem:s16], [sflag:s15] =	dma.local @!p0 [hbm:s1], $0x2700  }
0x19: {  	_ =	swait.ge @!p0 [sflag:s24], $0x2700  }
0x1a: {  	[sflag:s24] =	ssyncset.done @!p0 $0x0  }
0x1b: {  	[sflag:s24] =	ssyncadd.s32 @!p0 $0xFFFFD900  }
0x1c: {  	[bflag:$0x0] =	sbarrier.arrive $0xFFFF  }
0x1d: {  	[tilespmem:s17], [sflag:$0x7] =	stream.linear.gather [hbm4b:s7+s3], $0x100, $0x38;
	[tilespmem:$0x1BC80] =	vst v63  }
0x1e: {  	_ =	swait.ge [sflag:s18], $0x100  }
0x1f: {  	[sflag:s18] =	ssyncset.done $0x0  }
0x20: {  	[sflag:s18] =	ssyncadd.s32 $0xFFFFFF00  }
0x21: {  	v0 =	vld [tilespmem:$0x200];
	_ =	sdelay $0x1  }
0x22: {  	v1 =	vld [tilespmem:$0x210];
	_ =	sdelay $0x1  }
0x23: {  	v2 =	vld [tilespmem:$0x220]  }
0x24: {  	v3 =	vand.u32 $0xFFFF, v0  }
0x25: {  	v45 =	vld [tilespmem:$0x230];
	v0 =	vshra.s32 v0, $0x10;
	[tilespmem:$0x0] =	vst v3  }
0x26: {  	v46 =	vand.u32 $0xFFFF, v1;
	[tilespmem:$0x100] =	vst v0  }
0x27: {  	v48 =	vld [tilespmem:$0x240];
	v47 =	vshra.s32 v1, $0x10;
	[tilespmem:$0x10] =	vst v46  }
0x28: {  	v49 =	vand.u32 $0xFFFF, v2;
	[tilespmem:$0x110] =	vst v47  }
0x29: {  	v51 =	vld [tilespmem:$0x250];
	v50 =	vshra.s32 v2, $0x10;
	[tilespmem:$0x20] =	vst v49  }
0x2a: {  	v52 =	vand.u32 $0xFFFF, v45;
	[tilespmem:$0x120] =	vst v50  }
0x2b: {  	v54 =	vld [tilespmem:$0x260];
	v53 =	vshra.s32 v45, $0x10;
	[tilespmem:$0x30] =	vst v52  }
0x2c: {  	v55 =	vand.u32 $0xFFFF, v48;
	[tilespmem:$0x130] =	vst v53  }
0x2d: {  	v57 =	vld [tilespmem:$0x270];
	v56 =	vshra.s32 v48, $0x10;
	[tilespmem:$0x40] =	vst v55  }
0x2e: {  	v58 =	vand.u32 $0xFFFF, v51;
	[tilespmem:$0x140] =	vst v56  }
0x2f: {  	v59 =	vshra.s32 v51, $0x10;
	[tilespmem:$0x50] =	vst v58  }
0x30: {  	v60 =	vand.u32 $0xFFFF, v54;
	[tilespmem:$0x150] =	vst v59  }
0x31: {  	v61 =	vshra.s32 v54, $0x10;
	[tilespmem:$0x60] =	vst v60  }
0x32: {  	v62 =	vand.u32 $0xFFFF, v57;
	[tilespmem:$0x160] =	vst v61  }
0x33: {  	v63 =	vshra.s32 v57, $0x10;
	[tilespmem:$0x70] =	vst v62  }
0x34: {  	[tilespmem:$0x170] =	vst v63  }
0x35: {  	[tilespmem:s20], [sflag:$0x3] =	stream.indirect.gather [hbm4b:s5+s19], $0x80, s3, s19, $0xb8;
	[tilespmem:$0x1BC80] =	vst v63  }
0x36: {  	s25 =	simm.s32 $0x0;
	s24 =	smov.u32 s13  }
0x37: {  	[tilespmem:s21], [sflag:$0x2] =	stream.linear.gather [hbm4b:s8+s3], $0x100, $0x38;
	[tilespmem:$0x1BC80] =	vst v63  }
.LBB2_2:
0x38: {  	p2 =	seq.s32 s25, $0x0  }
0x39: {  	s26 =	simm.s32 @!p2 $0x6  }
0x3a: {  	_ =	swait.ge @!p2 [sflag:s26], $0x4000  }
0x3b: {  	p1 =	sge.u32 s25, s10;
	[sflag:s26] =	ssyncset.done @!p2 $0x0  }
0x3c: {  	[sflag:s26] =	ssyncadd.s32 @!p2 $0xFFFFC000;
	s26 =	simm.s32 @!p1 $0x2  }
0x3d: {  	_ =	swait.ge @!p1 [sflag:s26], $0x100  }
0x3e: {  	[sflag:s26] =	ssyncset.done @!p1 $0x0  }
0x3f: {  	[sflag:s26] =	ssyncadd.s32 @!p1 $0xFFFFFF00  }
0x40: {  	v0 =	vld @!p1 [tilespmem:$0x300];
	_ =	sdelay $0x1  }
0x41: {  	v1 =	vld @!p1 [tilespmem:$0x310];
	_ =	sdelay $0x1  }
0x42: {  	v2 =	vld @!p1 [tilespmem:$0x320]  }
0x43: {  	v3 =	vand.u32 @!p1 $0xFFFF, v0  }
0x44: {  	v0 =	vshra.s32 @!p1 v0, $0x10;
	[tilespmem:$0x80] =	vst @!p1 v3;
	v3 =	vld @!p1 [tilespmem:$0x330]  }
0x45: {  	[tilespmem:$0x180] =	vst @!p1 v0;
	v0 =	vand.u32 @!p1 $0xFFFF, v1  }
0x46: {  	[tilespmem:$0x90] =	vst @!p1 v0;
	v0 =	vshra.s32 @!p1 v1, $0x10;
	v1 =	vld @!p1 [tilespmem:$0x340]  }
0x47: {  	[tilespmem:$0x190] =	vst @!p1 v0;
	v0 =	vand.u32 @!p1 $0xFFFF, v2  }
0x48: {  	[tilespmem:$0xA0] =	vst @!p1 v0;
	v0 =	vshra.s32 @!p1 v2, $0x10;
	v2 =	vld @!p1 [tilespmem:$0x350]  }
0x49: {  	[tilespmem:$0x1A0] =	vst @!p1 v0;
	v0 =	vand.u32 @!p1 $0xFFFF, v3  }
0x4a: {  	[tilespmem:$0xB0] =	vst @!p1 v0;
	v0 =	vshra.s32 @!p1 v3, $0x10;
	v3 =	vld @!p1 [tilespmem:$0x360]  }
0x4b: {  	[tilespmem:$0x1B0] =	vst @!p1 v0;
	v0 =	vand.u32 @!p1 $0xFFFF, v1  }
0x4c: {  	[tilespmem:$0xC0] =	vst @!p1 v0;
	v0 =	vshra.s32 @!p1 v1, $0x10;
	v1 =	vld @!p1 [tilespmem:$0x370]  }
0x4d: {  	[tilespmem:$0x1C0] =	vst @!p1 v0;
	v0 =	vand.u32 @!p1 $0xFFFF, v2  }
0x4e: {  	[tilespmem:$0xD0] =	vst @!p1 v0;
	v0 =	vshra.s32 @!p1 v2, $0x10  }
0x4f: {  	[tilespmem:$0x1D0] =	vst @!p1 v0;
	v0 =	vand.u32 @!p1 $0xFFFF, v3  }
0x50: {  	[tilespmem:$0xE0] =	vst @!p1 v0;
	v0 =	vshra.s32 @!p1 v3, $0x10  }
0x51: {  	[tilespmem:$0x1E0] =	vst @!p1 v0;
	v0 =	vand.u32 @!p1 $0xFFFF, v1  }
0x52: {  	p3 =	sge.u32 s25, s9;
	[tilespmem:$0xF0] =	vst @!p1 v0;
	v0 =	vshra.s32 @!p1 v1, $0x10  }
0x53: {  	s28 =	simm.s32 @!p1 $0x4400;
	s29 =	simm.s32 @!p3 $0x3;
	s26 =	simm.s32 @!p1 $0x80;
	[tilespmem:$0x1F0] =	vst @!p1 v0  }
0x54: {  	[tilespmem:s28], [sflag:$0x4] =	stream.indirect.gather @!p1 [hbm4b:s5+s26], $0x80, s26, s26, $0xb8;
	[tilespmem:$0x1BC80] =	vst v63  }
0x55: {  	_ =	swait.ge @!p3 [sflag:s29], $0x4000  }
0x56: {  	s30 =	simm.s32 @!p3 $0x100;
	[sflag:s29] =	ssyncset.done @!p3 $0x0  }
0x57: {  	s31 =	simm.s32 @!p3 $0x400;
	[sflag:s29] =	ssyncadd.s32 @!p3 $0xFFFFC000;
	s29 =	simm.s32 @!p3 $0x80  }
0x58: {  	[spmem:s2] =	stream.indirect.scatter.add.f32 @!p3 [tilespmem:s31], [sflag:$0x5], $0x80, s30, s29, $0xb8;
	[tilespmem:$0x1BC80] =	vst v63  }
0x59: {  	s29 =	sadd.s32 s25, s6  }
0x5a: {  	s0 =	sadd.s32 $0x40, s29  }
0x5b: {  	p2 =	sgt.u32 s0, $0x9C3  }
0x5c: {  	s30 =	sadd.s32 @!p2 $0xFFFFFC00, s24;
	s31 =	simm.s32 @!p2 $0x0;
	s0 =	simm.s32 @!p2 $0x200  }
0x5d: {  	[tilespmem:s0], [sflag:$0x1] =	stream.linear.gather @!p2 [hbm4b:s30+s31], $0x100, $0x38;
	[tilespmem:$0x1BC80] =	vst v63  }
0x5e: {  	s0 =	simm.s32 @!p3 $0x5  }
0x5f: {  	_ =	swait.ge @!p3 [sflag:s0], $0x4000  }
0x60: {  	[sflag:s0] =	ssyncset.done @!p3 $0x0  }
0x61: {  	[sflag:s0] =	ssyncadd.s32 @!p3 $0xFFFFC000;
	s0 =	simm.s32 @!p2 $0x1  }
0x62: {  	_ =	swait.ge @!p2 [sflag:s0], $0x100  }
0x63: {  	[sflag:s0] =	ssyncset.done @!p2 $0x0  }
0x64: {  	[sflag:s0] =	ssyncadd.s32 @!p2 $0xFFFFFF00  }
0x65: {  	v0 =	vld @!p2 [tilespmem:$0x200];
	_ =	sdelay $0x1  }
0x66: {  	v1 =	vld @!p2 [tilespmem:$0x210];
	_ =	sdelay $0x1  }
0x67: {  	v2 =	vld @!p2 [tilespmem:$0x220]  }
0x68: {  	v3 =	vand.u32 @!p2 $0xFFFF, v0  }
0x69: {  	v0 =	vshra.s32 @!p2 v0, $0x10;
	[tilespmem:$0x0] =	vst @!p2 v3;
	v3 =	vld @!p2 [tilespmem:$0x230]  }
0x6a: {  	[tilespmem:$0x100] =	vst @!p2 v0;
	v0 =	vand.u32 @!p2 $0xFFFF, v1  }
0x6b: {  	[tilespmem:$0x10] =	vst @!p2 v0;
	v0 =	vshra.s32 @!p2 v1, $0x10;
	v1 =	vld @!p2 [tilespmem:$0x240]  }
0x6c: {  	[tilespmem:$0x110] =	vst @!p2 v0;
	v0 =	vand.u32 @!p2 $0xFFFF, v2  }
0x6d: {  	[tilespmem:$0x20] =	vst @!p2 v0;
	v0 =	vshra.s32 @!p2 v2, $0x10;
	v2 =	vld @!p2 [tilespmem:$0x250]  }
0x6e: {  	[tilespmem:$0x120] =	vst @!p2 v0;
	v0 =	vand.u32 @!p2 $0xFFFF, v3  }
0x6f: {  	[tilespmem:$0x30] =	vst @!p2 v0;
	v0 =	vshra.s32 @!p2 v3, $0x10;
	v3 =	vld @!p2 [tilespmem:$0x260]  }
0x70: {  	[tilespmem:$0x130] =	vst @!p2 v0;
	v0 =	vand.u32 @!p2 $0xFFFF, v1  }
0x71: {  	[tilespmem:$0x40] =	vst @!p2 v0;
	v0 =	vshra.s32 @!p2 v1, $0x10;
	v1 =	vld @!p2 [tilespmem:$0x270]  }
0x72: {  	[tilespmem:$0x140] =	vst @!p2 v0;
	v0 =	vand.u32 @!p2 $0xFFFF, v2  }
0x73: {  	[tilespmem:$0x50] =	vst @!p2 v0;
	v0 =	vshra.s32 @!p2 v2, $0x10  }
0x74: {  	[tilespmem:$0x150] =	vst @!p2 v0;
	v0 =	vand.u32 @!p2 $0xFFFF, v3  }
0x75: {  	[tilespmem:$0x60] =	vst @!p2 v0;
	v0 =	vshra.s32 @!p2 v3, $0x10  }
0x76: {  	[tilespmem:$0x160] =	vst @!p2 v0;
	v0 =	vand.u32 @!p2 $0xFFFF, v1  }
0x77: {  	[tilespmem:$0x70] =	vst @!p2 v0;
	v0 =	vshra.s32 @!p2 v1, $0x10  }
0x78: {  	s30 =	simm.s32 @!p2 $0x400;
	s0 =	simm.s32 @!p2 $0x80;
	[tilespmem:$0x170] =	vst @!p2 v0  }
0x79: {  	[tilespmem:s30], [sflag:$0x3] =	stream.indirect.gather @!p2 [hbm4b:s5+s0], $0x80, s31, s0, $0xb8;
	[tilespmem:$0x1BC80] =	vst v63  }
0x7a: {  	s0 =	simm.s32 @!p1 $0x4  }
0x7b: {  	_ =	swait.ge @!p1 [sflag:s0], $0x4000  }
0x7c: {  	[sflag:s0] =	ssyncset.done @!p1 $0x0  }
0x7d: {  	s31 =	sadd.s32 $0x60, s29;
	[sflag:s0] =	ssyncadd.s32 @!p1 $0xFFFFC000;
	s0 =	simm.s32 @!p1 $0x180  }
0x7e: {  	[spmem:s2] =	stream.indirect.scatter.add.f32 @!p1 [tilespmem:s28], [sflag:$0x6], $0x80, s0, s26, $0xb8;
	[tilespmem:$0x1BC80] =	vst v63  }
0x7f: {  	p1 =	sgt.u32 s31, $0x9C3  }
0x80: {  	s25 =	sadd.s32 $0x40, s25;
	s0 =	simm.s32 @!p1 $0x0;
	s26 =	simm.s32 @!p1 $0x300  }
0x81: {  	[tilespmem:s26], [sflag:$0x2] =	stream.linear.gather @!p1 [hbm4b:s24+s0], $0x100, $0x38;
	[tilespmem:$0x1BC80] =	vst v63  }
0x82: {  	p1 =	sne.s32 s25, $0xA00  }
.Ltmp0:
0x83: {  	_ = 	snop;
	(pc) =	sbr.rel @p1 .LBB2_2-.Ltmp0, $2  }
0x84: {  	_ =	sdelay $0x2  }
0x85: {  	s24 =	sadd.s32 $0x800, s24  }
0x86: {  	[bflag:$0x0] =	sbarrier.arrive $0xFFFF;
	s0 =	sadd.s32 @p0 $0x24900, s11;
	s24 =	simm.s32 @p0 $0x1FC7  }
0x87: {  	[hbm:s0], [sflag:s24] =	dma.local @p0 [spmem:s14], $0x2800  }
0x88: {  	s0 =	simm.s32 @p0 $0x7  }
0x89: {  	s23 =	sadd.s32 $0x1, s23;
	_ =	swait.ge @p0 [sflag:s0], $0x2800  }
0x8a: {  	p1 =	sne.s32 s23, s12;
	[sflag:s0] =	ssyncset.done @p0 $0x0  }
.Ltmp1:
0x8b: {  	[sflag:s0] =	ssyncadd.s32 @p0 $0xFFFFD800;
	s0 =	simm.s32 @!p0 $0x7;
	(pc) =	sbr.rel @p1 .LBB2_1-.Ltmp1, $4  }
0x8c: {  	[hbm:s22], [sflag:s15] =	dma.local @!p0 [spmem:s16], $0x2700  }
0x8d: {  	_ =	swait.ge @!p0 [sflag:s0], $0x2700  }
0x8e: {  	[sflag:s0] =	ssyncset.done @!p0 $0x0  }
0x8f: {  	[sflag:s0] =	ssyncadd.s32 @!p0 $0xFFFFD900  }
0x90: {  	_ =	sfence.sel $0x180000  }
0x91: {  	[bflag:$0x0] =	sbarrier.arrive $0xFFFF  }
0x92: {  	_ =	strace $0x90000047  }
0x93: {  	[bflag:$0x2] =	sbarrier.arrive $0xFFFF  }
0x94: {  	p0 =	sne.s32 s4, $0x0;
	s0 =	rddreg [dreg:$0x3]  }
0x95: {  	s0 =	sadd.s32 @!p0 $0x100000, s0  }
0x96: {  	[sflag:s0] =	ssyncadd.tile.s32 @!p0 $0x1;
	_ =	shalt  }
.Lfunc_end2:
_tile_overlayer_lowered:
.L_overlay_start_2:
0x97: {  	(tag) =	ssettag $0x2  }
0x98: {  	s0 =	rddreg [dreg:$0x0];
	s2 =	stileid.u32  }
0x99: {  	s1 =	rddreg [dreg:$0x1];
	p0 =	sne.s32 s2, $0x0  }
0x9a: {  	s3 =	rddreg [dreg:$0x2];
	[bflag:$0x3] =	sbarrier.arrive $0xFFFF;
	s2 =	simm.s32 @!p0 $0x1C07  }
0x9b: {  	[timem:s3], [sflag:s2] =	dma.local @!p0 [hbm:s0], s1  }
0x9c: {  	s0 =	simm.s32 @!p0 $0x7  }
0x9d: {  	_ =	swait.ge @!p0 [sflag:s0], s1  }
0x9e: {  	s1 =	ssub.s32 @!p0 $0x0, s1;
	[sflag:s0] =	ssyncset.done @!p0 $0x0  }
0x9f: {  	[sflag:s0] =	ssyncadd.s32 @!p0 s1  }
0xa0: {  	[bflag:$0x3] =	sbarrier.arrive $0xFFFF  }
0xa1: {  	_ =	shalt  }

</sc_bundles>
